<compile_context>
chip_gen: v7x
topology: tpu7x:2x2x1
jax: 0.10.2.dev20260603
libtpu: 0.0.44.dev20260713+nightly
codegen_flags: <defaults>
</compile_context>

<pallas_src>
import functools

import jax
import jax.numpy as jnp
from jax import lax
from jax.experimental import pallas as pl
from jax.experimental.pallas import tpu as pltpu
from jax.experimental.pallas import tpu_sc as plsc

BATCH = 16384
EMBED_K = 32
LANES = 16
NUM_WORKERS = 32
ROWS_PER_W = BATCH // NUM_WORKERS
GROUPS = ROWS_PER_W // LANES


def _sc_body(uidx_hbm, iidx_hbm, w_hbm, h_hbm, out_hbm,
             idx_u, idx_i, rows, out_v, sem):
    nc = 2
    wid = lax.axis_index("s") * nc + lax.axis_index("c")
    base = wid * ROWS_PER_W

    pltpu.sync_copy(uidx_hbm.at[pl.ds(base, ROWS_PER_W)], idx_u)
    pltpu.sync_copy(iidx_hbm.at[pl.ds(base, ROWS_PER_W)], idx_i)

    def fire_step(t):
        vu = idx_u[pl.ds(t * LANES, LANES)]
        vi = idx_i[pl.ds(t * LANES, LANES)]
        for k in range(LANES):
            j = t * LANES + k
            pltpu.async_copy(
                w_hbm.at[vu[k]], rows.at[j, pl.ds(0, EMBED_K)], sem)
            pltpu.async_copy(
                h_hbm.at[vi[k]], rows.at[j, pl.ds(EMBED_K, EMBED_K)], sem)

    def drain_step():
        for _ in range(2 * LANES):
            pltpu.make_async_copy(
                w_hbm.at[0], rows.at[0, pl.ds(0, EMBED_K)], sem).wait()

    nsteps = ROWS_PER_W // LANES

    def fire_all(t, c):
        fire_step(t)
        return c
    lax.fori_loop(0, nsteps, fire_all, 0)

    def final_drain(t, c):
        drain_step()
        return c
    lax.fori_loop(0, nsteps, final_drain, 0)

    lane = lax.iota(jnp.int32, LANES)

    def group_body(g, c):
        acc = jnp.zeros((LANES,), jnp.float32)
        for rr in range(LANES):
            r = g * LANES + rr
            u0 = rows[r, pl.ds(0, LANES)]
            u1 = rows[r, pl.ds(LANES, LANES)]
            v0 = rows[r, pl.ds(EMBED_K, LANES)]
            v1 = rows[r, pl.ds(EMBED_K + LANES, LANES)]
            s = jnp.sum(u0 * v0 + u1 * v1)
            acc = jnp.where(lane == rr, s, acc)
        out_v[pl.ds(g * LANES, LANES)] = acc
        return c

    lax.fori_loop(0, GROUPS, group_body, 0)

    pltpu.sync_copy(out_v, out_hbm.at[pl.ds(base, ROWS_PER_W)])


@jax.jit
def kernel(x, W, H):
    uidx = x[:, 0].astype(jnp.int32)
    iidx = x[:, 1].astype(jnp.int32)

    mesh = plsc.VectorSubcoreMesh(core_axis_name="c", subcore_axis_name="s")
    run = functools.partial(
        pl.kernel,
        out_type=jax.ShapeDtypeStruct((BATCH,), jnp.float32),
        mesh=mesh,
        compiler_params=pltpu.CompilerParams(
            needs_layout_passes=False, use_tc_tiling_on_sc=True),
        scratch_types=[
            pltpu.VMEM((ROWS_PER_W,), jnp.int32),
            pltpu.VMEM((ROWS_PER_W,), jnp.int32),
            pltpu.VMEM((ROWS_PER_W, 4 * EMBED_K), jnp.float32),
            pltpu.VMEM((ROWS_PER_W,), jnp.float32),
            pltpu.SemaphoreType.DMA,
        ],
    )(_sc_body)
    return run(uidx, iidx, W, H)

# --- scband reference (transcript-rebuilt; emitter-appended) ---
"""Pipeline reference for scband-mf-dr-24343874634132 (READ-ONLY COPY).

The authoritative reference and input builder live on the scoring server;
editing this copy changes nothing except your own understanding.
"""

import jax, jax.numpy as jnp
import numpy as np

NUM_USERS = 1000000
NUM_ITEMS = 1000000
EMBED_K = 32
BATCH = 16384

def setup_inputs(seed: int = 0) -> dict:
    key = jax.random.key(seed)
    k1, k2, k3 = jax.random.split(key, 3)
    x = jax.random.randint(k1, (BATCH, 2), 0, NUM_USERS, dtype=jnp.int64) if jax.config.jax_enable_x64 else jax.random.randint(k1, (BATCH, 2), 0, NUM_USERS, dtype=jnp.int32)
    W = jax.random.normal(k2, (NUM_USERS, EMBED_K), dtype=jnp.float32)
    H = jax.random.normal(k3, (NUM_ITEMS, EMBED_K), dtype=jnp.float32)
    return {"x": x, "W": W, "H": H}

def reference(x, W, H):
    user_idx = x[:, 0]
    item_idx = x[:, 1]
    U_emb = jnp.take(W, user_idx, axis=0)
    V_emb = jnp.take(H, item_idx, axis=0)
    out = jnp.sum(U_emb * V_emb, axis=1)
    return out

if __name__ == "__main__":
    import jax
    _d = setup_inputs()
    print(jax.jit(kernel)(*tuple(_d.values())))

</pallas_src>

<mosaic_0001>
#map = affine_map<(d0, d1) -> (0)>
#map1 = affine_map<(d0, d1) -> (0, 0)>
module attributes {stable_mosaic.version = 14 : i64} {
  func.func @_sc_body(%arg0: i32, %arg1: i32, %arg2: memref<16384xi32, #tpu.memory_space<hbm>>, %arg3: memref<16384xi32, #tpu.memory_space<hbm>>, %arg4: memref<1000000x32xf32, #tpu.memory_space<hbm>>, %arg5: memref<1000000x32xf32, #tpu.memory_space<hbm>>, %arg6: memref<16384xf32, #tpu.memory_space<hbm>>, %arg7: memref<512xi32, #tpu.memory_space<vmem>>, %arg8: memref<512xi32, #tpu.memory_space<vmem>>, %arg9: memref<512x128xf32, #tpu.memory_space<vmem>>, %arg10: memref<512xf32, #tpu.memory_space<vmem>>, %arg11: memref<!tpu.dma_semaphore, #tpu.memory_space<semaphore_mem>>) attributes {dimension_semantics = [#tpu.dimension_semantics<core_parallel>, #tpu.dimension_semantics<subcore_parallel>], iteration_bounds = array<i64: 2, 16>, scalar_prefetch = 0 : i64, scratch_operands = 5 : i64, tpu.core_type = #tpu.core_type<sc_vector_subcore>, window_params = [{transform_indices = #map}, {transform_indices = #map}, {transform_indices = #map1}, {transform_indices = #map1}, {transform_indices = #map}]} {
    %mul3A = arith.constant 2 : i32
    %mul3A_0 = arith.muli %arg1, %mul3A : i32
    %add3A = arith.addi %mul3A_0, %arg0 : i32
    %mul3A_1 = arith.constant 512 : i32
    %mul3A_2 = arith.muli %add3A, %mul3A_1 : i32
    "tpu.region"() ({
      %run_scoped3A = tpu.sem_alloc : memref<!tpu.dma_semaphore, #tpu.memory_space<semaphore_mem>>
      %dma_start3A = tpu.memref_slice %arg2[%mul3A_2] : memref<16384xi32, #tpu.memory_space<hbm>> -> memref<512xi32, #tpu.memory_space<hbm>>
      %dma_start3A_20 = tpu.memref_slice %arg2[%mul3A_2] : memref<16384xi32, #tpu.memory_space<hbm>> -> memref<512xi32, #tpu.memory_space<hbm>>
      tpu.enqueue_dma source(%dma_start3A_20 : memref<512xi32, #tpu.memory_space<hbm>>) target(%arg7 : memref<512xi32, #tpu.memory_space<vmem>>) target_semaphore(%run_scoped3A : memref<!tpu.dma_semaphore, #tpu.memory_space<semaphore_mem>>)
      %dma_wait3A = tpu.memref_slice %arg2[%mul3A_2] : memref<16384xi32, #tpu.memory_space<hbm>> -> memref<512xi32, #tpu.memory_space<hbm>>
      %dma_wait3A_21 = tpu.memref_slice %arg2[%mul3A_2] : memref<16384xi32, #tpu.memory_space<hbm>> -> memref<512xi32, #tpu.memory_space<hbm>>
      tpu.wait_dma2 semaphore(%run_scoped3A : memref<!tpu.dma_semaphore, #tpu.memory_space<semaphore_mem>>) src(%dma_wait3A_21 : memref<512xi32, #tpu.memory_space<hbm>>) dst(%arg7 : memref<512xi32, #tpu.memory_space<vmem>>)
      tpu.yield
    }) : () -> ()
    "tpu.region"() ({
      %run_scoped3A = tpu.sem_alloc : memref<!tpu.dma_semaphore, #tpu.memory_space<semaphore_mem>>
      %dma_start3A = tpu.memref_slice %arg3[%mul3A_2] : memref<16384xi32, #tpu.memory_space<hbm>> -> memref<512xi32, #tpu.memory_space<hbm>>
      %dma_start3A_20 = tpu.memref_slice %arg3[%mul3A_2] : memref<16384xi32, #tpu.memory_space<hbm>> -> memref<512xi32, #tpu.memory_space<hbm>>
      tpu.enqueue_dma source(%dma_start3A_20 : memref<512xi32, #tpu.memory_space<hbm>>) target(%arg8 : memref<512xi32, #tpu.memory_space<vmem>>) target_semaphore(%run_scoped3A : memref<!tpu.dma_semaphore, #tpu.memory_space<semaphore_mem>>)
      %dma_wait3A = tpu.memref_slice %arg3[%mul3A_2] : memref<16384xi32, #tpu.memory_space<hbm>> -> memref<512xi32, #tpu.memory_space<hbm>>
      %dma_wait3A_21 = tpu.memref_slice %arg3[%mul3A_2] : memref<16384xi32, #tpu.memory_space<hbm>> -> memref<512xi32, #tpu.memory_space<hbm>>
      tpu.wait_dma2 semaphore(%run_scoped3A : memref<!tpu.dma_semaphore, #tpu.memory_space<semaphore_mem>>) src(%dma_wait3A_21 : memref<512xi32, #tpu.memory_space<hbm>>) dst(%arg8 : memref<512xi32, #tpu.memory_space<vmem>>)
      tpu.yield
    }) : () -> ()
    %scan3A = arith.constant 0 : i32
    %scan3A_3 = arith.constant 0 : i32
    %scan3A_4 = arith.constant 32 : i32
    %scan3A_5 = arith.addi %scan3A_3, %scan3A_4 : i32
    %scan3A_6 = arith.constant 1 : i32
    scf.for %scan3A_20 = %scan3A_3 to %scan3A_5 step %scan3A_6  : i32 {
      %mul3A_21 = arith.constant 16 : i32
      %mul3A_22 = arith.muli %scan3A_20, %mul3A_21 : i32
      %get3A = arith.index_cast %mul3A_22 : i32 to index
      %get3A_23 = tpu.vector_load %arg7[%get3A] {strides = array<i32>} : memref<512xi32, #tpu.memory_space<vmem>>, vector<16xi32>,
      %mul3A_24 = arith.constant 16 : i32
      %mul3A_25 = arith.muli %scan3A_20, %mul3A_24 : i32
      %get3A_26 = arith.index_cast %mul3A_25 : i32 to index
      %get3A_27 = tpu.vector_load %arg8[%get3A_26] {strides = array<i32>} : memref<512xi32, #tpu.memory_space<vmem>>, vector<16xi32>,
      %mul3A_28 = arith.constant 16 : i32
      %mul3A_29 = arith.muli %scan3A_20, %mul3A_28 : i32
      %add3A_30 = arith.constant 0 : i32
      %add3A_31 = arith.addi %mul3A_29, %add3A_30 : i32
      %slice3A = vector.extract_strided_slice %get3A_23 {offsets = [0], sizes = [1], strides = [1]} : vector<16xi32> to vector<1xi32>
      %squeeze3A = vector.extract %slice3A[0] : i32 from vector<1xi32>
      %dma_start3A = arith.constant 0 : i32
      %dma_start3A_32 = tpu.memref_slice %arg9[%add3A_31, %dma_start3A] : memref<512x128xf32, #tpu.memory_space<vmem>> -> memref<1x32xf32, #tpu.memory_space<vmem>>
      %dma_start3A_33 = tpu.memref_squeeze %dma_start3A_32 : memref<1x32xf32, #tpu.memory_space<vmem>> -> memref<32xf32, #tpu.memory_space<vmem>>
      %dma_start3A_34 = arith.constant 0 : i32
      %dma_start3A_35 = tpu.memref_slice %arg4[%squeeze3A, %dma_start3A_34] : memref<1000000x32xf32, #tpu.memory_space<hbm>> -> memref<1x32xf32, #tpu.memory_space<hbm>>
      %dma_start3A_36 = tpu.memref_squeeze %dma_start3A_35 : memref<1x32xf32, #tpu.memory_space<hbm>> -> memref<32xf32, #tpu.memory_space<hbm>>
      %dma_start3A_37 = arith.constant 0 : i32
      %dma_start3A_38 = tpu.memref_slice %arg9[%add3A_31, %dma_start3A_37] : memref<512x128xf32, #tpu.memory_space<vmem>> -> memref<1x32xf32, #tpu.memory_space<vmem>>
      %dma_start3A_39 = tpu.memref_squeeze %dma_start3A_38 : memref<1x32xf32, #tpu.memory_space<vmem>> -> memref<32xf32, #tpu.memory_space<vmem>>
      %dma_start3A_40 = arith.constant 0 : i32
      %dma_start3A_41 = tpu.memref_slice %arg4[%squeeze3A, %dma_start3A_40] : memref<1000000x32xf32, #tpu.memory_space<hbm>> -> memref<1x32xf32, #tpu.memory_space<hbm>>
      %dma_start3A_42 = tpu.memref_squeeze %dma_start3A_41 : memref<1x32xf32, #tpu.memory_space<hbm>> -> memref<32xf32, #tpu.memory_space<hbm>>
      tpu.enqueue_dma source(%dma_start3A_42 : memref<32xf32, #tpu.memory_space<hbm>>) target(%dma_start3A_39 : memref<32xf32, #tpu.memory_space<vmem>>) target_semaphore(%arg11 : memref<!tpu.dma_semaphore, #tpu.memory_space<semaphore_mem>>)
      %slice3A_43 = vector.extract_strided_slice %get3A_27 {offsets = [0], sizes = [1], strides = [1]} : vector<16xi32> to vector<1xi32>
      %squeeze3A_44 = vector.extract %slice3A_43[0] : i32 from vector<1xi32>
      %dma_start3A_45 = arith.constant 32 : i32
      %dma_start3A_46 = tpu.memref_slice %arg9[%add3A_31, %dma_start3A_45] : memref<512x128xf32, #tpu.memory_space<vmem>> -> memref<1x32xf32, #tpu.memory_space<vmem>>
      %dma_start3A_47 = tpu.memref_squeeze %dma_start3A_46 : memref<1x32xf32, #tpu.memory_space<vmem>> -> memref<32xf32, #tpu.memory_space<vmem>>
      %dma_start3A_48 = arith.constant 0 : i32
      %dma_start3A_49 = tpu.memref_slice %arg5[%squeeze3A_44, %dma_start3A_48] : memref<1000000x32xf32, #tpu.memory_space<hbm>> -> memref<1x32xf32, #tpu.memory_space<hbm>>
      %dma_start3A_50 = tpu.memref_squeeze %dma_start3A_49 : memref<1x32xf32, #tpu.memory_space<hbm>> -> memref<32xf32, #tpu.memory_space<hbm>>
      %dma_start3A_51 = arith.constant 32 : i32
      %dma_start3A_52 = tpu.memref_slice %arg9[%add3A_31, %dma_start3A_51] : memref<512x128xf32, #tpu.memory_space<vmem>> -> memref<1x32xf32, #tpu.memory_space<vmem>>
      %dma_start3A_53 = tpu.memref_squeeze %dma_start3A_52 : memref<1x32xf32, #tpu.memory_space<vmem>> -> memref<32xf32, #tpu.memory_space<vmem>>
      %dma_start3A_54 = arith.constant 0 : i32
      %dma_start3A_55 = tpu.memref_slice %arg5[%squeeze3A_44, %dma_start3A_54] : memref<1000000x32xf32, #tpu.memory_space<hbm>> -> memref<1x32xf32, #tpu.memory_space<hbm>>
      %dma_start3A_56 = tpu.memref_squeeze %dma_start3A_55 : memref<1x32xf32, #tpu.memory_space<hbm>> -> memref<32xf32, #tpu.memory_space<hbm>>
      tpu.enqueue_dma source(%dma_start3A_56 : memref<32xf32, #tpu.memory_space<hbm>>) target(%dma_start3A_53 : memref<32xf32, #tpu.memory_space<vmem>>) target_semaphore(%arg11 : memref<!tpu.dma_semaphore, #tpu.memory_space<semaphore_mem>>)
      %mul3A_57 = arith.constant 16 : i32
      %mul3A_58 = arith.muli %scan3A_20, %mul3A_57 : i32
      %add3A_59 = arith.constant 1 : i32
      %add3A_60 = arith.addi %mul3A_58, %add3A_59 : i32
      %slice3A_61 = vector.extract_strided_slice %get3A_23 {offsets = [1], sizes = [1], strides = [1]} : vector<16xi32> to vector<1xi32>
      %squeeze3A_62 = vector.extract %slice3A_61[0] : i32 from vector<1xi32>
      %dma_start3A_63 = arith.constant 0 : i32
      %dma_start3A_64 = tpu.memref_slice %arg9[%add3A_60, %dma_start3A_63] : memref<512x128xf32, #tpu.memory_space<vmem>> -> memref<1x32xf32, #tpu.memory_space<vmem>>
      %dma_start3A_65 = tpu.memref_squeeze %dma_start3A_64 : memref<1x32xf32, #tpu.memory_space<vmem>> -> memref<32xf32, #tpu.memory_space<vmem>>
      %dma_start3A_66 = arith.constant 0 : i32
      %dma_start3A_67 = tpu.memref_slice %arg4[%squeeze3A_62, %dma_start3A_66] : memref<1000000x32xf32, #tpu.memory_space<hbm>> -> memref<1x32xf32, #tpu.memory_space<hbm>>
      %dma_start3A_68 = tpu.memref_squeeze %dma_start3A_67 : memref<1x32xf32, #tpu.memory_space<hbm>> -> memref<32xf32, #tpu.memory_space<hbm>>
      %dma_start3A_69 = arith.constant 0 : i32
      %dma_start3A_70 = tpu.memref_slice %arg9[%add3A_60, %dma_start3A_69] : memref<512x128xf32, #tpu.memory_space<vmem>> -> memref<1x32xf32, #tpu.memory_space<vmem>>
      %dma_start3A_71 = tpu.memref_squeeze %dma_start3A_70 : memref<1x32xf32, #tpu.memory_space<vmem>> -> memref<32xf32, #tpu.memory_space<vmem>>
      %dma_start3A_72 = arith.constant 0 : i32
      %dma_start3A_73 = tpu.memref_slice %arg4[%squeeze3A_62, %dma_start3A_72] : memref<1000000x32xf32, #tpu.memory_space<hbm>> -> memref<1x32xf32, #tpu.memory_space<hbm>>
      %dma_start3A_74 = tpu.memref_squeeze %dma_start3A_73 : memref<1x32xf32, #tpu.memory_space<hbm>> -> memref<32xf32, #tpu.memory_space<hbm>>
      tpu.enqueue_dma source(%dma_start3A_74 : memref<32xf32, #tpu.memory_space<hbm>>) target(%dma_start3A_71 : memref<32xf32, #tpu.memory_space<vmem>>) target_semaphore(%arg11 : memref<!tpu.dma_semaphore, #tpu.memory_space<semaphore_mem>>)
      %slice3A_75 = vector.extract_strided_slice %get3A_27 {offsets = [1], sizes = [1], strides = [1]} : vector<16xi32> to vector<1xi32>
      %squeeze3A_76 = vector.extract %slice3A_75[0] : i32 from vector<1xi32>
      %dma_start3A_77 = arith.constant 32 : i32
      %dma_start3A_78 = tpu.memref_slice %arg9[%add3A_60, %dma_start3A_77] : memref<512x128xf32, #tpu.memory_space<vmem>> -> memref<1x32xf32, #tpu.memory_space<vmem>>
      %dma_start3A_79 = tpu.memref_squeeze %dma_start3A_78 : memref<1x32xf32, #tpu.memory_space<vmem>> -> memref<32xf32, #tpu.memory_space<vmem>>
      %dma_start3A_80 = arith.constant 0 : i32
      %dma_start3A_81 = tpu.memref_slice %arg5[%squeeze3A_76, %dma_start3A_80] : memref<1000000x32xf32, #tpu.memory_space<hbm>> -> memref<1x32xf32, #tpu.memory_space<hbm>>
      %dma_start3A_82 = tpu.memref_squeeze %dma_start3A_81 : memref<1x32xf32, #tpu.memory_space<hbm>> -> memref<32xf32, #tpu.memory_space<hbm>>
      %dma_start3A_83 = arith.constant 32 : i32
      %dma_start3A_84 = tpu.memref_slice %arg9[%add3A_60, %dma_start3A_83] : memref<512x128xf32, #tpu.memory_space<vmem>> -> memref<1x32xf32, #tpu.memory_space<vmem>>
      %dma_start3A_85 = tpu.memref_squeeze %dma_start3A_84 : memref<1x32xf32, #tpu.memory_space<vmem>> -> memref<32xf32, #tpu.memory_space<vmem>>
      %dma_start3A_86 = arith.constant 0 : i32
      %dma_start3A_87 = tpu.memref_slice %arg5[%squeeze3A_76, %dma_start3A_86] : memref<1000000x32xf32, #tpu.memory_space<hbm>> -> memref<1x32xf32, #tpu.memory_space<hbm>>
      %dma_start3A_88 = tpu.memref_squeeze %dma_start3A_87 : memref<1x32xf32, #tpu.memory_space<hbm>> -> memref<32xf32, #tpu.memory_space<hbm>>
      tpu.enqueue_dma source(%dma_start3A_88 : memref<32xf32, #tpu.memory_space<hbm>>) target(%dma_start3A_85 : memref<32xf32, #tpu.memory_space<vmem>>) target_semaphore(%arg11 : memref<!tpu.dma_semaphore, #tpu.memory_space<semaphore_mem>>)
      %mul3A_89 = arith.constant 16 : i32
      %mul3A_90 = arith.muli %scan3A_20, %mul3A_89 : i32
      %add3A_91 = arith.constant 2 : i32
      %add3A_92 = arith.addi %mul3A_90, %add3A_91 : i32
      %slice3A_93 = vector.extract_strided_slice %get3A_23 {offsets = [2], sizes = [1], strides = [1]} : vector<16xi32> to vector<1xi32>
      %squeeze3A_94 = vector.extract %slice3A_93[0] : i32 from vector<1xi32>
      %dma_start3A_95 = arith.constant 0 : i32
      %dma_start3A_96 = tpu.memref_slice %arg9[%add3A_92, %dma_start3A_95] : memref<512x128xf32, #tpu.memory_space<vmem>> -> memref<1x32xf32, #tpu.memory_space<vmem>>
      %dma_start3A_97 = tpu.memref_squeeze %dma_start3A_96 : memref<1x32xf32, #tpu.memory_space<vmem>> -> memref<32xf32, #tpu.memory_space<vmem>>
      %dma_start3A_98 = arith.constant 0 : i32
      %dma_start3A_99 = tpu.memref_slice %arg4[%squeeze3A_94, %dma_start3A_98] : memref<1000000x32xf32, #tpu.memory_space<hbm>> -> memref<1x32xf32, #tpu.memory_space<hbm>>
      %dma_start3A_100 = tpu.memref_squeeze %dma_start3A_99 : memref<1x32xf32, #tpu.memory_space<hbm>> -> memref<32xf32, #tpu.memory_space<hbm>>
      %dma_start3A_101 = arith.constant 0 : i32
      %dma_start3A_102 = tpu.memref_slice %arg9[%add3A_92, %dma_start3A_101] : memref<512x128xf32, #tpu.memory_space<vmem>> -> memref<1x32xf32, #tpu.memory_space<vmem>>
      %dma_start3A_103 = tpu.memref_squeeze %dma_start3A_102 : memref<1x32xf32, #tpu.memory_space<vmem>> -> memref<32xf32, #tpu.memory_space<vmem>>
      %dma_start3A_104 = arith.constant 0 : i32
      %dma_start3A_105 = tpu.memref_slice %arg4[%squeeze3A_94, %dma_start3A_104] : memref<1000000x32xf32, #tpu.memory_space<hbm>> -> memref<1x32xf32, #tpu.memory_space<hbm>>
      %dma_start3A_106 = tpu.memref_squeeze %dma_start3A_105 : memref<1x32xf32, #tpu.memory_space<hbm>> -> memref<32xf32, #tpu.memory_space<hbm>>
      tpu.enqueue_dma source(%dma_start3A_106 : memref<32xf32, #tpu.memory_space<hbm>>) target(%dma_start3A_103 : memref<32xf32, #tpu.memory_space<vmem>>) target_semaphore(%arg11 : memref<!tpu.dma_semaphore, #tpu.memory_space<semaphore_mem>>)
      %slice3A_107 = vector.extract_strided_slice %get3A_27 {offsets = [2], sizes = [1], strides = [1]} : vector<16xi32> to vector<1xi32>
      %squeeze3A_108 = vector.extract %slice3A_107[0] : i32 from vector<1xi32>
      %dma_start3A_109 = arith.constant 32 : i32
      %dma_start3A_110 = tpu.memref_slice %arg9[%add3A_92, %dma_start3A_109] : memref<512x128xf32, #tpu.memory_space<vmem>> -> memref<1x32xf32, #tpu.memory_space<vmem>>
      %dma_start3A_111 = tpu.memref_squeeze %dma_start3A_110 : memref<1x32xf32, #tpu.memory_space<vmem>> -> memref<32xf32, #tpu.memory_space<vmem>>
      %dma_start3A_112 = arith.constant 0 : i32
      %dma_start3A_113 = tpu.memref_slice %arg5[%squeeze3A_108, %dma_start3A_112] : memref<1000000x32xf32, #tpu.memory_space<hbm>> -> memref<1x32xf32, #tpu.memory_space<hbm>>
      %dma_start3A_114 = tpu.memref_squeeze %dma_start3A_113 : memref<1x32xf32, #tpu.memory_space<hbm>> -> memref<32xf32, #tpu.memory_space<hbm>>
      %dma_start3A_115 = arith.constant 32 : i32
      %dma_start3A_116 = tpu.memref_slice %arg9[%add3A_92, %dma_start3A_115] : memref<512x128xf32, #tpu.memory_space<vmem>> -> memref<1x32xf32, #tpu.memory_space<vmem>>
      %dma_start3A_117 = tpu.memref_squeeze %dma_start3A_116 : memref<1x32xf32, #tpu.memory_space<vmem>> -> memref<32xf32, #tpu.memory_space<vmem>>
      %dma_start3A_118 = arith.constant 0 : i32
      %dma_start3A_119 = tpu.memref_slice %arg5[%squeeze3A_108, %dma_start3A_118] : memref<1000000x32xf32, #tpu.memory_space<hbm>> -> memref<1x32xf32, #tpu.memory_space<hbm>>
      %dma_start3A_120 = tpu.memref_squeeze %dma_start3A_119 : memref<1x32xf32, #tpu.memory_space<hbm>> -> memref<32xf32, #tpu.memory_space<hbm>>
      tpu.enqueue_dma source(%dma_start3A_120 : memref<32xf32, #tpu.memory_space<hbm>>) target(%dma_start3A_117 : memref<32xf32, #tpu.memory_space<vmem>>) target_semaphore(%arg11 : memref<!tpu.dma_semaphore, #tpu.memory_space<semaphore_mem>>)
      %mul3A_121 = arith.constant 16 : i32
      %mul3A_122 = arith.muli %scan3A_20, %mul3A_121 : i32
      %add3A_123 = arith.constant 3 : i32
      %add3A_124 = arith.addi %mul3A_122, %add3A_123 : i32
      %slice3A_125 = vector.extract_strided_slice %get3A_23 {offsets = [3], sizes = [1], strides = [1]} : vector<16xi32> to vector<1xi32>
      %squeeze3A_126 = vector.extract %slice3A_125[0] : i32 from vector<1xi32>
      %dma_start3A_127 = arith.constant 0 : i32
      %dma_start3A_128 = tpu.memref_slice %arg9[%add3A_124, %dma_start3A_127] : memref<512x128xf32, #tpu.memory_space<vmem>> -> memref<1x32xf32, #tpu.memory_space<vmem>>
      %dma_start3A_129 = tpu.memref_squeeze %dma_start3A_128 : memref<1x32xf32, #tpu.memory_space<vmem>> -> memref<32xf32, #tpu.memory_space<vmem>>
      %dma_start3A_130 = arith.constant 0 : i32
      %dma_start3A_131 = tpu.memref_slice %arg4[%squeeze3A_126, %dma_start3A_130] : memref<1000000x32xf32, #tpu.memory_space<hbm>> -> memref<1x32xf32, #tpu.memory_space<hbm>>
      %dma_start3A_132 = tpu.memref_squeeze %dma_start3A_131 : memref<1x32xf32, #tpu.memory_space<hbm>> -> memref<32xf32, #tpu.memory_space<hbm>>
      %dma_start3A_133 = arith.constant 0 : i32
      %dma_start3A_134 = tpu.memref_slice %arg9[%add3A_124, %dma_start3A_133] : memref<512x128xf32, #tpu.memory_space<vmem>> -> memref<1x32xf32, #tpu.memory_space<vmem>>
      %dma_start3A_135 = tpu.memref_squeeze %dma_start3A_134 : memref<1x32xf32, #tpu.memory_space<vmem>> -> memref<32xf32, #tpu.memory_space<vmem>>
      %dma_start3A_136 = arith.constant 0 : i32
      %dma_start3A_137 = tpu.memref_slice %arg4[%squeeze3A_126, %dma_start3A_136] : memref<1000000x32xf32, #tpu.memory_space<hbm>> -> memref<1x32xf32, #tpu.memory_space<hbm>>
      %dma_start3A_138 = tpu.memref_squeeze %dma_start3A_137 : memref<1x32xf32, #tpu.memory_space<hbm>> -> memref<32xf32, #tpu.memory_space<hbm>>
      tpu.enqueue_dma source(%dma_start3A_138 : memref<32xf32, #tpu.memory_space<hbm>>) target(%dma_start3A_135 : memref<32xf32, #tpu.memory_space<vmem>>) target_semaphore(%arg11 : memref<!tpu.dma_semaphore, #tpu.memory_space<semaphore_mem>>)
      %slice3A_139 = vector.extract_strided_slice %get3A_27 {offsets = [3], sizes = [1], strides = [1]} : vector<16xi32> to vector<1xi32>
      %squeeze3A_140 = vector.extract %slice3A_139[0] : i32 from vector<1xi32>
      %dma_start3A_141 = arith.constant 32 : i32
      %dma_start3A_142 = tpu.memref_slice %arg9[%add3A_124, %dma_start3A_141] : memref<512x128xf32, #tpu.memory_space<vmem>> -> memref<1x32xf32, #tpu.memory_space<vmem>>
      %dma_start3A_143 = tpu.memref_squeeze %dma_start3A_142 : memref<1x32xf32, #tpu.memory_space<vmem>> -> memref<32xf32, #tpu.memory_space<vmem>>
      %dma_start3A_144 = arith.constant 0 : i32
      %dma_start3A_145 = tpu.memref_slice %arg5[%squeeze3A_140, %dma_start3A_144] : memref<1000000x32xf32, #tpu.memory_space<hbm>> -> memref<1x32xf32, #tpu.memory_space<hbm>>
      %dma_start3A_146 = tpu.memref_squeeze %dma_start3A_145 : memref<1x32xf32, #tpu.memory_space<hbm>> -> memref<32xf32, #tpu.memory_space<hbm>>
      %dma_start3A_147 = arith.constant 32 : i32
      %dma_start3A_148 = tpu.memref_slice %arg9[%add3A_124, %dma_start3A_147] : memref<512x128xf32, #tpu.memory_space<vmem>> -> memref<1x32xf32, #tpu.memory_space<vmem>>
      %dma_start3A_149 = tpu.memref_squeeze %dma_start3A_148 : memref<1x32xf32, #tpu.memory_space<vmem>> -> memref<32xf32, #tpu.memory_space<vmem>>
      %dma_start3A_150 = arith.constant 0 : i32
      %dma_start3A_151 = tpu.memref_slice %arg5[%squeeze3A_140, %dma_start3A_150] : memref<1000000x32xf32, #tpu.memory_space<hbm>> -> memref<1x32xf32, #tpu.memory_space<hbm>>
      %dma_start3A_152 = tpu.memref_squeeze %dma_start3A_151 : memref<1x32xf32, #tpu.memory_space<hbm>> -> memref<32xf32, #tpu.memory_space<hbm>>
      tpu.enqueue_dma source(%dma_start3A_152 : memref<32xf32, #tpu.memory_space<hbm>>) target(%dma_start3A_149 : memref<32xf32, #tpu.memory_space<vmem>>) target_semaphore(%arg11 : memref<!tpu.dma_semaphore, #tpu.memory_space<semaphore_mem>>)
      %mul3A_153 = arith.constant 16 : i32
      %mul3A_154 = arith.muli %scan3A_20, %mul3A_153 : i32
      %add3A_155 = arith.constant 4 : i32
      %add3A_156 = arith.addi %mul3A_154, %add3A_155 : i32
      %slice3A_157 = vector.extract_strided_slice %get3A_23 {offsets = [4], sizes = [1], strides = [1]} : vector<16xi32> to vector<1xi32>
      %squeeze3A_158 = vector.extract %slice3A_157[0] : i32 from vector<1xi32>
      %dma_start3A_159 = arith.constant 0 : i32
      %dma_start3A_160 = tpu.memref_slice %arg9[%add3A_156, %dma_start3A_159] : memref<512x128xf32, #tpu.memory_space<vmem>> -> memref<1x32xf32, #tpu.memory_space<vmem>>
      %dma_start3A_161 = tpu.memref_squeeze %dma_start3A_160 : memref<1x32xf32, #tpu.memory_space<vmem>> -> memref<32xf32, #tpu.memory_space<vmem>>
      %dma_start3A_162 = arith.constant 0 : i32
      %dma_start3A_163 = tpu.memref_slice %arg4[%squeeze3A_158, %dma_start3A_162] : memref<1000000x32xf32, #tpu.memory_space<hbm>> -> memref<1x32xf32, #tpu.memory_space<hbm>>
      %dma_start3A_164 = tpu.memref_squeeze %dma_start3A_163 : memref<1x32xf32, #tpu.memory_space<hbm>> -> memref<32xf32, #tpu.memory_space<hbm>>
      %dma_start3A_165 = arith.constant 0 : i32
      %dma_start3A_166 = tpu.memref_slice %arg9[%add3A_156, %dma_start3A_165] : memref<512x128xf32, #tpu.memory_space<vmem>> -> memref<1x32xf32, #tpu.memory_space<vmem>>
      %dma_start3A_167 = tpu.memref_squeeze %dma_start3A_166 : memref<1x32xf32, #tpu.memory_space<vmem>> -> memref<32xf32, #tpu.memory_space<vmem>>
      %dma_start3A_168 = arith.constant 0 : i32
      %dma_start3A_169 = tpu.memref_slice %arg4[%squeeze3A_158, %dma_start3A_168] : memref<1000000x32xf32, #tpu.memory_space<hbm>> -> memref<1x32xf32, #tpu.memory_space<hbm>>
      %dma_start3A_170 = tpu.memref_squeeze %dma_start3A_169 : memref<1x32xf32, #tpu.memory_space<hbm>> -> memref<32xf32, #tpu.memory_space<hbm>>
      tpu.enqueue_dma source(%dma_start3A_170 : memref<32xf32, #tpu.memory_space<hbm>>) target(%dma_start3A_167 : memref<32xf32, #tpu.memory_space<vmem>>) target_semaphore(%arg11 : memref<!tpu.dma_semaphore, #tpu.memory_space<semaphore_mem>>)
      %slice3A_171 = vector.extract_strided_slice %get3A_27 {offsets = [4], sizes = [1], strides = [1]} : vector<16xi32> to vector<1xi32>
      %squeeze3A_172 = vector.extract %slice3A_171[0] : i32 from vector<1xi32>
      %dma_start3A_173 = arith.constant 32 : i32
      %dma_start3A_174 = tpu.memref_slice %arg9[%add3A_156, %dma_start3A_173] : memref<512x128xf32, #tpu.memory_space<vmem>> -> memref<1x32xf32, #tpu.memory_space<vmem>>
      %dma_start3A_175 = tpu.memref_squeeze %dma_start3A_174 : memref<1x32xf32, #tpu.memory_space<vmem>> -> memref<32xf32, #tpu.memory_space<vmem>>
      %dma_start3A_176 = arith.constant 0 : i32
      %dma_start3A_177 = tpu.memref_slice %arg5[%squeeze3A_172, %dma_start3A_176] : memref<1000000x32xf32, #tpu.memory_space<hbm>> -> memref<1x32xf32, #tpu.memory_space<hbm>>
      %dma_start3A_178 = tpu.memref_squeeze %dma_start3A_177 : memref<1x32xf32, #tpu.memory_space<hbm>> -> memref<32xf32, #tpu.memory_space<hbm>>
      %dma_start3A_179 = arith.constant 32 : i32
      %dma_start3A_180 = tpu.memref_slice %arg9[%add3A_156, %dma_start3A_179] : memref<512x128xf32, #tpu.memory_space<vmem>> -> memref<1x32xf32, #tpu.memory_space<vmem>>
      %dma_start3A_181 = tpu.memref_squeeze %dma_start3A_180 : memref<1x32xf32, #tpu.memory_space<vmem>> -> memref<32xf32, #tpu.memory_space<vmem>>
      %dma_start3A_182 = arith.constant 0 : i32
      %dma_start3A_183 = tpu.memref_slice %arg5[%squeeze3A_172, %dma_start3A_182] : memref<1000000x32xf32, #tpu.memory_space<hbm>> -> memref<1x32xf32, #tpu.memory_space<hbm>>
      %dma_start3A_184 = tpu.memref_squeeze %dma_start3A_183 : memref<1x32xf32, #tpu.memory_space<hbm>> -> memref<32xf32, #tpu.memory_space<hbm>>
      tpu.enqueue_dma source(%dma_start3A_184 : memref<32xf32, #tpu.memory_space<hbm>>) target(%dma_start3A_181 : memref<32xf32, #tpu.memory_space<vmem>>) target_semaphore(%arg11 : memref<!tpu.dma_semaphore, #tpu.memory_space<semaphore_mem>>)
      %mul3A_185 = arith.constant 16 : i32
      %mul3A_186 = arith.muli %scan3A_20, %mul3A_185 : i32
      %add3A_187 = arith.constant 5 : i32
      %add3A_188 = arith.addi %mul3A_186, %add3A_187 : i32
      %slice3A_189 = vector.extract_strided_slice %get3A_23 {offsets = [5], sizes = [1], strides = [1]} : vector<16xi32> to vector<1xi32>
      %squeeze3A_190 = vector.extract %slice3A_189[0] : i32 from vector<1xi32>
      %dma_start3A_191 = arith.constant 0 : i32
      %dma_start3A_192 = tpu.memref_slice %arg9[%add3A_188, %dma_start3A_191] : memref<512x128xf32, #tpu.memory_space<vmem>> -> memref<1x32xf32, #tpu.memory_space<vmem>>
      %dma_start3A_193 = tpu.memref_squeeze %dma_start3A_192 : memref<1x32xf32, #tpu.memory_space<vmem>> -> memref<32xf32, #tpu.memory_space<vmem>>
      %dma_start3A_194 = arith.constant 0 : i32
      %dma_start3A_195 = tpu.memref_slice %arg4[%squeeze3A_190, %dma_start3A_194] : memref<1000000x32xf32, #tpu.memory_space<hbm>> -> memref<1x32xf32, #tpu.memory_space<hbm>>
      %dma_start3A_196 = tpu.memref_squeeze %dma_start3A_195 : memref<1x32xf32, #tpu.memory_space<hbm>> -> memref<32xf32, #tpu.memory_space<hbm>>
      %dma_start3A_197 = arith.constant 0 : i32
      %dma_start3A_198 = tpu.memref_slice %arg9[%add3A_188, %dma_start3A_197] : memref<512x128xf32, #tpu.memory_space<vmem>> -> memref<1x32xf32, #tpu.memory_space<vmem>>
      %dma_start3A_199 = tpu.memref_squeeze %dma_start3A_198 : memref<1x32xf32, #tpu.memory_space<vmem>> -> memref<32xf32, #tpu.memory_space<vmem>>
      %dma_start3A_200 = arith.constant 0 : i32
      %dma_start3A_201 = tpu.memref_slice %arg4[%squeeze3A_190, %dma_start3A_200] : memref<1000000x32xf32, #tpu.memory_space<hbm>> -> memref<1x32xf32, #tpu.memory_space<hbm>>
      %dma_start3A_202 = tpu.memref_squeeze %dma_start3A_201 : memref<1x32xf32, #tpu.memory_space<hbm>> -> memref<32xf32, #tpu.memory_space<hbm>>
      tpu.enqueue_dma source(%dma_start3A_202 : memref<32xf32, #tpu.memory_space<hbm>>) target(%dma_start3A_199 : memref<32xf32, #tpu.memory_space<vmem>>) target_semaphore(%arg11 : memref<!tpu.dma_semaphore, #tpu.memory_space<semaphore_mem>>)
      %slice3A_203 = vector.extract_strided_slice %get3A_27 {offsets = [5], sizes = [1], strides = [1]} : vector<16xi32> to vector<1xi32>
      %squeeze3A_204 = vector.extract %slice3A_203[0] : i32 from vector<1xi32>
      %dma_start3A_205 = arith.constant 32 : i32
      %dma_start3A_206 = tpu.memref_slice %arg9[%add3A_188, %dma_start3A_205] : memref<512x128xf32, #tpu.memory_space<vmem>> -> memref<1x32xf32, #tpu.memory_space<vmem>>
      %dma_start3A_207 = tpu.memref_squeeze %dma_start3A_206 : memref<1x32xf32, #tpu.memory_space<vmem>> -> memref<32xf32, #tpu.memory_space<vmem>>
      %dma_start3A_208 = arith.constant 0 : i32
      %dma_start3A_209 = tpu.memref_slice %arg5[%squeeze3A_204, %dma_start3A_208] : memref<1000000x32xf32, #tpu.memory_space<hbm>> -> memref<1x32xf32, #tpu.memory_space<hbm>>
      %dma_start3A_210 = tpu.memref_squeeze %dma_start3A_209 : memref<1x32xf32, #tpu.memory_space<hbm>> -> memref<32xf32, #tpu.memory_space<hbm>>
      %dma_start3A_211 = arith.constant 32 : i32
      %dma_start3A_212 = tpu.memref_slice %arg9[%add3A_188, %dma_start3A_211] : memref<512x128xf32, #tpu.memory_space<vmem>> -> memref<1x32xf32, #tpu.memory_space<vmem>>
      %dma_start3A_213 = tpu.memref_squeeze %dma_start3A_212 : memref<1x32xf32, #tpu.memory_space<vmem>> -> memref<32xf32, #tpu.memory_space<vmem>>
      %dma_start3A_214 = arith.constant 0 : i32
      %dma_start3A_215 = tpu.memref_slice %arg5[%squeeze3A_204, %dma_start3A_214] : memref<1000000x32xf32, #tpu.memory_space<hbm>> -> memref<1x32xf32, #tpu.memory_space<hbm>>
      %dma_start3A_216 = tpu.memref_squeeze %dma_start3A_215 : memref<1x32xf32, #tpu.memory_space<hbm>> -> memref<32xf32, #tpu.memory_space<hbm>>
      tpu.enqueue_dma source(%dma_start3A_216 : memref<32xf32, #tpu.memory_space<hbm>>) target(%dma_start3A_213 : memref<32xf32, #tpu.memory_space<vmem>>) target_semaphore(%arg11 : memref<!tpu.dma_semaphore, #tpu.memory_space<semaphore_mem>>)
      %mul3A_217 = arith.constant 16 : i32
      %mul3A_218 = arith.muli %scan3A_20, %mul3A_217 : i32
      %add3A_219 = arith.constant 6 : i32
      %add3A_220 = arith.addi %mul3A_218, %add3A_219 : i32
      %slice3A_221 = vector.extract_strided_slice %get3A_23 {offsets = [6], sizes = [1], strides = [1]} : vector<16xi32> to vector<1xi32>
      %squeeze3A_222 = vector.extract %slice3A_221[0] : i32 from vector<1xi32>
      %dma_start3A_223 = arith.constant 0 : i32
      %dma_start3A_224 = tpu.memref_slice %arg9[%add3A_220, %dma_start3A_223] : memref<512x128xf32, #tpu.memory_space<vmem>> -> memref<1x32xf32, #tpu.memory_space<vmem>>
      %dma_start3A_225 = tpu.memref_squeeze %dma_start3A_224 : memref<1x32xf32, #tpu.memory_space<vmem>> -> memref<32xf32, #tpu.memory_space<vmem>>
      %dma_start3A_226 = arith.constant 0 : i32
      %dma_start3A_227 = tpu.memref_slice %arg4[%squeeze3A_222, %dma_start3A_226] : memref<1000000x32xf32, #tpu.memory_space<hbm>> -> memref<1x32xf32, #tpu.memory_space<hbm>>
      %dma_start3A_228 = tpu.memref_squeeze %dma_start3A_227 : memref<1x32xf32, #tpu.memory_space<hbm>> -> memref<32xf32, #tpu.memory_space<hbm>>
      %dma_start3A_229 = arith.constant 0 : i32
      %dma_start3A_230 = tpu.memref_slice %arg9[%add3A_220, %dma_start3A_229] : memref<512x128xf32, #tpu.memory_space<vmem>> -> memref<1x32xf32, #tpu.memory_space<vmem>>
      %dma_start3A_231 = tpu.memref_squeeze %dma_start3A_230 : memref<1x32xf32, #tpu.memory_space<vmem>> -> memref<32xf32, #tpu.memory_space<vmem>>
      %dma_start3A_232 = arith.constant 0 : i32
      %dma_start3A_233 = tpu.memref_slice %arg4[%squeeze3A_222, %dma_start3A_232] : memref<1000000x32xf32, #tpu.memory_space<hbm>> -> memref<1x32xf32, #tpu.memory_space<hbm>>
      %dma_start3A_234 = tpu.memref_squeeze %dma_start3A_233 : memref<1x32xf32, #tpu.memory_space<hbm>> -> memref<32xf32, #tpu.memory_space<hbm>>
      tpu.enqueue_dma source(%dma_start3A_234 : memref<32xf32, #tpu.memory_space<hbm>>) target(%dma_start3A_231 : memref<32xf32, #tpu.memory_space<vmem>>) target_semaphore(%arg11 : memref<!tpu.dma_semaphore, #tpu.memory_space<semaphore_mem>>)
      %slice3A_235 = vector.extract_strided_slice %get3A_27 {offsets = [6], sizes = [1], strides = [1]} : vector<16xi32> to vector<1xi32>
      %squeeze3A_236 = vector.extract %slice3A_235[0] : i32 from vector<1xi32>
      %dma_start3A_237 = arith.constant 32 : i32
      %dma_start3A_238 = tpu.memref_slice %arg9[%add3A_220, %dma_start3A_237] : memref<512x128xf32, #tpu.memory_space<vmem>> -> memref<1x32xf32, #tpu.memory_space<vmem>>
      %dma_start3A_239 = tpu.memref_squeeze %dma_start3A_238 : memref<1x32xf32, #tpu.memory_space<vmem>> -> memref<32xf32, #tpu.memory_space<vmem>>
      %dma_start3A_240 = arith.constant 0 : i32
      %dma_start3A_241 = tpu.memref_slice %arg5[%squeeze3A_236, %dma_start3A_240] : memref<1000000x32xf32, #tpu.memory_space<hbm>> -> memref<1x32xf32, #tpu.memory_space<hbm>>
      %dma_start3A_242 = tpu.memref_squeeze %dma_start3A_241 : memref<1x32xf32, #tpu.memory_space<hbm>> -> memref<32xf32, #tpu.memory_space<hbm>>
      %dma_start3A_243 = arith.constant 32 : i32
      %dma_start3A_244 = tpu.memref_slice %arg9[%add3A_220, %dma_start3A_243] : memref<512x128xf32, #tpu.memory_space<vmem>> -> memref<1x32xf32, #tpu.memory_space<vmem>>
      %dma_start3A_245 = tpu.memref_squeeze %dma_start3A_244 : memref<1x32xf32, #tpu.memory_space<vmem>> -> memref<32xf32, #tpu.memory_space<vmem>>
      %dma_start3A_246 = arith.constant 0 : i32
      %dma_start3A_247 = tpu.memref_slice %arg5[%squeeze3A_236, %dma_start3A_246] : memref<1000000x32xf32, #tpu.memory_space<hbm>> -> memref<1x32xf32, #tpu.memory_space<hbm>>
      %dma_start3A_248 = tpu.memref_squeeze %dma_start3A_247 : memref<1x32xf32, #tpu.memory_space<hbm>> -> memref<32xf32, #tpu.memory_space<hbm>>
      tpu.enqueue_dma source(%dma_start3A_248 : memref<32xf32, #tpu.memory_space<hbm>>) target(%dma_start3A_245 : memref<32xf32, #tpu.memory_space<vmem>>) target_semaphore(%arg11 : memref<!tpu.dma_semaphore, #tpu.memory_space<semaphore_mem>>)
      %mul3A_249 = arith.constant 16 : i32
      %mul3A_250 = arith.muli %scan3A_20, %mul3A_249 : i32
      %add3A_251 = arith.constant 7 : i32
      %add3A_252 = arith.addi %mul3A_250, %add3A_251 : i32
      %slice3A_253 = vector.extract_strided_slice %get3A_23 {offsets = [7], sizes = [1], strides = [1]} : vector<16xi32> to vector<1xi32>
      %squeeze3A_254 = vector.extract %slice3A_253[0] : i32 from vector<1xi32>
      %dma_start3A_255 = arith.constant 0 : i32
      %dma_start3A_256 = tpu.memref_slice %arg9[%add3A_252, %dma_start3A_255] : memref<512x128xf32, #tpu.memory_space<vmem>> -> memref<1x32xf32, #tpu.memory_space<vmem>>
      %dma_start3A_257 = tpu.memref_squeeze %dma_start3A_256 : memref<1x32xf32, #tpu.memory_space<vmem>> -> memref<32xf32, #tpu.memory_space<vmem>>
      %dma_start3A_258 = arith.constant 0 : i32
      %dma_start3A_259 = tpu.memref_slice %arg4[%squeeze3A_254, %dma_start3A_258] : memref<1000000x32xf32, #tpu.memory_space<hbm>> -> memref<1x32xf32, #tpu.memory_space<hbm>>
      %dma_start3A_260 = tpu.memref_squeeze %dma_start3A_259 : memref<1x32xf32, #tpu.memory_space<hbm>> -> memref<32xf32, #tpu.memory_space<hbm>>
      %dma_start3A_261 = arith.constant 0 : i32
      %dma_start3A_262 = tpu.memref_slice %arg9[%add3A_252, %dma_start3A_261] : memref<512x128xf32, #tpu.memory_space<vmem>> -> memref<1x32xf32, #tpu.memory_space<vmem>>
      %dma_start3A_263 = tpu.memref_squeeze %dma_start3A_262 : memref<1x32xf32, #tpu.memory_space<vmem>> -> memref<32xf32, #tpu.memory_space<vmem>>
      %dma_start3A_264 = arith.constant 0 : i32
      %dma_start3A_265 = tpu.memref_slice %arg4[%squeeze3A_254, %dma_start3A_264] : memref<1000000x32xf32, #tpu.memory_space<hbm>> -> memref<1x32xf32, #tpu.memory_space<hbm>>
      %dma_start3A_266 = tpu.memref_squeeze %dma_start3A_265 : memref<1x32xf32, #tpu.memory_space<hbm>> -> memref<32xf32, #tpu.memory_space<hbm>>
      tpu.enqueue_dma source(%dma_start3A_266 : memref<32xf32, #tpu.memory_space<hbm>>) target(%dma_start3A_263 : memref<32xf32, #tpu.memory_space<vmem>>) target_semaphore(%arg11 : memref<!tpu.dma_semaphore, #tpu.memory_space<semaphore_mem>>)
      %slice3A_267 = vector.extract_strided_slice %get3A_27 {offsets = [7], sizes = [1], strides = [1]} : vector<16xi32> to vector<1xi32>
      %squeeze3A_268 = vector.extract %slice3A_267[0] : i32 from vector<1xi32>
      %dma_start3A_269 = arith.constant 32 : i32
      %dma_start3A_270 = tpu.memref_slice %arg9[%add3A_252, %dma_start3A_269] : memref<512x128xf32, #tpu.memory_space<vmem>> -> memref<1x32xf32, #tpu.memory_space<vmem>>
      %dma_start3A_271 = tpu.memref_squeeze %dma_start3A_270 : memref<1x32xf32, #tpu.memory_space<vmem>> -> memref<32xf32, #tpu.memory_space<vmem>>
      %dma_start3A_272 = arith.constant 0 : i32
      %dma_start3A_273 = tpu.memref_slice %arg5[%squeeze3A_268, %dma_start3A_272] : memref<1000000x32xf32, #tpu.memory_space<hbm>> -> memref<1x32xf32, #tpu.memory_space<hbm>>
      %dma_start3A_274 = tpu.memref_squeeze %dma_start3A_273 : memref<1x32xf32, #tpu.memory_space<hbm>> -> memref<32xf32, #tpu.memory_space<hbm>>
      %dma_start3A_275 = arith.constant 32 : i32
      %dma_start3A_276 = tpu.memref_slice %arg9[%add3A_252, %dma_start3A_275] : memref<512x128xf32, #tpu.memory_space<vmem>> -> memref<1x32xf32, #tpu.memory_space<vmem>>
      %dma_start3A_277 = tpu.memref_squeeze %dma_start3A_276 : memref<1x32xf32, #tpu.memory_space<vmem>> -> memref<32xf32, #tpu.memory_space<vmem>>
      %dma_start3A_278 = arith.constant 0 : i32
      %dma_start3A_279 = tpu.memref_slice %arg5[%squeeze3A_268, %dma_start3A_278] : memref<1000000x32xf32, #tpu.memory_space<hbm>> -> memref<1x32xf32, #tpu.memory_space<hbm>>
      %dma_start3A_280 = tpu.memref_squeeze %dma_start3A_279 : memref<1x32xf32, #tpu.memory_space<hbm>> -> memref<32xf32, #tpu.memory_space<hbm>>
      tpu.enqueue_dma source(%dma_start3A_280 : memref<32xf32, #tpu.memory_space<hbm>>) target(%dma_start3A_277 : memref<32xf32, #tpu.memory_space<vmem>>) target_semaphore(%arg11 : memref<!tpu.dma_semaphore, #tpu.memory_space<semaphore_mem>>)
      %mul3A_281 = arith.constant 16 : i32
      %mul3A_282 = arith.muli %scan3A_20, %mul3A_281 : i32
      %add3A_283 = arith.constant 8 : i32
      %add3A_284 = arith.addi %mul3A_282, %add3A_283 : i32
      %slice3A_285 = vector.extract_strided_slice %get3A_23 {offsets = [8], sizes = [1], strides = [1]} : vector<16xi32> to vector<1xi32>
      %squeeze3A_286 = vector.extract %slice3A_285[0] : i32 from vector<1xi32>
      %dma_start3A_287 = arith.constant 0 : i32
      %dma_start3A_288 = tpu.memref_slice %arg9[%add3A_284, %dma_start3A_287] : memref<512x128xf32, #tpu.memory_space<vmem>> -> memref<1x32xf32, #tpu.memory_space<vmem>>
      %dma_start3A_289 = tpu.memref_squeeze %dma_start3A_288 : memref<1x32xf32, #tpu.memory_space<vmem>> -> memref<32xf32, #tpu.memory_space<vmem>>
      %dma_start3A_290 = arith.constant 0 : i32
      %dma_start3A_291 = tpu.memref_slice %arg4[%squeeze3A_286, %dma_start3A_290] : memref<1000000x32xf32, #tpu.memory_space<hbm>> -> memref<1x32xf32, #tpu.memory_space<hbm>>
      %dma_start3A_292 = tpu.memref_squeeze %dma_start3A_291 : memref<1x32xf32, #tpu.memory_space<hbm>> -> memref<32xf32, #tpu.memory_space<hbm>>
      %dma_start3A_293 = arith.constant 0 : i32
      %dma_start3A_294 = tpu.memref_slice %arg9[%add3A_284, %dma_start3A_293] : memref<512x128xf32, #tpu.memory_space<vmem>> -> memref<1x32xf32, #tpu.memory_space<vmem>>
      %dma_start3A_295 = tpu.memref_squeeze %dma_start3A_294 : memref<1x32xf32, #tpu.memory_space<vmem>> -> memref<32xf32, #tpu.memory_space<vmem>>
      %dma_start3A_296 = arith.constant 0 : i32
      %dma_start3A_297 = tpu.memref_slice %arg4[%squeeze3A_286, %dma_start3A_296] : memref<1000000x32xf32, #tpu.memory_space<hbm>> -> memref<1x32xf32, #tpu.memory_space<hbm>>
      %dma_start3A_298 = tpu.memref_squeeze %dma_start3A_297 : memref<1x32xf32, #tpu.memory_space<hbm>> -> memref<32xf32, #tpu.memory_space<hbm>>
      tpu.enqueue_dma source(%dma_start3A_298 : memref<32xf32, #tpu.memory_space<hbm>>) target(%dma_start3A_295 : memref<32xf32, #tpu.memory_space<vmem>>) target_semaphore(%arg11 : memref<!tpu.dma_semaphore, #tpu.memory_space<semaphore_mem>>)
      %slice3A_299 = vector.extract_strided_slice %get3A_27 {offsets = [8], sizes = [1], strides = [1]} : vector<16xi32> to vector<1xi32>
      %squeeze3A_300 = vector.extract %slice3A_299[0] : i32 from vector<1xi32>
      %dma_start3A_301 = arith.constant 32 : i32
      %dma_start3A_302 = tpu.memref_slice %arg9[%add3A_284, %dma_start3A_301] : memref<512x128xf32, #tpu.memory_space<vmem>> -> memref<1x32xf32, #tpu.memory_space<vmem>>
      %dma_start3A_303 = tpu.memref_squeeze %dma_start3A_302 : memref<1x32xf32, #tpu.memory_space<vmem>> -> memref<32xf32, #tpu.memory_space<vmem>>
      %dma_start3A_304 = arith.constant 0 : i32
      %dma_start3A_305 = tpu.memref_slice %arg5[%squeeze3A_300, %dma_start3A_304] : memref<1000000x32xf32, #tpu.memory_space<hbm>> -> memref<1x32xf32, #tpu.memory_space<hbm>>
      %dma_start3A_306 = tpu.memref_squeeze %dma_start3A_305 : memref<1x32xf32, #tpu.memory_space<hbm>> -> memref<32xf32, #tpu.memory_space<hbm>>
      %dma_start3A_307 = arith.constant 32 : i32
      %dma_start3A_308 = tpu.memref_slice %arg9[%add3A_284, %dma_start3A_307] : memref<512x128xf32, #tpu.memory_space<vmem>> -> memref<1x32xf32, #tpu.memory_space<vmem>>
      %dma_start3A_309 = tpu.memref_squeeze %dma_start3A_308 : memref<1x32xf32, #tpu.memory_space<vmem>> -> memref<32xf32, #tpu.memory_space<vmem>>
      %dma_start3A_310 = arith.constant 0 : i32
      %dma_start3A_311 = tpu.memref_slice %arg5[%squeeze3A_300, %dma_start3A_310] : memref<1000000x32xf32, #tpu.memory_space<hbm>> -> memref<1x32xf32, #tpu.memory_space<hbm>>
      %dma_start3A_312 = tpu.memref_squeeze %dma_start3A_311 : memref<1x32xf32, #tpu.memory_space<hbm>> -> memref<32xf32, #tpu.memory_space<hbm>>
      tpu.enqueue_dma source(%dma_start3A_312 : memref<32xf32, #tpu.memory_space<hbm>>) target(%dma_start3A_309 : memref<32xf32, #tpu.memory_space<vmem>>) target_semaphore(%arg11 : memref<!tpu.dma_semaphore, #tpu.memory_space<semaphore_mem>>)
      %mul3A_313 = arith.constant 16 : i32
      %mul3A_314 = arith.muli %scan3A_20, %mul3A_313 : i32
      %add3A_315 = arith.constant 9 : i32
      %add3A_316 = arith.addi %mul3A_314, %add3A_315 : i32
      %slice3A_317 = vector.extract_strided_slice %get3A_23 {offsets = [9], sizes = [1], strides = [1]} : vector<16xi32> to vector<1xi32>
      %squeeze3A_318 = vector.extract %slice3A_317[0] : i32 from vector<1xi32>
      %dma_start3A_319 = arith.constant 0 : i32
      %dma_start3A_320 = tpu.memref_slice %arg9[%add3A_316, %dma_start3A_319] : memref<512x128xf32, #tpu.memory_space<vmem>> -> memref<1x32xf32, #tpu.memory_space<vmem>>
      %dma_start3A_321 = tpu.memref_squeeze %dma_start3A_320 : memref<1x32xf32, #tpu.memory_space<vmem>> -> memref<32xf32, #tpu.memory_space<vmem>>
      %dma_start3A_322 = arith.constant 0 : i32
      %dma_start3A_323 = tpu.memref_slice %arg4[%squeeze3A_318, %dma_start3A_322] : memref<1000000x32xf32, #tpu.memory_space<hbm>> -> memref<1x32xf32, #tpu.memory_space<hbm>>
      %dma_start3A_324 = tpu.memref_squeeze %dma_start3A_323 : memref<1x32xf32, #tpu.memory_space<hbm>> -> memref<32xf32, #tpu.memory_space<hbm>>
      %dma_start3A_325 = arith.constant 0 : i32
      %dma_start3A_326 = tpu.memref_slice %arg9[%add3A_316, %dma_start3A_325] : memref<512x128xf32, #tpu.memory_space<vmem>> -> memref<1x32xf32, #tpu.memory_space<vmem>>
      %dma_start3A_327 = tpu.memref_squeeze %dma_start3A_326 : memref<1x32xf32, #tpu.memory_space<vmem>> -> memref<32xf32, #tpu.memory_space<vmem>>
      %dma_start3A_328 = arith.constant 0 : i32
      %dma_start3A_329 = tpu.memref_slice %arg4[%squeeze3A_318, %dma_start3A_328] : memref<1000000x32xf32, #tpu.memory_space<hbm>> -> memref<1x32xf32, #tpu.memory_space<hbm>>
      %dma_start3A_330 = tpu.memref_squeeze %dma_start3A_329 : memref<1x32xf32, #tpu.memory_space<hbm>> -> memref<32xf32, #tpu.memory_space<hbm>>
      tpu.enqueue_dma source(%dma_start3A_330 : memref<32xf32, #tpu.memory_space<hbm>>) target(%dma_start3A_327 : memref<32xf32, #tpu.memory_space<vmem>>) target_semaphore(%arg11 : memref<!tpu.dma_semaphore, #tpu.memory_space<semaphore_mem>>)
      %slice3A_331 = vector.extract_strided_slice %get3A_27 {offsets = [9], sizes = [1], strides = [1]} : vector<16xi32> to vector<1xi32>
      %squeeze3A_332 = vector.extract %slice3A_331[0] : i32 from vector<1xi32>
      %dma_start3A_333 = arith.constant 32 : i32
      %dma_start3A_334 = tpu.memref_slice %arg9[%add3A_316, %dma_start3A_333] : memref<512x128xf32, #tpu.memory_space<vmem>> -> memref<1x32xf32, #tpu.memory_space<vmem>>
      %dma_start3A_335 = tpu.memref_squeeze %dma_start3A_334 : memref<1x32xf32, #tpu.memory_space<vmem>> -> memref<32xf32, #tpu.memory_space<vmem>>
      %dma_start3A_336 = arith.constant 0 : i32
      %dma_start3A_337 = tpu.memref_slice %arg5[%squeeze3A_332, %dma_start3A_336] : memref<1000000x32xf32, #tpu.memory_space<hbm>> -> memref<1x32xf32, #tpu.memory_space<hbm>>
      %dma_start3A_338 = tpu.memref_squeeze %dma_start3A_337 : memref<1x32xf32, #tpu.memory_space<hbm>> -> memref<32xf32, #tpu.memory_space<hbm>>
      %dma_start3A_339 = arith.constant 32 : i32
      %dma_start3A_340 = tpu.memref_slice %arg9[%add3A_316, %dma_start3A_339] : memref<512x128xf32, #tpu.memory_space<vmem>> -> memref<1x32xf32, #tpu.memory_space<vmem>>
      %dma_start3A_341 = tpu.memref_squeeze %dma_start3A_340 : memref<1x32xf32, #tpu.memory_space<vmem>> -> memref<32xf32, #tpu.memory_space<vmem>>
      %dma_start3A_342 = arith.constant 0 : i32
      %dma_start3A_343 = tpu.memref_slice %arg5[%squeeze3A_332, %dma_start3A_342] : memref<1000000x32xf32, #tpu.memory_space<hbm>> -> memref<1x32xf32, #tpu.memory_space<hbm>>
      %dma_start3A_344 = tpu.memref_squeeze %dma_start3A_343 : memref<1x32xf32, #tpu.memory_space<hbm>> -> memref<32xf32, #tpu.memory_space<hbm>>
      tpu.enqueue_dma source(%dma_start3A_344 : memref<32xf32, #tpu.memory_space<hbm>>) target(%dma_start3A_341 : memref<32xf32, #tpu.memory_space<vmem>>) target_semaphore(%arg11 : memref<!tpu.dma_semaphore, #tpu.memory_space<semaphore_mem>>)
      %mul3A_345 = arith.constant 16 : i32
      %mul3A_346 = arith.muli %scan3A_20, %mul3A_345 : i32
      %add3A_347 = arith.constant 10 : i32
      %add3A_348 = arith.addi %mul3A_346, %add3A_347 : i32
      %slice3A_349 = vector.extract_strided_slice %get3A_23 {offsets = [10], sizes = [1], strides = [1]} : vector<16xi32> to vector<1xi32>
      %squeeze3A_350 = vector.extract %slice3A_349[0] : i32 from vector<1xi32>
      %dma_start3A_351 = arith.constant 0 : i32
      %dma_start3A_352 = tpu.memref_slice %arg9[%add3A_348, %dma_start3A_351] : memref<512x128xf32, #tpu.memory_space<vmem>> -> memref<1x32xf32, #tpu.memory_space<vmem>>
      %dma_start3A_353 = tpu.memref_squeeze %dma_start3A_352 : memref<1x32xf32, #tpu.memory_space<vmem>> -> memref<32xf32, #tpu.memory_space<vmem>>
      %dma_start3A_354 = arith.constant 0 : i32
      %dma_start3A_355 = tpu.memref_slice %arg4[%squeeze3A_350, %dma_start3A_354] : memref<1000000x32xf32, #tpu.memory_space<hbm>> -> memref<1x32xf32, #tpu.memory_space<hbm>>
      %dma_start3A_356 = tpu.memref_squeeze %dma_start3A_355 : memref<1x32xf32, #tpu.memory_space<hbm>> -> memref<32xf32, #tpu.memory_space<hbm>>
      %dma_start3A_357 = arith.constant 0 : i32
      %dma_start3A_358 = tpu.memref_slice %arg9[%add3A_348, %dma_start3A_357] : memref<512x128xf32, #tpu.memory_space<vmem>> -> memref<1x32xf32, #tpu.memory_space<vmem>>
      %dma_start3A_359 = tpu.memref_squeeze %dma_start3A_358 : memref<1x32xf32, #tpu.memory_space<vmem>> -> memref<32xf32, #tpu.memory_space<vmem>>
      %dma_start3A_360 = arith.constant 0 : i32
      %dma_start3A_361 = tpu.memref_slice %arg4[%squeeze3A_350, %dma_start3A_360] : memref<1000000x32xf32, #tpu.memory_space<hbm>> -> memref<1x32xf32, #tpu.memory_space<hbm>>
      %dma_start3A_362 = tpu.memref_squeeze %dma_start3A_361 : memref<1x32xf32, #tpu.memory_space<hbm>> -> memref<32xf32, #tpu.memory_space<hbm>>
      tpu.enqueue_dma source(%dma_start3A_362 : memref<32xf32, #tpu.memory_space<hbm>>) target(%dma_start3A_359 : memref<32xf32, #tpu.memory_space<vmem>>) target_semaphore(%arg11 : memref<!tpu.dma_semaphore, #tpu.memory_space<semaphore_mem>>)
      %slice3A_363 = vector.extract_strided_slice %get3A_27 {offsets = [10], sizes = [1], strides = [1]} : vector<16xi32> to vector<1xi32>
      %squeeze3A_364 = vector.extract %slice3A_363[0] : i32 from vector<1xi32>
      %dma_start3A_365 = arith.constant 32 : i32
      %dma_start3A_366 = tpu.memref_slice %arg9[%add3A_348, %dma_start3A_365] : memref<512x128xf32, #tpu.memory_space<vmem>> -> memref<1x32xf32, #tpu.memory_space<vmem>>
      %dma_start3A_367 = tpu.memref_squeeze %dma_start3A_366 : memref<1x32xf32, #tpu.memory_space<vmem>> -> memref<32xf32, #tpu.memory_space<vmem>>
      %dma_start3A_368 = arith.constant 0 : i32
      %dma_start3A_369 = tpu.memref_slice %arg5[%squeeze3A_364, %dma_start3A_368] : memref<1000000x32xf32, #tpu.memory_space<hbm>> -> memref<1x32xf32, #tpu.memory_space<hbm>>
      %dma_start3A_370 = tpu.memref_squeeze %dma_start3A_369 : memref<1x32xf32, #tpu.memory_space<hbm>> -> memref<32xf32, #tpu.memory_space<hbm>>
      %dma_start3A_371 = arith.constant 32 : i32
      %dma_start3A_372 = tpu.memref_slice %arg9[%add3A_348, %dma_start3A_371] : memref<512x128xf32, #tpu.memory_space<vmem>> -> memref<1x32xf32, #tpu.memory_space<vmem>>
      %dma_start3A_373 = tpu.memref_squeeze %dma_start3A_372 : memref<1x32xf32, #tpu.memory_space<vmem>> -> memref<32xf32, #tpu.memory_space<vmem>>
      %dma_start3A_374 = arith.constant 0 : i32
      %dma_start3A_375 = tpu.memref_slice %arg5[%squeeze3A_364, %dma_start3A_374] : memref<1000000x32xf32, #tpu.memory_space<hbm>> -> memref<1x32xf32, #tpu.memory_space<hbm>>
      %dma_start3A_376 = tpu.memref_squeeze %dma_start3A_375 : memref<1x32xf32, #tpu.memory_space<hbm>> -> memref<32xf32, #tpu.memory_space<hbm>>
      tpu.enqueue_dma source(%dma_start3A_376 : memref<32xf32, #tpu.memory_space<hbm>>) target(%dma_start3A_373 : memref<32xf32, #tpu.memory_space<vmem>>) target_semaphore(%arg11 : memref<!tpu.dma_semaphore, #tpu.memory_space<semaphore_mem>>)
      %mul3A_377 = arith.constant 16 : i32
      %mul3A_378 = arith.muli %scan3A_20, %mul3A_377 : i32
      %add3A_379 = arith.constant 11 : i32
      %add3A_380 = arith.addi %mul3A_378, %add3A_379 : i32
      %slice3A_381 = vector.extract_strided_slice %get3A_23 {offsets = [11], sizes = [1], strides = [1]} : vector<16xi32> to vector<1xi32>
      %squeeze3A_382 = vector.extract %slice3A_381[0] : i32 from vector<1xi32>
      %dma_start3A_383 = arith.constant 0 : i32
      %dma_start3A_384 = tpu.memref_slice %arg9[%add3A_380, %dma_start3A_383] : memref<512x128xf32, #tpu.memory_space<vmem>> -> memref<1x32xf32, #tpu.memory_space<vmem>>
      %dma_start3A_385 = tpu.memref_squeeze %dma_start3A_384 : memref<1x32xf32, #tpu.memory_space<vmem>> -> memref<32xf32, #tpu.memory_space<vmem>>
      %dma_start3A_386 = arith.constant 0 : i32
      %dma_start3A_387 = tpu.memref_slice %arg4[%squeeze3A_382, %dma_start3A_386] : memref<1000000x32xf32, #tpu.memory_space<hbm>> -> memref<1x32xf32, #tpu.memory_space<hbm>>
      %dma_start3A_388 = tpu.memref_squeeze %dma_start3A_387 : memref<1x32xf32, #tpu.memory_space<hbm>> -> memref<32xf32, #tpu.memory_space<hbm>>
      %dma_start3A_389 = arith.constant 0 : i32
      %dma_start3A_390 = tpu.memref_slice %arg9[%add3A_380, %dma_start3A_389] : memref<512x128xf32, #tpu.memory_space<vmem>> -> memref<1x32xf32, #tpu.memory_space<vmem>>
      %dma_start3A_391 = tpu.memref_squeeze %dma_start3A_390 : memref<1x32xf32, #tpu.memory_space<vmem>> -> memref<32xf32, #tpu.memory_space<vmem>>
      %dma_start3A_392 = arith.constant 0 : i32
      %dma_start3A_393 = tpu.memref_slice %arg4[%squeeze3A_382, %dma_start3A_392] : memref<1000000x32xf32, #tpu.memory_space<hbm>> -> memref<1x32xf32, #tpu.memory_space<hbm>>
      %dma_start3A_394 = tpu.memref_squeeze %dma_start3A_393 : memref<1x32xf32, #tpu.memory_space<hbm>> -> memref<32xf32, #tpu.memory_space<hbm>>
      tpu.enqueue_dma source(%dma_start3A_394 : memref<32xf32, #tpu.memory_space<hbm>>) target(%dma_start3A_391 : memref<32xf32, #tpu.memory_space<vmem>>) target_semaphore(%arg11 : memref<!tpu.dma_semaphore, #tpu.memory_space<semaphore_mem>>)
      %slice3A_395 = vector.extract_strided_slice %get3A_27 {offsets = [11], sizes = [1], strides = [1]} : vector<16xi32> to vector<1xi32>
      %squeeze3A_396 = vector.extract %slice3A_395[0] : i32 from vector<1xi32>
      %dma_start3A_397 = arith.constant 32 : i32
      %dma_start3A_398 = tpu.memref_slice %arg9[%add3A_380, %dma_start3A_397] : memref<512x128xf32, #tpu.memory_space<vmem>> -> memref<1x32xf32, #tpu.memory_space<vmem>>
      %dma_start3A_399 = tpu.memref_squeeze %dma_start3A_398 : memref<1x32xf32, #tpu.memory_space<vmem>> -> memref<32xf32, #tpu.memory_space<vmem>>
      %dma_start3A_400 = arith.constant 0 : i32
      %dma_start3A_401 = tpu.memref_slice %arg5[%squeeze3A_396, %dma_start3A_400] : memref<1000000x32xf32, #tpu.memory_space<hbm>> -> memref<1x32xf32, #tpu.memory_space<hbm>>
      %dma_start3A_402 = tpu.memref_squeeze %dma_start3A_401 : memref<1x32xf32, #tpu.memory_space<hbm>> -> memref<32xf32, #tpu.memory_space<hbm>>
      %dma_start3A_403 = arith.constant 32 : i32
      %dma_start3A_404 = tpu.memref_slice %arg9[%add3A_380, %dma_start3A_403] : memref<512x128xf32, #tpu.memory_space<vmem>> -> memref<1x32xf32, #tpu.memory_space<vmem>>
      %dma_start3A_405 = tpu.memref_squeeze %dma_start3A_404 : memref<1x32xf32, #tpu.memory_space<vmem>> -> memref<32xf32, #tpu.memory_space<vmem>>
      %dma_start3A_406 = arith.constant 0 : i32
      %dma_start3A_407 = tpu.memref_slice %arg5[%squeeze3A_396, %dma_start3A_406] : memref<1000000x32xf32, #tpu.memory_space<hbm>> -> memref<1x32xf32, #tpu.memory_space<hbm>>
      %dma_start3A_408 = tpu.memref_squeeze %dma_start3A_407 : memref<1x32xf32, #tpu.memory_space<hbm>> -> memref<32xf32, #tpu.memory_space<hbm>>
      tpu.enqueue_dma source(%dma_start3A_408 : memref<32xf32, #tpu.memory_space<hbm>>) target(%dma_start3A_405 : memref<32xf32, #tpu.memory_space<vmem>>) target_semaphore(%arg11 : memref<!tpu.dma_semaphore, #tpu.memory_space<semaphore_mem>>)
      %mul3A_409 = arith.constant 16 : i32
      %mul3A_410 = arith.muli %scan3A_20, %mul3A_409 : i32
      %add3A_411 = arith.constant 12 : i32
      %add3A_412 = arith.addi %mul3A_410, %add3A_411 : i32
      %slice3A_413 = vector.extract_strided_slice %get3A_23 {offsets = [12], sizes = [1], strides = [1]} : vector<16xi32> to vector<1xi32>
      %squeeze3A_414 = vector.extract %slice3A_413[0] : i32 from vector<1xi32>
      %dma_start3A_415 = arith.constant 0 : i32
      %dma_start3A_416 = tpu.memref_slice %arg9[%add3A_412, %dma_start3A_415] : memref<512x128xf32, #tpu.memory_space<vmem>> -> memref<1x32xf32, #tpu.memory_space<vmem>>
      %dma_start3A_417 = tpu.memref_squeeze %dma_start3A_416 : memref<1x32xf32, #tpu.memory_space<vmem>> -> memref<32xf32, #tpu.memory_space<vmem>>
      %dma_start3A_418 = arith.constant 0 : i32
      %dma_start3A_419 = tpu.memref_slice %arg4[%squeeze3A_414, %dma_start3A_418] : memref<1000000x32xf32, #tpu.memory_space<hbm>> -> memref<1x32xf32, #tpu.memory_space<hbm>>
      %dma_start3A_420 = tpu.memref_squeeze %dma_start3A_419 : memref<1x32xf32, #tpu.memory_space<hbm>> -> memref<32xf32, #tpu.memory_space<hbm>>
      %dma_start3A_421 = arith.constant 0 : i32
      %dma_start3A_422 = tpu.memref_slice %arg9[%add3A_412, %dma_start3A_421] : memref<512x128xf32, #tpu.memory_space<vmem>> -> memref<1x32xf32, #tpu.memory_space<vmem>>
      %dma_start3A_423 = tpu.memref_squeeze %dma_start3A_422 : memref<1x32xf32, #tpu.memory_space<vmem>> -> memref<32xf32, #tpu.memory_space<vmem>>
      %dma_start3A_424 = arith.constant 0 : i32
      %dma_start3A_425 = tpu.memref_slice %arg4[%squeeze3A_414, %dma_start3A_424] : memref<1000000x32xf32, #tpu.memory_space<hbm>> -> memref<1x32xf32, #tpu.memory_space<hbm>>
      %dma_start3A_426 = tpu.memref_squeeze %dma_start3A_425 : memref<1x32xf32, #tpu.memory_space<hbm>> -> memref<32xf32, #tpu.memory_space<hbm>>
      tpu.enqueue_dma source(%dma_start3A_426 : memref<32xf32, #tpu.memory_space<hbm>>) target(%dma_start3A_423 : memref<32xf32, #tpu.memory_space<vmem>>) target_semaphore(%arg11 : memref<!tpu.dma_semaphore, #tpu.memory_space<semaphore_mem>>)
      %slice3A_427 = vector.extract_strided_slice %get3A_27 {offsets = [12], sizes = [1], strides = [1]} : vector<16xi32> to vector<1xi32>
      %squeeze3A_428 = vector.extract %slice3A_427[0] : i32 from vector<1xi32>
      %dma_start3A_429 = arith.constant 32 : i32
      %dma_start3A_430 = tpu.memref_slice %arg9[%add3A_412, %dma_start3A_429] : memref<512x128xf32, #tpu.memory_space<vmem>> -> memref<1x32xf32, #tpu.memory_space<vmem>>
      %dma_start3A_431 = tpu.memref_squeeze %dma_start3A_430 : memref<1x32xf32, #tpu.memory_space<vmem>> -> memref<32xf32, #tpu.memory_space<vmem>>
      %dma_start3A_432 = arith.constant 0 : i32
      %dma_start3A_433 = tpu.memref_slice %arg5[%squeeze3A_428, %dma_start3A_432] : memref<1000000x32xf32, #tpu.memory_space<hbm>> -> memref<1x32xf32, #tpu.memory_space<hbm>>
      %dma_start3A_434 = tpu.memref_squeeze %dma_start3A_433 : memref<1x32xf32, #tpu.memory_space<hbm>> -> memref<32xf32, #tpu.memory_space<hbm>>
      %dma_start3A_435 = arith.constant 32 : i32
      %dma_start3A_436 = tpu.memref_slice %arg9[%add3A_412, %dma_start3A_435] : memref<512x128xf32, #tpu.memory_space<vmem>> -> memref<1x32xf32, #tpu.memory_space<vmem>>
      %dma_start3A_437 = tpu.memref_squeeze %dma_start3A_436 : memref<1x32xf32, #tpu.memory_space<vmem>> -> memref<32xf32, #tpu.memory_space<vmem>>
      %dma_start3A_438 = arith.constant 0 : i32
      %dma_start3A_439 = tpu.memref_slice %arg5[%squeeze3A_428, %dma_start3A_438] : memref<1000000x32xf32, #tpu.memory_space<hbm>> -> memref<1x32xf32, #tpu.memory_space<hbm>>
      %dma_start3A_440 = tpu.memref_squeeze %dma_start3A_439 : memref<1x32xf32, #tpu.memory_space<hbm>> -> memref<32xf32, #tpu.memory_space<hbm>>
      tpu.enqueue_dma source(%dma_start3A_440 : memref<32xf32, #tpu.memory_space<hbm>>) target(%dma_start3A_437 : memref<32xf32, #tpu.memory_space<vmem>>) target_semaphore(%arg11 : memref<!tpu.dma_semaphore, #tpu.memory_space<semaphore_mem>>)
      %mul3A_441 = arith.constant 16 : i32
      %mul3A_442 = arith.muli %scan3A_20, %mul3A_441 : i32
      %add3A_443 = arith.constant 13 : i32
      %add3A_444 = arith.addi %mul3A_442, %add3A_443 : i32
      %slice3A_445 = vector.extract_strided_slice %get3A_23 {offsets = [13], sizes = [1], strides = [1]} : vector<16xi32> to vector<1xi32>
      %squeeze3A_446 = vector.extract %slice3A_445[0] : i32 from vector<1xi32>
      %dma_start3A_447 = arith.constant 0 : i32
      %dma_start3A_448 = tpu.memref_slice %arg9[%add3A_444, %dma_start3A_447] : memref<512x128xf32, #tpu.memory_space<vmem>> -> memref<1x32xf32, #tpu.memory_space<vmem>>
      %dma_start3A_449 = tpu.memref_squeeze %dma_start3A_448 : memref<1x32xf32, #tpu.memory_space<vmem>> -> memref<32xf32, #tpu.memory_space<vmem>>
      %dma_start3A_450 = arith.constant 0 : i32
      %dma_start3A_451 = tpu.memref_slice %arg4[%squeeze3A_446, %dma_start3A_450] : memref<1000000x32xf32, #tpu.memory_space<hbm>> -> memref<1x32xf32, #tpu.memory_space<hbm>>
      %dma_start3A_452 = tpu.memref_squeeze %dma_start3A_451 : memref<1x32xf32, #tpu.memory_space<hbm>> -> memref<32xf32, #tpu.memory_space<hbm>>
      %dma_start3A_453 = arith.constant 0 : i32
      %dma_start3A_454 = tpu.memref_slice %arg9[%add3A_444, %dma_start3A_453] : memref<512x128xf32, #tpu.memory_space<vmem>> -> memref<1x32xf32, #tpu.memory_space<vmem>>
      %dma_start3A_455 = tpu.memref_squeeze %dma_start3A_454 : memref<1x32xf32, #tpu.memory_space<vmem>> -> memref<32xf32, #tpu.memory_space<vmem>>
      %dma_start3A_456 = arith.constant 0 : i32
      %dma_start3A_457 = tpu.memref_slice %arg4[%squeeze3A_446, %dma_start3A_456] : memref<1000000x32xf32, #tpu.memory_space<hbm>> -> memref<1x32xf32, #tpu.memory_space<hbm>>
      %dma_start3A_458 = tpu.memref_squeeze %dma_start3A_457 : memref<1x32xf32, #tpu.memory_space<hbm>> -> memref<32xf32, #tpu.memory_space<hbm>>
      tpu.enqueue_dma source(%dma_start3A_458 : memref<32xf32, #tpu.memory_space<hbm>>) target(%dma_start3A_455 : memref<32xf32, #tpu.memory_space<vmem>>) target_semaphore(%arg11 : memref<!tpu.dma_semaphore, #tpu.memory_space<semaphore_mem>>)
      %slice3A_459 = vector.extract_strided_slice %get3A_27 {offsets = [13], sizes = [1], strides = [1]} : vector<16xi32> to vector<1xi32>
      %squeeze3A_460 = vector.extract %slice3A_459[0] : i32 from vector<1xi32>
      %dma_start3A_461 = arith.constant 32 : i32
      %dma_start3A_462 = tpu.memref_slice %arg9[%add3A_444, %dma_start3A_461] : memref<512x128xf32, #tpu.memory_space<vmem>> -> memref<1x32xf32, #tpu.memory_space<vmem>>
      %dma_start3A_463 = tpu.memref_squeeze %dma_start3A_462 : memref<1x32xf32, #tpu.memory_space<vmem>> -> memref<32xf32, #tpu.memory_space<vmem>>
      %dma_start3A_464 = arith.constant 0 : i32
      %dma_start3A_465 = tpu.memref_slice %arg5[%squeeze3A_460, %dma_start3A_464] : memref<1000000x32xf32, #tpu.memory_space<hbm>> -> memref<1x32xf32, #tpu.memory_space<hbm>>
      %dma_start3A_466 = tpu.memref_squeeze %dma_start3A_465 : memref<1x32xf32, #tpu.memory_space<hbm>> -> memref<32xf32, #tpu.memory_space<hbm>>
      %dma_start3A_467 = arith.constant 32 : i32
      %dma_start3A_468 = tpu.memref_slice %arg9[%add3A_444, %dma_start3A_467] : memref<512x128xf32, #tpu.memory_space<vmem>> -> memref<1x32xf32, #tpu.memory_space<vmem>>
      %dma_start3A_469 = tpu.memref_squeeze %dma_start3A_468 : memref<1x32xf32, #tpu.memory_space<vmem>> -> memref<32xf32, #tpu.memory_space<vmem>>
      %dma_start3A_470 = arith.constant 0 : i32
      %dma_start3A_471 = tpu.memref_slice %arg5[%squeeze3A_460, %dma_start3A_470] : memref<1000000x32xf32, #tpu.memory_space<hbm>> -> memref<1x32xf32, #tpu.memory_space<hbm>>
      %dma_start3A_472 = tpu.memref_squeeze %dma_start3A_471 : memref<1x32xf32, #tpu.memory_space<hbm>> -> memref<32xf32, #tpu.memory_space<hbm>>
      tpu.enqueue_dma source(%dma_start3A_472 : memref<32xf32, #tpu.memory_space<hbm>>) target(%dma_start3A_469 : memref<32xf32, #tpu.memory_space<vmem>>) target_semaphore(%arg11 : memref<!tpu.dma_semaphore, #tpu.memory_space<semaphore_mem>>)
      %mul3A_473 = arith.constant 16 : i32
      %mul3A_474 = arith.muli %scan3A_20, %mul3A_473 : i32
      %add3A_475 = arith.constant 14 : i32
      %add3A_476 = arith.addi %mul3A_474, %add3A_475 : i32
      %slice3A_477 = vector.extract_strided_slice %get3A_23 {offsets = [14], sizes = [1], strides = [1]} : vector<16xi32> to vector<1xi32>
      %squeeze3A_478 = vector.extract %slice3A_477[0] : i32 from vector<1xi32>
      %dma_start3A_479 = arith.constant 0 : i32
      %dma_start3A_480 = tpu.memref_slice %arg9[%add3A_476, %dma_start3A_479] : memref<512x128xf32, #tpu.memory_space<vmem>> -> memref<1x32xf32, #tpu.memory_space<vmem>>
      %dma_start3A_481 = tpu.memref_squeeze %dma_start3A_480 : memref<1x32xf32, #tpu.memory_space<vmem>> -> memref<32xf32, #tpu.memory_space<vmem>>
      %dma_start3A_482 = arith.constant 0 : i32
      %dma_start3A_483 = tpu.memref_slice %arg4[%squeeze3A_478, %dma_start3A_482] : memref<1000000x32xf32, #tpu.memory_space<hbm>> -> memref<1x32xf32, #tpu.memory_space<hbm>>
      %dma_start3A_484 = tpu.memref_squeeze %dma_start3A_483 : memref<1x32xf32, #tpu.memory_space<hbm>> -> memref<32xf32, #tpu.memory_space<hbm>>
      %dma_start3A_485 = arith.constant 0 : i32
      %dma_start3A_486 = tpu.memref_slice %arg9[%add3A_476, %dma_start3A_485] : memref<512x128xf32, #tpu.memory_space<vmem>> -> memref<1x32xf32, #tpu.memory_space<vmem>>
      %dma_start3A_487 = tpu.memref_squeeze %dma_start3A_486 : memref<1x32xf32, #tpu.memory_space<vmem>> -> memref<32xf32, #tpu.memory_space<vmem>>
      %dma_start3A_488 = arith.constant 0 : i32
      %dma_start3A_489 = tpu.memref_slice %arg4[%squeeze3A_478, %dma_start3A_488] : memref<1000000x32xf32, #tpu.memory_space<hbm>> -> memref<1x32xf32, #tpu.memory_space<hbm>>
      %dma_start3A_490 = tpu.memref_squeeze %dma_start3A_489 : memref<1x32xf32, #tpu.memory_space<hbm>> -> memref<32xf32, #tpu.memory_space<hbm>>
      tpu.enqueue_dma source(%dma_start3A_490 : memref<32xf32, #tpu.memory_space<hbm>>) target(%dma_start3A_487 : memref<32xf32, #tpu.memory_space<vmem>>) target_semaphore(%arg11 : memref<!tpu.dma_semaphore, #tpu.memory_space<semaphore_mem>>)
      %slice3A_491 = vector.extract_strided_slice %get3A_27 {offsets = [14], sizes = [1], strides = [1]} : vector<16xi32> to vector<1xi32>
      %squeeze3A_492 = vector.extract %slice3A_491[0] : i32 from vector<1xi32>
      %dma_start3A_493 = arith.constant 32 : i32
      %dma_start3A_494 = tpu.memref_slice %arg9[%add3A_476, %dma_start3A_493] : memref<512x128xf32, #tpu.memory_space<vmem>> -> memref<1x32xf32, #tpu.memory_space<vmem>>
      %dma_start3A_495 = tpu.memref_squeeze %dma_start3A_494 : memref<1x32xf32, #tpu.memory_space<vmem>> -> memref<32xf32, #tpu.memory_space<vmem>>
      %dma_start3A_496 = arith.constant 0 : i32
      %dma_start3A_497 = tpu.memref_slice %arg5[%squeeze3A_492, %dma_start3A_496] : memref<1000000x32xf32, #tpu.memory_space<hbm>> -> memref<1x32xf32, #tpu.memory_space<hbm>>
      %dma_start3A_498 = tpu.memref_squeeze %dma_start3A_497 : memref<1x32xf32, #tpu.memory_space<hbm>> -> memref<32xf32, #tpu.memory_space<hbm>>
      %dma_start3A_499 = arith.constant 32 : i32
      %dma_start3A_500 = tpu.memref_slice %arg9[%add3A_476, %dma_start3A_499] : memref<512x128xf32, #tpu.memory_space<vmem>> -> memref<1x32xf32, #tpu.memory_space<vmem>>
      %dma_start3A_501 = tpu.memref_squeeze %dma_start3A_500 : memref<1x32xf32, #tpu.memory_space<vmem>> -> memref<32xf32, #tpu.memory_space<vmem>>
      %dma_start3A_502 = arith.constant 0 : i32
      %dma_start3A_503 = tpu.memref_slice %arg5[%squeeze3A_492, %dma_start3A_502] : memref<1000000x32xf32, #tpu.memory_space<hbm>> -> memref<1x32xf32, #tpu.memory_space<hbm>>
      %dma_start3A_504 = tpu.memref_squeeze %dma_start3A_503 : memref<1x32xf32, #tpu.memory_space<hbm>> -> memref<32xf32, #tpu.memory_space<hbm>>
      tpu.enqueue_dma source(%dma_start3A_504 : memref<32xf32, #tpu.memory_space<hbm>>) target(%dma_start3A_501 : memref<32xf32, #tpu.memory_space<vmem>>) target_semaphore(%arg11 : memref<!tpu.dma_semaphore, #tpu.memory_space<semaphore_mem>>)
      %mul3A_505 = arith.constant 16 : i32
      %mul3A_506 = arith.muli %scan3A_20, %mul3A_505 : i32
      %add3A_507 = arith.constant 15 : i32
      %add3A_508 = arith.addi %mul3A_506, %add3A_507 : i32
      %slice3A_509 = vector.extract_strided_slice %get3A_23 {offsets = [15], sizes = [1], strides = [1]} : vector<16xi32> to vector<1xi32>
      %squeeze3A_510 = vector.extract %slice3A_509[0] : i32 from vector<1xi32>
      %dma_start3A_511 = arith.constant 0 : i32
      %dma_start3A_512 = tpu.memref_slice %arg9[%add3A_508, %dma_start3A_511] : memref<512x128xf32, #tpu.memory_space<vmem>> -> memref<1x32xf32, #tpu.memory_space<vmem>>
      %dma_start3A_513 = tpu.memref_squeeze %dma_start3A_512 : memref<1x32xf32, #tpu.memory_space<vmem>> -> memref<32xf32, #tpu.memory_space<vmem>>
      %dma_start3A_514 = arith.constant 0 : i32
      %dma_start3A_515 = tpu.memref_slice %arg4[%squeeze3A_510, %dma_start3A_514] : memref<1000000x32xf32, #tpu.memory_space<hbm>> -> memref<1x32xf32, #tpu.memory_space<hbm>>
      %dma_start3A_516 = tpu.memref_squeeze %dma_start3A_515 : memref<1x32xf32, #tpu.memory_space<hbm>> -> memref<32xf32, #tpu.memory_space<hbm>>
      %dma_start3A_517 = arith.constant 0 : i32
      %dma_start3A_518 = tpu.memref_slice %arg9[%add3A_508, %dma_start3A_517] : memref<512x128xf32, #tpu.memory_space<vmem>> -> memref<1x32xf32, #tpu.memory_space<vmem>>
      %dma_start3A_519 = tpu.memref_squeeze %dma_start3A_518 : memref<1x32xf32, #tpu.memory_space<vmem>> -> memref<32xf32, #tpu.memory_space<vmem>>
      %dma_start3A_520 = arith.constant 0 : i32
      %dma_start3A_521 = tpu.memref_slice %arg4[%squeeze3A_510, %dma_start3A_520] : memref<1000000x32xf32, #tpu.memory_space<hbm>> -> memref<1x32xf32, #tpu.memory_space<hbm>>
      %dma_start3A_522 = tpu.memref_squeeze %dma_start3A_521 : memref<1x32xf32, #tpu.memory_space<hbm>> -> memref<32xf32, #tpu.memory_space<hbm>>
      tpu.enqueue_dma source(%dma_start3A_522 : memref<32xf32, #tpu.memory_space<hbm>>) target(%dma_start3A_519 : memref<32xf32, #tpu.memory_space<vmem>>) target_semaphore(%arg11 : memref<!tpu.dma_semaphore, #tpu.memory_space<semaphore_mem>>)
      %slice3A_523 = vector.extract_strided_slice %get3A_27 {offsets = [15], sizes = [1], strides = [1]} : vector<16xi32> to vector<1xi32>
      %squeeze3A_524 = vector.extract %slice3A_523[0] : i32 from vector<1xi32>
      %dma_start3A_525 = arith.constant 32 : i32
      %dma_start3A_526 = tpu.memref_slice %arg9[%add3A_508, %dma_start3A_525] : memref<512x128xf32, #tpu.memory_space<vmem>> -> memref<1x32xf32, #tpu.memory_space<vmem>>
      %dma_start3A_527 = tpu.memref_squeeze %dma_start3A_526 : memref<1x32xf32, #tpu.memory_space<vmem>> -> memref<32xf32, #tpu.memory_space<vmem>>
      %dma_start3A_528 = arith.constant 0 : i32
      %dma_start3A_529 = tpu.memref_slice %arg5[%squeeze3A_524, %dma_start3A_528] : memref<1000000x32xf32, #tpu.memory_space<hbm>> -> memref<1x32xf32, #tpu.memory_space<hbm>>
      %dma_start3A_530 = tpu.memref_squeeze %dma_start3A_529 : memref<1x32xf32, #tpu.memory_space<hbm>> -> memref<32xf32, #tpu.memory_space<hbm>>
      %dma_start3A_531 = arith.constant 32 : i32
      %dma_start3A_532 = tpu.memref_slice %arg9[%add3A_508, %dma_start3A_531] : memref<512x128xf32, #tpu.memory_space<vmem>> -> memref<1x32xf32, #tpu.memory_space<vmem>>
      %dma_start3A_533 = tpu.memref_squeeze %dma_start3A_532 : memref<1x32xf32, #tpu.memory_space<vmem>> -> memref<32xf32, #tpu.memory_space<vmem>>
      %dma_start3A_534 = arith.constant 0 : i32
      %dma_start3A_535 = tpu.memref_slice %arg5[%squeeze3A_524, %dma_start3A_534] : memref<1000000x32xf32, #tpu.memory_space<hbm>> -> memref<1x32xf32, #tpu.memory_space<hbm>>
      %dma_start3A_536 = tpu.memref_squeeze %dma_start3A_535 : memref<1x32xf32, #tpu.memory_space<hbm>> -> memref<32xf32, #tpu.memory_space<hbm>>
      tpu.enqueue_dma source(%dma_start3A_536 : memref<32xf32, #tpu.memory_space<hbm>>) target(%dma_start3A_533 : memref<32xf32, #tpu.memory_space<vmem>>) target_semaphore(%arg11 : memref<!tpu.dma_semaphore, #tpu.memory_space<semaphore_mem>>)
    }
    %scan3A_7 = arith.constant 32 : i32
    %scan3A_8 = arith.constant 0 : i32
    %scan3A_9 = arith.constant 0 : i32
    %scan3A_10 = arith.constant 32 : i32
    %scan3A_11 = arith.addi %scan3A_9, %scan3A_10 : i32
    %scan3A_12 = arith.constant 1 : i32
    scf.for %scan3A_20 = %scan3A_9 to %scan3A_11 step %scan3A_12  : i32 {
      %dma_wait3A = arith.constant 0 : i32
      %dma_wait3A_21 = arith.constant 0 : i32
      %dma_wait3A_22 = arith.constant 0 : i32
      %dma_wait3A_23 = tpu.memref_slice %arg9[%dma_wait3A_21, %dma_wait3A_22] : memref<512x128xf32, #tpu.memory_space<vmem>> -> memref<1x32xf32, #tpu.memory_space<vmem>>
      %dma_wait3A_24 = tpu.memref_squeeze %dma_wait3A_23 : memref<1x32xf32, #tpu.memory_space<vmem>> -> memref<32xf32, #tpu.memory_space<vmem>>
      %dma_wait3A_25 = arith.constant 0 : i32
      %dma_wait3A_26 = tpu.memref_slice %arg4[%dma_wait3A, %dma_wait3A_25] : memref<1000000x32xf32, #tpu.memory_space<hbm>> -> memref<1x32xf32, #tpu.memory_space<hbm>>
      %dma_wait3A_27 = tpu.memref_squeeze %dma_wait3A_26 : memref<1x32xf32, #tpu.memory_space<hbm>> -> memref<32xf32, #tpu.memory_space<hbm>>
      %dma_wait3A_28 = arith.constant 0 : i32
      %dma_wait3A_29 = tpu.memref_slice %arg9[%dma_wait3A_21, %dma_wait3A_28] : memref<512x128xf32, #tpu.memory_space<vmem>> -> memref<1x32xf32, #tpu.memory_space<vmem>>
      %dma_wait3A_30 = tpu.memref_squeeze %dma_wait3A_29 : memref<1x32xf32, #tpu.memory_space<vmem>> -> memref<32xf32, #tpu.memory_space<vmem>>
      %dma_wait3A_31 = arith.constant 0 : i32
      %dma_wait3A_32 = tpu.memref_slice %arg4[%dma_wait3A, %dma_wait3A_31] : memref<1000000x32xf32, #tpu.memory_space<hbm>> -> memref<1x32xf32, #tpu.memory_space<hbm>>
      %dma_wait3A_33 = tpu.memref_squeeze %dma_wait3A_32 : memref<1x32xf32, #tpu.memory_space<hbm>> -> memref<32xf32, #tpu.memory_space<hbm>>
      tpu.wait_dma2 semaphore(%arg11 : memref<!tpu.dma_semaphore, #tpu.memory_space<semaphore_mem>>) src(%dma_wait3A_33 : memref<32xf32, #tpu.memory_space<hbm>>) dst(%dma_wait3A_30 : memref<32xf32, #tpu.memory_space<vmem>>)
      %dma_wait3A_34 = arith.constant 0 : i32
      %dma_wait3A_35 = arith.constant 0 : i32
      %dma_wait3A_36 = arith.constant 0 : i32
      %dma_wait3A_37 = tpu.memref_slice %arg9[%dma_wait3A_35, %dma_wait3A_36] : memref<512x128xf32, #tpu.memory_space<vmem>> -> memref<1x32xf32, #tpu.memory_space<vmem>>
      %dma_wait3A_38 = tpu.memref_squeeze %dma_wait3A_37 : memref<1x32xf32, #tpu.memory_space<vmem>> -> memref<32xf32, #tpu.memory_space<vmem>>
      %dma_wait3A_39 = arith.constant 0 : i32
      %dma_wait3A_40 = tpu.memref_slice %arg4[%dma_wait3A_34, %dma_wait3A_39] : memref<1000000x32xf32, #tpu.memory_space<hbm>> -> memref<1x32xf32, #tpu.memory_space<hbm>>
      %dma_wait3A_41 = tpu.memref_squeeze %dma_wait3A_40 : memref<1x32xf32, #tpu.memory_space<hbm>> -> memref<32xf32, #tpu.memory_space<hbm>>
      %dma_wait3A_42 = arith.constant 0 : i32
      %dma_wait3A_43 = tpu.memref_slice %arg9[%dma_wait3A_35, %dma_wait3A_42] : memref<512x128xf32, #tpu.memory_space<vmem>> -> memref<1x32xf32, #tpu.memory_space<vmem>>
      %dma_wait3A_44 = tpu.memref_squeeze %dma_wait3A_43 : memref<1x32xf32, #tpu.memory_space<vmem>> -> memref<32xf32, #tpu.memory_space<vmem>>
      %dma_wait3A_45 = arith.constant 0 : i32
      %dma_wait3A_46 = tpu.memref_slice %arg4[%dma_wait3A_34, %dma_wait3A_45] : memref<1000000x32xf32, #tpu.memory_space<hbm>> -> memref<1x32xf32, #tpu.memory_space<hbm>>
      %dma_wait3A_47 = tpu.memref_squeeze %dma_wait3A_46 : memref<1x32xf32, #tpu.memory_space<hbm>> -> memref<32xf32, #tpu.memory_space<hbm>>
      tpu.wait_dma2 semaphore(%arg11 : memref<!tpu.dma_semaphore, #tpu.memory_space<semaphore_mem>>) src(%dma_wait3A_47 : memref<32xf32, #tpu.memory_space<hbm>>) dst(%dma_wait3A_44 : memref<32xf32, #tpu.memory_space<vmem>>)
      %dma_wait3A_48 = arith.constant 0 : i32
      %dma_wait3A_49 = arith.constant 0 : i32
      %dma_wait3A_50 = arith.constant 0 : i32
      %dma_wait3A_51 = tpu.memref_slice %arg9[%dma_wait3A_49, %dma_wait3A_50] : memref<512x128xf32, #tpu.memory_space<vmem>> -> memref<1x32xf32, #tpu.memory_space<vmem>>
      %dma_wait3A_52 = tpu.memref_squeeze %dma_wait3A_51 : memref<1x32xf32, #tpu.memory_space<vmem>> -> memref<32xf32, #tpu.memory_space<vmem>>
      %dma_wait3A_53 = arith.constant 0 : i32
      %dma_wait3A_54 = tpu.memref_slice %arg4[%dma_wait3A_48, %dma_wait3A_53] : memref<1000000x32xf32, #tpu.memory_space<hbm>> -> memref<1x32xf32, #tpu.memory_space<hbm>>
      %dma_wait3A_55 = tpu.memref_squeeze %dma_wait3A_54 : memref<1x32xf32, #tpu.memory_space<hbm>> -> memref<32xf32, #tpu.memory_space<hbm>>
      %dma_wait3A_56 = arith.constant 0 : i32
      %dma_wait3A_57 = tpu.memref_slice %arg9[%dma_wait3A_49, %dma_wait3A_56] : memref<512x128xf32, #tpu.memory_space<vmem>> -> memref<1x32xf32, #tpu.memory_space<vmem>>
      %dma_wait3A_58 = tpu.memref_squeeze %dma_wait3A_57 : memref<1x32xf32, #tpu.memory_space<vmem>> -> memref<32xf32, #tpu.memory_space<vmem>>
      %dma_wait3A_59 = arith.constant 0 : i32
      %dma_wait3A_60 = tpu.memref_slice %arg4[%dma_wait3A_48, %dma_wait3A_59] : memref<1000000x32xf32, #tpu.memory_space<hbm>> -> memref<1x32xf32, #tpu.memory_space<hbm>>
      %dma_wait3A_61 = tpu.memref_squeeze %dma_wait3A_60 : memref<1x32xf32, #tpu.memory_space<hbm>> -> memref<32xf32, #tpu.memory_space<hbm>>
      tpu.wait_dma2 semaphore(%arg11 : memref<!tpu.dma_semaphore, #tpu.memory_space<semaphore_mem>>) src(%dma_wait3A_61 : memref<32xf32, #tpu.memory_space<hbm>>) dst(%dma_wait3A_58 : memref<32xf32, #tpu.memory_space<vmem>>)
      %dma_wait3A_62 = arith.constant 0 : i32
      %dma_wait3A_63 = arith.constant 0 : i32
      %dma_wait3A_64 = arith.constant 0 : i32
      %dma_wait3A_65 = tpu.memref_slice %arg9[%dma_wait3A_63, %dma_wait3A_64] : memref<512x128xf32, #tpu.memory_space<vmem>> -> memref<1x32xf32, #tpu.memory_space<vmem>>
      %dma_wait3A_66 = tpu.memref_squeeze %dma_wait3A_65 : memref<1x32xf32, #tpu.memory_space<vmem>> -> memref<32xf32, #tpu.memory_space<vmem>>
      %dma_wait3A_67 = arith.constant 0 : i32
      %dma_wait3A_68 = tpu.memref_slice %arg4[%dma_wait3A_62, %dma_wait3A_67] : memref<1000000x32xf32, #tpu.memory_space<hbm>> -> memref<1x32xf32, #tpu.memory_space<hbm>>
      %dma_wait3A_69 = tpu.memref_squeeze %dma_wait3A_68 : memref<1x32xf32, #tpu.memory_space<hbm>> -> memref<32xf32, #tpu.memory_space<hbm>>
      %dma_wait3A_70 = arith.constant 0 : i32
      %dma_wait3A_71 = tpu.memref_slice %arg9[%dma_wait3A_63, %dma_wait3A_70] : memref<512x128xf32, #tpu.memory_space<vmem>> -> memref<1x32xf32, #tpu.memory_space<vmem>>
      %dma_wait3A_72 = tpu.memref_squeeze %dma_wait3A_71 : memref<1x32xf32, #tpu.memory_space<vmem>> -> memref<32xf32, #tpu.memory_space<vmem>>
      %dma_wait3A_73 = arith.constant 0 : i32
      %dma_wait3A_74 = tpu.memref_slice %arg4[%dma_wait3A_62, %dma_wait3A_73] : memref<1000000x32xf32, #tpu.memory_space<hbm>> -> memref<1x32xf32, #tpu.memory_space<hbm>>
      %dma_wait3A_75 = tpu.memref_squeeze %dma_wait3A_74 : memref<1x32xf32, #tpu.memory_space<hbm>> -> memref<32xf32, #tpu.memory_space<hbm>>
      tpu.wait_dma2 semaphore(%arg11 : memref<!tpu.dma_semaphore, #tpu.memory_space<semaphore_mem>>) src(%dma_wait3A_75 : memref<32xf32, #tpu.memory_space<hbm>>) dst(%dma_wait3A_72 : memref<32xf32, #tpu.memory_space<vmem>>)
      %dma_wait3A_76 = arith.constant 0 : i32
      %dma_wait3A_77 = arith.constant 0 : i32
      %dma_wait3A_78 = arith.constant 0 : i32
      %dma_wait3A_79 = tpu.memref_slice %arg9[%dma_wait3A_77, %dma_wait3A_78] : memref<512x128xf32, #tpu.memory_space<vmem>> -> memref<1x32xf32, #tpu.memory_space<vmem>>
      %dma_wait3A_80 = tpu.memref_squeeze %dma_wait3A_79 : memref<1x32xf32, #tpu.memory_space<vmem>> -> memref<32xf32, #tpu.memory_space<vmem>>
      %dma_wait3A_81 = arith.constant 0 : i32
      %dma_wait3A_82 = tpu.memref_slice %arg4[%dma_wait3A_76, %dma_wait3A_81] : memref<1000000x32xf32, #tpu.memory_space<hbm>> -> memref<1x32xf32, #tpu.memory_space<hbm>>
      %dma_wait3A_83 = tpu.memref_squeeze %dma_wait3A_82 : memref<1x32xf32, #tpu.memory_space<hbm>> -> memref<32xf32, #tpu.memory_space<hbm>>
      %dma_wait3A_84 = arith.constant 0 : i32
      %dma_wait3A_85 = tpu.memref_slice %arg9[%dma_wait3A_77, %dma_wait3A_84] : memref<512x128xf32, #tpu.memory_space<vmem>> -> memref<1x32xf32, #tpu.memory_space<vmem>>
      %dma_wait3A_86 = tpu.memref_squeeze %dma_wait3A_85 : memref<1x32xf32, #tpu.memory_space<vmem>> -> memref<32xf32, #tpu.memory_space<vmem>>
      %dma_wait3A_87 = arith.constant 0 : i32
      %dma_wait3A_88 = tpu.memref_slice %arg4[%dma_wait3A_76, %dma_wait3A_87] : memref<1000000x32xf32, #tpu.memory_space<hbm>> -> memref<1x32xf32, #tpu.memory_space<hbm>>
      %dma_wait3A_89 = tpu.memref_squeeze %dma_wait3A_88 : memref<1x32xf32, #tpu.memory_space<hbm>> -> memref<32xf32, #tpu.memory_space<hbm>>
      tpu.wait_dma2 semaphore(%arg11 : memref<!tpu.dma_semaphore, #tpu.memory_space<semaphore_mem>>) src(%dma_wait3A_89 : memref<32xf32, #tpu.memory_space<hbm>>) dst(%dma_wait3A_86 : memref<32xf32, #tpu.memory_space<vmem>>)
      %dma_wait3A_90 = arith.constant 0 : i32
      %dma_wait3A_91 = arith.constant 0 : i32
      %dma_wait3A_92 = arith.constant 0 : i32
      %dma_wait3A_93 = tpu.memref_slice %arg9[%dma_wait3A_91, %dma_wait3A_92] : memref<512x128xf32, #tpu.memory_space<vmem>> -> memref<1x32xf32, #tpu.memory_space<vmem>>
      %dma_wait3A_94 = tpu.memref_squeeze %dma_wait3A_93 : memref<1x32xf32, #tpu.memory_space<vmem>> -> memref<32xf32, #tpu.memory_space<vmem>>
      %dma_wait3A_95 = arith.constant 0 : i32
      %dma_wait3A_96 = tpu.memref_slice %arg4[%dma_wait3A_90, %dma_wait3A_95] : memref<1000000x32xf32, #tpu.memory_space<hbm>> -> memref<1x32xf32, #tpu.memory_space<hbm>>
      %dma_wait3A_97 = tpu.memref_squeeze %dma_wait3A_96 : memref<1x32xf32, #tpu.memory_space<hbm>> -> memref<32xf32, #tpu.memory_space<hbm>>
      %dma_wait3A_98 = arith.constant 0 : i32
      %dma_wait3A_99 = tpu.memref_slice %arg9[%dma_wait3A_91, %dma_wait3A_98] : memref<512x128xf32, #tpu.memory_space<vmem>> -> memref<1x32xf32, #tpu.memory_space<vmem>>
      %dma_wait3A_100 = tpu.memref_squeeze %dma_wait3A_99 : memref<1x32xf32, #tpu.memory_space<vmem>> -> memref<32xf32, #tpu.memory_space<vmem>>
      %dma_wait3A_101 = arith.constant 0 : i32
      %dma_wait3A_102 = tpu.memref_slice %arg4[%dma_wait3A_90, %dma_wait3A_101] : memref<1000000x32xf32, #tpu.memory_space<hbm>> -> memref<1x32xf32, #tpu.memory_space<hbm>>
      %dma_wait3A_103 = tpu.memref_squeeze %dma_wait3A_102 : memref<1x32xf32, #tpu.memory_space<hbm>> -> memref<32xf32, #tpu.memory_space<hbm>>
      tpu.wait_dma2 semaphore(%arg11 : memref<!tpu.dma_semaphore, #tpu.memory_space<semaphore_mem>>) src(%dma_wait3A_103 : memref<32xf32, #tpu.memory_space<hbm>>) dst(%dma_wait3A_100 : memref<32xf32, #tpu.memory_space<vmem>>)
      %dma_wait3A_104 = arith.constant 0 : i32
      %dma_wait3A_105 = arith.constant 0 : i32
      %dma_wait3A_106 = arith.constant 0 : i32
      %dma_wait3A_107 = tpu.memref_slice %arg9[%dma_wait3A_105, %dma_wait3A_106] : memref<512x128xf32, #tpu.memory_space<vmem>> -> memref<1x32xf32, #tpu.memory_space<vmem>>
      %dma_wait3A_108 = tpu.memref_squeeze %dma_wait3A_107 : memref<1x32xf32, #tpu.memory_space<vmem>> -> memref<32xf32, #tpu.memory_space<vmem>>
      %dma_wait3A_109 = arith.constant 0 : i32
      %dma_wait3A_110 = tpu.memref_slice %arg4[%dma_wait3A_104, %dma_wait3A_109] : memref<1000000x32xf32, #tpu.memory_space<hbm>> -> memref<1x32xf32, #tpu.memory_space<hbm>>
      %dma_wait3A_111 = tpu.memref_squeeze %dma_wait3A_110 : memref<1x32xf32, #tpu.memory_space<hbm>> -> memref<32xf32, #tpu.memory_space<hbm>>
      %dma_wait3A_112 = arith.constant 0 : i32
      %dma_wait3A_113 = tpu.memref_slice %arg9[%dma_wait3A_105, %dma_wait3A_112] : memref<512x128xf32, #tpu.memory_space<vmem>> -> memref<1x32xf32, #tpu.memory_space<vmem>>
      %dma_wait3A_114 = tpu.memref_squeeze %dma_wait3A_113 : memref<1x32xf32, #tpu.memory_space<vmem>> -> memref<32xf32, #tpu.memory_space<vmem>>
      %dma_wait3A_115 = arith.constant 0 : i32
      %dma_wait3A_116 = tpu.memref_slice %arg4[%dma_wait3A_104, %dma_wait3A_115] : memref<1000000x32xf32, #tpu.memory_space<hbm>> -> memref<1x32xf32, #tpu.memory_space<hbm>>
      %dma_wait3A_117 = tpu.memref_squeeze %dma_wait3A_116 : memref<1x32xf32, #tpu.memory_space<hbm>> -> memref<32xf32, #tpu.memory_space<hbm>>
      tpu.wait_dma2 semaphore(%arg11 : memref<!tpu.dma_semaphore, #tpu.memory_space<semaphore_mem>>) src(%dma_wait3A_117 : memref<32xf32, #tpu.memory_space<hbm>>) dst(%dma_wait3A_114 : memref<32xf32, #tpu.memory_space<vmem>>)
      %dma_wait3A_118 = arith.constant 0 : i32
      %dma_wait3A_119 = arith.constant 0 : i32
      %dma_wait3A_120 = arith.constant 0 : i32
      %dma_wait3A_121 = tpu.memref_slice %arg9[%dma_wait3A_119, %dma_wait3A_120] : memref<512x128xf32, #tpu.memory_space<vmem>> -> memref<1x32xf32, #tpu.memory_space<vmem>>
      %dma_wait3A_122 = tpu.memref_squeeze %dma_wait3A_121 : memref<1x32xf32, #tpu.memory_space<vmem>> -> memref<32xf32, #tpu.memory_space<vmem>>
      %dma_wait3A_123 = arith.constant 0 : i32
      %dma_wait3A_124 = tpu.memref_slice %arg4[%dma_wait3A_118, %dma_wait3A_123] : memref<1000000x32xf32, #tpu.memory_space<hbm>> -> memref<1x32xf32, #tpu.memory_space<hbm>>
      %dma_wait3A_125 = tpu.memref_squeeze %dma_wait3A_124 : memref<1x32xf32, #tpu.memory_space<hbm>> -> memref<32xf32, #tpu.memory_space<hbm>>
      %dma_wait3A_126 = arith.constant 0 : i32
      %dma_wait3A_127 = tpu.memref_slice %arg9[%dma_wait3A_119, %dma_wait3A_126] : memref<512x128xf32, #tpu.memory_space<vmem>> -> memref<1x32xf32, #tpu.memory_space<vmem>>
      %dma_wait3A_128 = tpu.memref_squeeze %dma_wait3A_127 : memref<1x32xf32, #tpu.memory_space<vmem>> -> memref<32xf32, #tpu.memory_space<vmem>>
      %dma_wait3A_129 = arith.constant 0 : i32
      %dma_wait3A_130 = tpu.memref_slice %arg4[%dma_wait3A_118, %dma_wait3A_129] : memref<1000000x32xf32, #tpu.memory_space<hbm>> -> memref<1x32xf32, #tpu.memory_space<hbm>>
      %dma_wait3A_131 = tpu.memref_squeeze %dma_wait3A_130 : memref<1x32xf32, #tpu.memory_space<hbm>> -> memref<32xf32, #tpu.memory_space<hbm>>
      tpu.wait_dma2 semaphore(%arg11 : memref<!tpu.dma_semaphore, #tpu.memory_space<semaphore_mem>>) src(%dma_wait3A_131 : memref<32xf32, #tpu.memory_space<hbm>>) dst(%dma_wait3A_128 : memref<32xf32, #tpu.memory_space<vmem>>)
      %dma_wait3A_132 = arith.constant 0 : i32
      %dma_wait3A_133 = arith.constant 0 : i32
      %dma_wait3A_134 = arith.constant 0 : i32
      %dma_wait3A_135 = tpu.memref_slice %arg9[%dma_wait3A_133, %dma_wait3A_134] : memref<512x128xf32, #tpu.memory_space<vmem>> -> memref<1x32xf32, #tpu.memory_space<vmem>>
      %dma_wait3A_136 = tpu.memref_squeeze %dma_wait3A_135 : memref<1x32xf32, #tpu.memory_space<vmem>> -> memref<32xf32, #tpu.memory_space<vmem>>
      %dma_wait3A_137 = arith.constant 0 : i32
      %dma_wait3A_138 = tpu.memref_slice %arg4[%dma_wait3A_132, %dma_wait3A_137] : memref<1000000x32xf32, #tpu.memory_space<hbm>> -> memref<1x32xf32, #tpu.memory_space<hbm>>
      %dma_wait3A_139 = tpu.memref_squeeze %dma_wait3A_138 : memref<1x32xf32, #tpu.memory_space<hbm>> -> memref<32xf32, #tpu.memory_space<hbm>>
      %dma_wait3A_140 = arith.constant 0 : i32
      %dma_wait3A_141 = tpu.memref_slice %arg9[%dma_wait3A_133, %dma_wait3A_140] : memref<512x128xf32, #tpu.memory_space<vmem>> -> memref<1x32xf32, #tpu.memory_space<vmem>>
      %dma_wait3A_142 = tpu.memref_squeeze %dma_wait3A_141 : memref<1x32xf32, #tpu.memory_space<vmem>> -> memref<32xf32, #tpu.memory_space<vmem>>
      %dma_wait3A_143 = arith.constant 0 : i32
      %dma_wait3A_144 = tpu.memref_slice %arg4[%dma_wait3A_132, %dma_wait3A_143] : memref<1000000x32xf32, #tpu.memory_space<hbm>> -> memref<1x32xf32, #tpu.memory_space<hbm>>
      %dma_wait3A_145 = tpu.memref_squeeze %dma_wait3A_144 : memref<1x32xf32, #tpu.memory_space<hbm>> -> memref<32xf32, #tpu.memory_space<hbm>>
      tpu.wait_dma2 semaphore(%arg11 : memref<!tpu.dma_semaphore, #tpu.memory_space<semaphore_mem>>) src(%dma_wait3A_145 : memref<32xf32, #tpu.memory_space<hbm>>) dst(%dma_wait3A_142 : memref<32xf32, #tpu.memory_space<vmem>>)
      %dma_wait3A_146 = arith.constant 0 : i32
      %dma_wait3A_147 = arith.constant 0 : i32
      %dma_wait3A_148 = arith.constant 0 : i32
      %dma_wait3A_149 = tpu.memref_slice %arg9[%dma_wait3A_147, %dma_wait3A_148] : memref<512x128xf32, #tpu.memory_space<vmem>> -> memref<1x32xf32, #tpu.memory_space<vmem>>
      %dma_wait3A_150 = tpu.memref_squeeze %dma_wait3A_149 : memref<1x32xf32, #tpu.memory_space<vmem>> -> memref<32xf32, #tpu.memory_space<vmem>>
      %dma_wait3A_151 = arith.constant 0 : i32
      %dma_wait3A_152 = tpu.memref_slice %arg4[%dma_wait3A_146, %dma_wait3A_151] : memref<1000000x32xf32, #tpu.memory_space<hbm>> -> memref<1x32xf32, #tpu.memory_space<hbm>>
      %dma_wait3A_153 = tpu.memref_squeeze %dma_wait3A_152 : memref<1x32xf32, #tpu.memory_space<hbm>> -> memref<32xf32, #tpu.memory_space<hbm>>
      %dma_wait3A_154 = arith.constant 0 : i32
      %dma_wait3A_155 = tpu.memref_slice %arg9[%dma_wait3A_147, %dma_wait3A_154] : memref<512x128xf32, #tpu.memory_space<vmem>> -> memref<1x32xf32, #tpu.memory_space<vmem>>
      %dma_wait3A_156 = tpu.memref_squeeze %dma_wait3A_155 : memref<1x32xf32, #tpu.memory_space<vmem>> -> memref<32xf32, #tpu.memory_space<vmem>>
      %dma_wait3A_157 = arith.constant 0 : i32
      %dma_wait3A_158 = tpu.memref_slice %arg4[%dma_wait3A_146, %dma_wait3A_157] : memref<1000000x32xf32, #tpu.memory_space<hbm>> -> memref<1x32xf32, #tpu.memory_space<hbm>>
      %dma_wait3A_159 = tpu.memref_squeeze %dma_wait3A_158 : memref<1x32xf32, #tpu.memory_space<hbm>> -> memref<32xf32, #tpu.memory_space<hbm>>
      tpu.wait_dma2 semaphore(%arg11 : memref<!tpu.dma_semaphore, #tpu.memory_space<semaphore_mem>>) src(%dma_wait3A_159 : memref<32xf32, #tpu.memory_space<hbm>>) dst(%dma_wait3A_156 : memref<32xf32, #tpu.memory_space<vmem>>)
      %dma_wait3A_160 = arith.constant 0 : i32
      %dma_wait3A_161 = arith.constant 0 : i32
      %dma_wait3A_162 = arith.constant 0 : i32
      %dma_wait3A_163 = tpu.memref_slice %arg9[%dma_wait3A_161, %dma_wait3A_162] : memref<512x128xf32, #tpu.memory_space<vmem>> -> memref<1x32xf32, #tpu.memory_space<vmem>>
      %dma_wait3A_164 = tpu.memref_squeeze %dma_wait3A_163 : memref<1x32xf32, #tpu.memory_space<vmem>> -> memref<32xf32, #tpu.memory_space<vmem>>
      %dma_wait3A_165 = arith.constant 0 : i32
      %dma_wait3A_166 = tpu.memref_slice %arg4[%dma_wait3A_160, %dma_wait3A_165] : memref<1000000x32xf32, #tpu.memory_space<hbm>> -> memref<1x32xf32, #tpu.memory_space<hbm>>
      %dma_wait3A_167 = tpu.memref_squeeze %dma_wait3A_166 : memref<1x32xf32, #tpu.memory_space<hbm>> -> memref<32xf32, #tpu.memory_space<hbm>>
      %dma_wait3A_168 = arith.constant 0 : i32
      %dma_wait3A_169 = tpu.memref_slice %arg9[%dma_wait3A_161, %dma_wait3A_168] : memref<512x128xf32, #tpu.memory_space<vmem>> -> memref<1x32xf32, #tpu.memory_space<vmem>>
      %dma_wait3A_170 = tpu.memref_squeeze %dma_wait3A_169 : memref<1x32xf32, #tpu.memory_space<vmem>> -> memref<32xf32, #tpu.memory_space<vmem>>
      %dma_wait3A_171 = arith.constant 0 : i32
      %dma_wait3A_172 = tpu.memref_slice %arg4[%dma_wait3A_160, %dma_wait3A_171] : memref<1000000x32xf32, #tpu.memory_space<hbm>> -> memref<1x32xf32, #tpu.memory_space<hbm>>
      %dma_wait3A_173 = tpu.memref_squeeze %dma_wait3A_172 : memref<1x32xf32, #tpu.memory_space<hbm>> -> memref<32xf32, #tpu.memory_space<hbm>>
      tpu.wait_dma2 semaphore(%arg11 : memref<!tpu.dma_semaphore, #tpu.memory_space<semaphore_mem>>) src(%dma_wait3A_173 : memref<32xf32, #tpu.memory_space<hbm>>) dst(%dma_wait3A_170 : memref<32xf32, #tpu.memory_space<vmem>>)
      %dma_wait3A_174 = arith.constant 0 : i32
      %dma_wait3A_175 = arith.constant 0 : i32
      %dma_wait3A_176 = arith.constant 0 : i32
      %dma_wait3A_177 = tpu.memref_slice %arg9[%dma_wait3A_175, %dma_wait3A_176] : memref<512x128xf32, #tpu.memory_space<vmem>> -> memref<1x32xf32, #tpu.memory_space<vmem>>
      %dma_wait3A_178 = tpu.memref_squeeze %dma_wait3A_177 : memref<1x32xf32, #tpu.memory_space<vmem>> -> memref<32xf32, #tpu.memory_space<vmem>>
      %dma_wait3A_179 = arith.constant 0 : i32
      %dma_wait3A_180 = tpu.memref_slice %arg4[%dma_wait3A_174, %dma_wait3A_179] : memref<1000000x32xf32, #tpu.memory_space<hbm>> -> memref<1x32xf32, #tpu.memory_space<hbm>>
      %dma_wait3A_181 = tpu.memref_squeeze %dma_wait3A_180 : memref<1x32xf32, #tpu.memory_space<hbm>> -> memref<32xf32, #tpu.memory_space<hbm>>
      %dma_wait3A_182 = arith.constant 0 : i32
      %dma_wait3A_183 = tpu.memref_slice %arg9[%dma_wait3A_175, %dma_wait3A_182] : memref<512x128xf32, #tpu.memory_space<vmem>> -> memref<1x32xf32, #tpu.memory_space<vmem>>
      %dma_wait3A_184 = tpu.memref_squeeze %dma_wait3A_183 : memref<1x32xf32, #tpu.memory_space<vmem>> -> memref<32xf32, #tpu.memory_space<vmem>>
      %dma_wait3A_185 = arith.constant 0 : i32
      %dma_wait3A_186 = tpu.memref_slice %arg4[%dma_wait3A_174, %dma_wait3A_185] : memref<1000000x32xf32, #tpu.memory_space<hbm>> -> memref<1x32xf32, #tpu.memory_space<hbm>>
      %dma_wait3A_187 = tpu.memref_squeeze %dma_wait3A_186 : memref<1x32xf32, #tpu.memory_space<hbm>> -> memref<32xf32, #tpu.memory_space<hbm>>
      tpu.wait_dma2 semaphore(%arg11 : memref<!tpu.dma_semaphore, #tpu.memory_space<semaphore_mem>>) src(%dma_wait3A_187 : memref<32xf32, #tpu.memory_space<hbm>>) dst(%dma_wait3A_184 : memref<32xf32, #tpu.memory_space<vmem>>)
      %dma_wait3A_188 = arith.constant 0 : i32
      %dma_wait3A_189 = arith.constant 0 : i32
      %dma_wait3A_190 = arith.constant 0 : i32
      %dma_wait3A_191 = tpu.memref_slice %arg9[%dma_wait3A_189, %dma_wait3A_190] : memref<512x128xf32, #tpu.memory_space<vmem>> -> memref<1x32xf32, #tpu.memory_space<vmem>>
      %dma_wait3A_192 = tpu.memref_squeeze %dma_wait3A_191 : memref<1x32xf32, #tpu.memory_space<vmem>> -> memref<32xf32, #tpu.memory_space<vmem>>
      %dma_wait3A_193 = arith.constant 0 : i32
      %dma_wait3A_194 = tpu.memref_slice %arg4[%dma_wait3A_188, %dma_wait3A_193] : memref<1000000x32xf32, #tpu.memory_space<hbm>> -> memref<1x32xf32, #tpu.memory_space<hbm>>
      %dma_wait3A_195 = tpu.memref_squeeze %dma_wait3A_194 : memref<1x32xf32, #tpu.memory_space<hbm>> -> memref<32xf32, #tpu.memory_space<hbm>>
      %dma_wait3A_196 = arith.constant 0 : i32
      %dma_wait3A_197 = tpu.memref_slice %arg9[%dma_wait3A_189, %dma_wait3A_196] : memref<512x128xf32, #tpu.memory_space<vmem>> -> memref<1x32xf32, #tpu.memory_space<vmem>>
      %dma_wait3A_198 = tpu.memref_squeeze %dma_wait3A_197 : memref<1x32xf32, #tpu.memory_space<vmem>> -> memref<32xf32, #tpu.memory_space<vmem>>
      %dma_wait3A_199 = arith.constant 0 : i32
      %dma_wait3A_200 = tpu.memref_slice %arg4[%dma_wait3A_188, %dma_wait3A_199] : memref<1000000x32xf32, #tpu.memory_space<hbm>> -> memref<1x32xf32, #tpu.memory_space<hbm>>
      %dma_wait3A_201 = tpu.memref_squeeze %dma_wait3A_200 : memref<1x32xf32, #tpu.memory_space<hbm>> -> memref<32xf32, #tpu.memory_space<hbm>>
      tpu.wait_dma2 semaphore(%arg11 : memref<!tpu.dma_semaphore, #tpu.memory_space<semaphore_mem>>) src(%dma_wait3A_201 : memref<32xf32, #tpu.memory_space<hbm>>) dst(%dma_wait3A_198 : memref<32xf32, #tpu.memory_space<vmem>>)
      %dma_wait3A_202 = arith.constant 0 : i32
      %dma_wait3A_203 = arith.constant 0 : i32
      %dma_wait3A_204 = arith.constant 0 : i32
      %dma_wait3A_205 = tpu.memref_slice %arg9[%dma_wait3A_203, %dma_wait3A_204] : memref<512x128xf32, #tpu.memory_space<vmem>> -> memref<1x32xf32, #tpu.memory_space<vmem>>
      %dma_wait3A_206 = tpu.memref_squeeze %dma_wait3A_205 : memref<1x32xf32, #tpu.memory_space<vmem>> -> memref<32xf32, #tpu.memory_space<vmem>>
      %dma_wait3A_207 = arith.constant 0 : i32
      %dma_wait3A_208 = tpu.memref_slice %arg4[%dma_wait3A_202, %dma_wait3A_207] : memref<1000000x32xf32, #tpu.memory_space<hbm>> -> memref<1x32xf32, #tpu.memory_space<hbm>>
      %dma_wait3A_209 = tpu.memref_squeeze %dma_wait3A_208 : memref<1x32xf32, #tpu.memory_space<hbm>> -> memref<32xf32, #tpu.memory_space<hbm>>
      %dma_wait3A_210 = arith.constant 0 : i32
      %dma_wait3A_211 = tpu.memref_slice %arg9[%dma_wait3A_203, %dma_wait3A_210] : memref<512x128xf32, #tpu.memory_space<vmem>> -> memref<1x32xf32, #tpu.memory_space<vmem>>
      %dma_wait3A_212 = tpu.memref_squeeze %dma_wait3A_211 : memref<1x32xf32, #tpu.memory_space<vmem>> -> memref<32xf32, #tpu.memory_space<vmem>>
      %dma_wait3A_213 = arith.constant 0 : i32
      %dma_wait3A_214 = tpu.memref_slice %arg4[%dma_wait3A_202, %dma_wait3A_213] : memref<1000000x32xf32, #tpu.memory_space<hbm>> -> memref<1x32xf32, #tpu.memory_space<hbm>>
      %dma_wait3A_215 = tpu.memref_squeeze %dma_wait3A_214 : memref<1x32xf32, #tpu.memory_space<hbm>> -> memref<32xf32, #tpu.memory_space<hbm>>
      tpu.wait_dma2 semaphore(%arg11 : memref<!tpu.dma_semaphore, #tpu.memory_space<semaphore_mem>>) src(%dma_wait3A_215 : memref<32xf32, #tpu.memory_space<hbm>>) dst(%dma_wait3A_212 : memref<32xf32, #tpu.memory_space<vmem>>)
      %dma_wait3A_216 = arith.constant 0 : i32
      %dma_wait3A_217 = arith.constant 0 : i32
      %dma_wait3A_218 = arith.constant 0 : i32
      %dma_wait3A_219 = tpu.memref_slice %arg9[%dma_wait3A_217, %dma_wait3A_218] : memref<512x128xf32, #tpu.memory_space<vmem>> -> memref<1x32xf32, #tpu.memory_space<vmem>>
      %dma_wait3A_220 = tpu.memref_squeeze %dma_wait3A_219 : memref<1x32xf32, #tpu.memory_space<vmem>> -> memref<32xf32, #tpu.memory_space<vmem>>
      %dma_wait3A_221 = arith.constant 0 : i32
      %dma_wait3A_222 = tpu.memref_slice %arg4[%dma_wait3A_216, %dma_wait3A_221] : memref<1000000x32xf32, #tpu.memory_space<hbm>> -> memref<1x32xf32, #tpu.memory_space<hbm>>
      %dma_wait3A_223 = tpu.memref_squeeze %dma_wait3A_222 : memref<1x32xf32, #tpu.memory_space<hbm>> -> memref<32xf32, #tpu.memory_space<hbm>>
      %dma_wait3A_224 = arith.constant 0 : i32
      %dma_wait3A_225 = tpu.memref_slice %arg9[%dma_wait3A_217, %dma_wait3A_224] : memref<512x128xf32, #tpu.memory_space<vmem>> -> memref<1x32xf32, #tpu.memory_space<vmem>>
      %dma_wait3A_226 = tpu.memref_squeeze %dma_wait3A_225 : memref<1x32xf32, #tpu.memory_space<vmem>> -> memref<32xf32, #tpu.memory_space<vmem>>
      %dma_wait3A_227 = arith.constant 0 : i32
      %dma_wait3A_228 = tpu.memref_slice %arg4[%dma_wait3A_216, %dma_wait3A_227] : memref<1000000x32xf32, #tpu.memory_space<hbm>> -> memref<1x32xf32, #tpu.memory_space<hbm>>
      %dma_wait3A_229 = tpu.memref_squeeze %dma_wait3A_228 : memref<1x32xf32, #tpu.memory_space<hbm>> -> memref<32xf32, #tpu.memory_space<hbm>>
      tpu.wait_dma2 semaphore(%arg11 : memref<!tpu.dma_semaphore, #tpu.memory_space<semaphore_mem>>) src(%dma_wait3A_229 : memref<32xf32, #tpu.memory_space<hbm>>) dst(%dma_wait3A_226 : memref<32xf32, #tpu.memory_space<vmem>>)
      %dma_wait3A_230 = arith.constant 0 : i32
      %dma_wait3A_231 = arith.constant 0 : i32
      %dma_wait3A_232 = arith.constant 0 : i32
      %dma_wait3A_233 = tpu.memref_slice %arg9[%dma_wait3A_231, %dma_wait3A_232] : memref<512x128xf32, #tpu.memory_space<vmem>> -> memref<1x32xf32, #tpu.memory_space<vmem>>
      %dma_wait3A_234 = tpu.memref_squeeze %dma_wait3A_233 : memref<1x32xf32, #tpu.memory_space<vmem>> -> memref<32xf32, #tpu.memory_space<vmem>>
      %dma_wait3A_235 = arith.constant 0 : i32
      %dma_wait3A_236 = tpu.memref_slice %arg4[%dma_wait3A_230, %dma_wait3A_235] : memref<1000000x32xf32, #tpu.memory_space<hbm>> -> memref<1x32xf32, #tpu.memory_space<hbm>>
      %dma_wait3A_237 = tpu.memref_squeeze %dma_wait3A_236 : memref<1x32xf32, #tpu.memory_space<hbm>> -> memref<32xf32, #tpu.memory_space<hbm>>
      %dma_wait3A_238 = arith.constant 0 : i32
      %dma_wait3A_239 = tpu.memref_slice %arg9[%dma_wait3A_231, %dma_wait3A_238] : memref<512x128xf32, #tpu.memory_space<vmem>> -> memref<1x32xf32, #tpu.memory_space<vmem>>
      %dma_wait3A_240 = tpu.memref_squeeze %dma_wait3A_239 : memref<1x32xf32, #tpu.memory_space<vmem>> -> memref<32xf32, #tpu.memory_space<vmem>>
      %dma_wait3A_241 = arith.constant 0 : i32
      %dma_wait3A_242 = tpu.memref_slice %arg4[%dma_wait3A_230, %dma_wait3A_241] : memref<1000000x32xf32, #tpu.memory_space<hbm>> -> memref<1x32xf32, #tpu.memory_space<hbm>>
      %dma_wait3A_243 = tpu.memref_squeeze %dma_wait3A_242 : memref<1x32xf32, #tpu.memory_space<hbm>> -> memref<32xf32, #tpu.memory_space<hbm>>
      tpu.wait_dma2 semaphore(%arg11 : memref<!tpu.dma_semaphore, #tpu.memory_space<semaphore_mem>>) src(%dma_wait3A_243 : memref<32xf32, #tpu.memory_space<hbm>>) dst(%dma_wait3A_240 : memref<32xf32, #tpu.memory_space<vmem>>)
      %dma_wait3A_244 = arith.constant 0 : i32
      %dma_wait3A_245 = arith.constant 0 : i32
      %dma_wait3A_246 = arith.constant 0 : i32
      %dma_wait3A_247 = tpu.memref_slice %arg9[%dma_wait3A_245, %dma_wait3A_246] : memref<512x128xf32, #tpu.memory_space<vmem>> -> memref<1x32xf32, #tpu.memory_space<vmem>>
      %dma_wait3A_248 = tpu.memref_squeeze %dma_wait3A_247 : memref<1x32xf32, #tpu.memory_space<vmem>> -> memref<32xf32, #tpu.memory_space<vmem>>
      %dma_wait3A_249 = arith.constant 0 : i32
      %dma_wait3A_250 = tpu.memref_slice %arg4[%dma_wait3A_244, %dma_wait3A_249] : memref<1000000x32xf32, #tpu.memory_space<hbm>> -> memref<1x32xf32, #tpu.memory_space<hbm>>
      %dma_wait3A_251 = tpu.memref_squeeze %dma_wait3A_250 : memref<1x32xf32, #tpu.memory_space<hbm>> -> memref<32xf32, #tpu.memory_space<hbm>>
      %dma_wait3A_252 = arith.constant 0 : i32
      %dma_wait3A_253 = tpu.memref_slice %arg9[%dma_wait3A_245, %dma_wait3A_252] : memref<512x128xf32, #tpu.memory_space<vmem>> -> memref<1x32xf32, #tpu.memory_space<vmem>>
      %dma_wait3A_254 = tpu.memref_squeeze %dma_wait3A_253 : memref<1x32xf32, #tpu.memory_space<vmem>> -> memref<32xf32, #tpu.memory_space<vmem>>
      %dma_wait3A_255 = arith.constant 0 : i32
      %dma_wait3A_256 = tpu.memref_slice %arg4[%dma_wait3A_244, %dma_wait3A_255] : memref<1000000x32xf32, #tpu.memory_space<hbm>> -> memref<1x32xf32, #tpu.memory_space<hbm>>
      %dma_wait3A_257 = tpu.memref_squeeze %dma_wait3A_256 : memref<1x32xf32, #tpu.memory_space<hbm>> -> memref<32xf32, #tpu.memory_space<hbm>>
      tpu.wait_dma2 semaphore(%arg11 : memref<!tpu.dma_semaphore, #tpu.memory_space<semaphore_mem>>) src(%dma_wait3A_257 : memref<32xf32, #tpu.memory_space<hbm>>) dst(%dma_wait3A_254 : memref<32xf32, #tpu.memory_space<vmem>>)
      %dma_wait3A_258 = arith.constant 0 : i32
      %dma_wait3A_259 = arith.constant 0 : i32
      %dma_wait3A_260 = arith.constant 0 : i32
      %dma_wait3A_261 = tpu.memref_slice %arg9[%dma_wait3A_259, %dma_wait3A_260] : memref<512x128xf32, #tpu.memory_space<vmem>> -> memref<1x32xf32, #tpu.memory_space<vmem>>
      %dma_wait3A_262 = tpu.memref_squeeze %dma_wait3A_261 : memref<1x32xf32, #tpu.memory_space<vmem>> -> memref<32xf32, #tpu.memory_space<vmem>>
      %dma_wait3A_263 = arith.constant 0 : i32
      %dma_wait3A_264 = tpu.memref_slice %arg4[%dma_wait3A_258, %dma_wait3A_263] : memref<1000000x32xf32, #tpu.memory_space<hbm>> -> memref<1x32xf32, #tpu.memory_space<hbm>>
      %dma_wait3A_265 = tpu.memref_squeeze %dma_wait3A_264 : memref<1x32xf32, #tpu.memory_space<hbm>> -> memref<32xf32, #tpu.memory_space<hbm>>
      %dma_wait3A_266 = arith.constant 0 : i32
      %dma_wait3A_267 = tpu.memref_slice %arg9[%dma_wait3A_259, %dma_wait3A_266] : memref<512x128xf32, #tpu.memory_space<vmem>> -> memref<1x32xf32, #tpu.memory_space<vmem>>
      %dma_wait3A_268 = tpu.memref_squeeze %dma_wait3A_267 : memref<1x32xf32, #tpu.memory_space<vmem>> -> memref<32xf32, #tpu.memory_space<vmem>>
      %dma_wait3A_269 = arith.constant 0 : i32
      %dma_wait3A_270 = tpu.memref_slice %arg4[%dma_wait3A_258, %dma_wait3A_269] : memref<1000000x32xf32, #tpu.memory_space<hbm>> -> memref<1x32xf32, #tpu.memory_space<hbm>>
      %dma_wait3A_271 = tpu.memref_squeeze %dma_wait3A_270 : memref<1x32xf32, #tpu.memory_space<hbm>> -> memref<32xf32, #tpu.memory_space<hbm>>
      tpu.wait_dma2 semaphore(%arg11 : memref<!tpu.dma_semaphore, #tpu.memory_space<semaphore_mem>>) src(%dma_wait3A_271 : memref<32xf32, #tpu.memory_space<hbm>>) dst(%dma_wait3A_268 : memref<32xf32, #tpu.memory_space<vmem>>)
      %dma_wait3A_272 = arith.constant 0 : i32
      %dma_wait3A_273 = arith.constant 0 : i32
      %dma_wait3A_274 = arith.constant 0 : i32
      %dma_wait3A_275 = tpu.memref_slice %arg9[%dma_wait3A_273, %dma_wait3A_274] : memref<512x128xf32, #tpu.memory_space<vmem>> -> memref<1x32xf32, #tpu.memory_space<vmem>>
      %dma_wait3A_276 = tpu.memref_squeeze %dma_wait3A_275 : memref<1x32xf32, #tpu.memory_space<vmem>> -> memref<32xf32, #tpu.memory_space<vmem>>
      %dma_wait3A_277 = arith.constant 0 : i32
      %dma_wait3A_278 = tpu.memref_slice %arg4[%dma_wait3A_272, %dma_wait3A_277] : memref<1000000x32xf32, #tpu.memory_space<hbm>> -> memref<1x32xf32, #tpu.memory_space<hbm>>
      %dma_wait3A_279 = tpu.memref_squeeze %dma_wait3A_278 : memref<1x32xf32, #tpu.memory_space<hbm>> -> memref<32xf32, #tpu.memory_space<hbm>>
      %dma_wait3A_280 = arith.constant 0 : i32
      %dma_wait3A_281 = tpu.memref_slice %arg9[%dma_wait3A_273, %dma_wait3A_280] : memref<512x128xf32, #tpu.memory_space<vmem>> -> memref<1x32xf32, #tpu.memory_space<vmem>>
      %dma_wait3A_282 = tpu.memref_squeeze %dma_wait3A_281 : memref<1x32xf32, #tpu.memory_space<vmem>> -> memref<32xf32, #tpu.memory_space<vmem>>
      %dma_wait3A_283 = arith.constant 0 : i32
      %dma_wait3A_284 = tpu.memref_slice %arg4[%dma_wait3A_272, %dma_wait3A_283] : memref<1000000x32xf32, #tpu.memory_space<hbm>> -> memref<1x32xf32, #tpu.memory_space<hbm>>
      %dma_wait3A_285 = tpu.memref_squeeze %dma_wait3A_284 : memref<1x32xf32, #tpu.memory_space<hbm>> -> memref<32xf32, #tpu.memory_space<hbm>>
      tpu.wait_dma2 semaphore(%arg11 : memref<!tpu.dma_semaphore, #tpu.memory_space<semaphore_mem>>) src(%dma_wait3A_285 : memref<32xf32, #tpu.memory_space<hbm>>) dst(%dma_wait3A_282 : memref<32xf32, #tpu.memory_space<vmem>>)
      %dma_wait3A_286 = arith.constant 0 : i32
      %dma_wait3A_287 = arith.constant 0 : i32
      %dma_wait3A_288 = arith.constant 0 : i32
      %dma_wait3A_289 = tpu.memref_slice %arg9[%dma_wait3A_287, %dma_wait3A_288] : memref<512x128xf32, #tpu.memory_space<vmem>> -> memref<1x32xf32, #tpu.memory_space<vmem>>
      %dma_wait3A_290 = tpu.memref_squeeze %dma_wait3A_289 : memref<1x32xf32, #tpu.memory_space<vmem>> -> memref<32xf32, #tpu.memory_space<vmem>>
      %dma_wait3A_291 = arith.constant 0 : i32
      %dma_wait3A_292 = tpu.memref_slice %arg4[%dma_wait3A_286, %dma_wait3A_291] : memref<1000000x32xf32, #tpu.memory_space<hbm>> -> memref<1x32xf32, #tpu.memory_space<hbm>>
      %dma_wait3A_293 = tpu.memref_squeeze %dma_wait3A_292 : memref<1x32xf32, #tpu.memory_space<hbm>> -> memref<32xf32, #tpu.memory_space<hbm>>
      %dma_wait3A_294 = arith.constant 0 : i32
      %dma_wait3A_295 = tpu.memref_slice %arg9[%dma_wait3A_287, %dma_wait3A_294] : memref<512x128xf32, #tpu.memory_space<vmem>> -> memref<1x32xf32, #tpu.memory_space<vmem>>
      %dma_wait3A_296 = tpu.memref_squeeze %dma_wait3A_295 : memref<1x32xf32, #tpu.memory_space<vmem>> -> memref<32xf32, #tpu.memory_space<vmem>>
      %dma_wait3A_297 = arith.constant 0 : i32
      %dma_wait3A_298 = tpu.memref_slice %arg4[%dma_wait3A_286, %dma_wait3A_297] : memref<1000000x32xf32, #tpu.memory_space<hbm>> -> memref<1x32xf32, #tpu.memory_space<hbm>>
      %dma_wait3A_299 = tpu.memref_squeeze %dma_wait3A_298 : memref<1x32xf32, #tpu.memory_space<hbm>> -> memref<32xf32, #tpu.memory_space<hbm>>
      tpu.wait_dma2 semaphore(%arg11 : memref<!tpu.dma_semaphore, #tpu.memory_space<semaphore_mem>>) src(%dma_wait3A_299 : memref<32xf32, #tpu.memory_space<hbm>>) dst(%dma_wait3A_296 : memref<32xf32, #tpu.memory_space<vmem>>)
      %dma_wait3A_300 = arith.constant 0 : i32
      %dma_wait3A_301 = arith.constant 0 : i32
      %dma_wait3A_302 = arith.constant 0 : i32
      %dma_wait3A_303 = tpu.memref_slice %arg9[%dma_wait3A_301, %dma_wait3A_302] : memref<512x128xf32, #tpu.memory_space<vmem>> -> memref<1x32xf32, #tpu.memory_space<vmem>>
      %dma_wait3A_304 = tpu.memref_squeeze %dma_wait3A_303 : memref<1x32xf32, #tpu.memory_space<vmem>> -> memref<32xf32, #tpu.memory_space<vmem>>
      %dma_wait3A_305 = arith.constant 0 : i32
      %dma_wait3A_306 = tpu.memref_slice %arg4[%dma_wait3A_300, %dma_wait3A_305] : memref<1000000x32xf32, #tpu.memory_space<hbm>> -> memref<1x32xf32, #tpu.memory_space<hbm>>
      %dma_wait3A_307 = tpu.memref_squeeze %dma_wait3A_306 : memref<1x32xf32, #tpu.memory_space<hbm>> -> memref<32xf32, #tpu.memory_space<hbm>>
      %dma_wait3A_308 = arith.constant 0 : i32
      %dma_wait3A_309 = tpu.memref_slice %arg9[%dma_wait3A_301, %dma_wait3A_308] : memref<512x128xf32, #tpu.memory_space<vmem>> -> memref<1x32xf32, #tpu.memory_space<vmem>>
      %dma_wait3A_310 = tpu.memref_squeeze %dma_wait3A_309 : memref<1x32xf32, #tpu.memory_space<vmem>> -> memref<32xf32, #tpu.memory_space<vmem>>
      %dma_wait3A_311 = arith.constant 0 : i32
      %dma_wait3A_312 = tpu.memref_slice %arg4[%dma_wait3A_300, %dma_wait3A_311] : memref<1000000x32xf32, #tpu.memory_space<hbm>> -> memref<1x32xf32, #tpu.memory_space<hbm>>
      %dma_wait3A_313 = tpu.memref_squeeze %dma_wait3A_312 : memref<1x32xf32, #tpu.memory_space<hbm>> -> memref<32xf32, #tpu.memory_space<hbm>>
      tpu.wait_dma2 semaphore(%arg11 : memref<!tpu.dma_semaphore, #tpu.memory_space<semaphore_mem>>) src(%dma_wait3A_313 : memref<32xf32, #tpu.memory_space<hbm>>) dst(%dma_wait3A_310 : memref<32xf32, #tpu.memory_space<vmem>>)
      %dma_wait3A_314 = arith.constant 0 : i32
      %dma_wait3A_315 = arith.constant 0 : i32
      %dma_wait3A_316 = arith.constant 0 : i32
      %dma_wait3A_317 = tpu.memref_slice %arg9[%dma_wait3A_315, %dma_wait3A_316] : memref<512x128xf32, #tpu.memory_space<vmem>> -> memref<1x32xf32, #tpu.memory_space<vmem>>
      %dma_wait3A_318 = tpu.memref_squeeze %dma_wait3A_317 : memref<1x32xf32, #tpu.memory_space<vmem>> -> memref<32xf32, #tpu.memory_space<vmem>>
      %dma_wait3A_319 = arith.constant 0 : i32
      %dma_wait3A_320 = tpu.memref_slice %arg4[%dma_wait3A_314, %dma_wait3A_319] : memref<1000000x32xf32, #tpu.memory_space<hbm>> -> memref<1x32xf32, #tpu.memory_space<hbm>>
      %dma_wait3A_321 = tpu.memref_squeeze %dma_wait3A_320 : memref<1x32xf32, #tpu.memory_space<hbm>> -> memref<32xf32, #tpu.memory_space<hbm>>
      %dma_wait3A_322 = arith.constant 0 : i32
      %dma_wait3A_323 = tpu.memref_slice %arg9[%dma_wait3A_315, %dma_wait3A_322] : memref<512x128xf32, #tpu.memory_space<vmem>> -> memref<1x32xf32, #tpu.memory_space<vmem>>
      %dma_wait3A_324 = tpu.memref_squeeze %dma_wait3A_323 : memref<1x32xf32, #tpu.memory_space<vmem>> -> memref<32xf32, #tpu.memory_space<vmem>>
      %dma_wait3A_325 = arith.constant 0 : i32
      %dma_wait3A_326 = tpu.memref_slice %arg4[%dma_wait3A_314, %dma_wait3A_325] : memref<1000000x32xf32, #tpu.memory_space<hbm>> -> memref<1x32xf32, #tpu.memory_space<hbm>>
      %dma_wait3A_327 = tpu.memref_squeeze %dma_wait3A_326 : memref<1x32xf32, #tpu.memory_space<hbm>> -> memref<32xf32, #tpu.memory_space<hbm>>
      tpu.wait_dma2 semaphore(%arg11 : memref<!tpu.dma_semaphore, #tpu.memory_space<semaphore_mem>>) src(%dma_wait3A_327 : memref<32xf32, #tpu.memory_space<hbm>>) dst(%dma_wait3A_324 : memref<32xf32, #tpu.memory_space<vmem>>)
      %dma_wait3A_328 = arith.constant 0 : i32
      %dma_wait3A_329 = arith.constant 0 : i32
      %dma_wait3A_330 = arith.constant 0 : i32
      %dma_wait3A_331 = tpu.memref_slice %arg9[%dma_wait3A_329, %dma_wait3A_330] : memref<512x128xf32, #tpu.memory_space<vmem>> -> memref<1x32xf32, #tpu.memory_space<vmem>>
      %dma_wait3A_332 = tpu.memref_squeeze %dma_wait3A_331 : memref<1x32xf32, #tpu.memory_space<vmem>> -> memref<32xf32, #tpu.memory_space<vmem>>
      %dma_wait3A_333 = arith.constant 0 : i32
      %dma_wait3A_334 = tpu.memref_slice %arg4[%dma_wait3A_328, %dma_wait3A_333] : memref<1000000x32xf32, #tpu.memory_space<hbm>> -> memref<1x32xf32, #tpu.memory_space<hbm>>
      %dma_wait3A_335 = tpu.memref_squeeze %dma_wait3A_334 : memref<1x32xf32, #tpu.memory_space<hbm>> -> memref<32xf32, #tpu.memory_space<hbm>>
      %dma_wait3A_336 = arith.constant 0 : i32
      %dma_wait3A_337 = tpu.memref_slice %arg9[%dma_wait3A_329, %dma_wait3A_336] : memref<512x128xf32, #tpu.memory_space<vmem>> -> memref<1x32xf32, #tpu.memory_space<vmem>>
      %dma_wait3A_338 = tpu.memref_squeeze %dma_wait3A_337 : memref<1x32xf32, #tpu.memory_space<vmem>> -> memref<32xf32, #tpu.memory_space<vmem>>
      %dma_wait3A_339 = arith.constant 0 : i32
      %dma_wait3A_340 = tpu.memref_slice %arg4[%dma_wait3A_328, %dma_wait3A_339] : memref<1000000x32xf32, #tpu.memory_space<hbm>> -> memref<1x32xf32, #tpu.memory_space<hbm>>
      %dma_wait3A_341 = tpu.memref_squeeze %dma_wait3A_340 : memref<1x32xf32, #tpu.memory_space<hbm>> -> memref<32xf32, #tpu.memory_space<hbm>>
      tpu.wait_dma2 semaphore(%arg11 : memref<!tpu.dma_semaphore, #tpu.memory_space<semaphore_mem>>) src(%dma_wait3A_341 : memref<32xf32, #tpu.memory_space<hbm>>) dst(%dma_wait3A_338 : memref<32xf32, #tpu.memory_space<vmem>>)
      %dma_wait3A_342 = arith.constant 0 : i32
      %dma_wait3A_343 = arith.constant 0 : i32
      %dma_wait3A_344 = arith.constant 0 : i32
      %dma_wait3A_345 = tpu.memref_slice %arg9[%dma_wait3A_343, %dma_wait3A_344] : memref<512x128xf32, #tpu.memory_space<vmem>> -> memref<1x32xf32, #tpu.memory_space<vmem>>
      %dma_wait3A_346 = tpu.memref_squeeze %dma_wait3A_345 : memref<1x32xf32, #tpu.memory_space<vmem>> -> memref<32xf32, #tpu.memory_space<vmem>>
      %dma_wait3A_347 = arith.constant 0 : i32
      %dma_wait3A_348 = tpu.memref_slice %arg4[%dma_wait3A_342, %dma_wait3A_347] : memref<1000000x32xf32, #tpu.memory_space<hbm>> -> memref<1x32xf32, #tpu.memory_space<hbm>>
      %dma_wait3A_349 = tpu.memref_squeeze %dma_wait3A_348 : memref<1x32xf32, #tpu.memory_space<hbm>> -> memref<32xf32, #tpu.memory_space<hbm>>
      %dma_wait3A_350 = arith.constant 0 : i32
      %dma_wait3A_351 = tpu.memref_slice %arg9[%dma_wait3A_343, %dma_wait3A_350] : memref<512x128xf32, #tpu.memory_space<vmem>> -> memref<1x32xf32, #tpu.memory_space<vmem>>
      %dma_wait3A_352 = tpu.memref_squeeze %dma_wait3A_351 : memref<1x32xf32, #tpu.memory_space<vmem>> -> memref<32xf32, #tpu.memory_space<vmem>>
      %dma_wait3A_353 = arith.constant 0 : i32
      %dma_wait3A_354 = tpu.memref_slice %arg4[%dma_wait3A_342, %dma_wait3A_353] : memref<1000000x32xf32, #tpu.memory_space<hbm>> -> memref<1x32xf32, #tpu.memory_space<hbm>>
      %dma_wait3A_355 = tpu.memref_squeeze %dma_wait3A_354 : memref<1x32xf32, #tpu.memory_space<hbm>> -> memref<32xf32, #tpu.memory_space<hbm>>
      tpu.wait_dma2 semaphore(%arg11 : memref<!tpu.dma_semaphore, #tpu.memory_space<semaphore_mem>>) src(%dma_wait3A_355 : memref<32xf32, #tpu.memory_space<hbm>>) dst(%dma_wait3A_352 : memref<32xf32, #tpu.memory_space<vmem>>)
      %dma_wait3A_356 = arith.constant 0 : i32
      %dma_wait3A_357 = arith.constant 0 : i32
      %dma_wait3A_358 = arith.constant 0 : i32
      %dma_wait3A_359 = tpu.memref_slice %arg9[%dma_wait3A_357, %dma_wait3A_358] : memref<512x128xf32, #tpu.memory_space<vmem>> -> memref<1x32xf32, #tpu.memory_space<vmem>>
      %dma_wait3A_360 = tpu.memref_squeeze %dma_wait3A_359 : memref<1x32xf32, #tpu.memory_space<vmem>> -> memref<32xf32, #tpu.memory_space<vmem>>
      %dma_wait3A_361 = arith.constant 0 : i32
      %dma_wait3A_362 = tpu.memref_slice %arg4[%dma_wait3A_356, %dma_wait3A_361] : memref<1000000x32xf32, #tpu.memory_space<hbm>> -> memref<1x32xf32, #tpu.memory_space<hbm>>
      %dma_wait3A_363 = tpu.memref_squeeze %dma_wait3A_362 : memref<1x32xf32, #tpu.memory_space<hbm>> -> memref<32xf32, #tpu.memory_space<hbm>>
      %dma_wait3A_364 = arith.constant 0 : i32
      %dma_wait3A_365 = tpu.memref_slice %arg9[%dma_wait3A_357, %dma_wait3A_364] : memref<512x128xf32, #tpu.memory_space<vmem>> -> memref<1x32xf32, #tpu.memory_space<vmem>>
      %dma_wait3A_366 = tpu.memref_squeeze %dma_wait3A_365 : memref<1x32xf32, #tpu.memory_space<vmem>> -> memref<32xf32, #tpu.memory_space<vmem>>
      %dma_wait3A_367 = arith.constant 0 : i32
      %dma_wait3A_368 = tpu.memref_slice %arg4[%dma_wait3A_356, %dma_wait3A_367] : memref<1000000x32xf32, #tpu.memory_space<hbm>> -> memref<1x32xf32, #tpu.memory_space<hbm>>
      %dma_wait3A_369 = tpu.memref_squeeze %dma_wait3A_368 : memref<1x32xf32, #tpu.memory_space<hbm>> -> memref<32xf32, #tpu.memory_space<hbm>>
      tpu.wait_dma2 semaphore(%arg11 : memref<!tpu.dma_semaphore, #tpu.memory_space<semaphore_mem>>) src(%dma_wait3A_369 : memref<32xf32, #tpu.memory_space<hbm>>) dst(%dma_wait3A_366 : memref<32xf32, #tpu.memory_space<vmem>>)
      %dma_wait3A_370 = arith.constant 0 : i32
      %dma_wait3A_371 = arith.constant 0 : i32
      %dma_wait3A_372 = arith.constant 0 : i32
      %dma_wait3A_373 = tpu.memref_slice %arg9[%dma_wait3A_371, %dma_wait3A_372] : memref<512x128xf32, #tpu.memory_space<vmem>> -> memref<1x32xf32, #tpu.memory_space<vmem>>
      %dma_wait3A_374 = tpu.memref_squeeze %dma_wait3A_373 : memref<1x32xf32, #tpu.memory_space<vmem>> -> memref<32xf32, #tpu.memory_space<vmem>>
      %dma_wait3A_375 = arith.constant 0 : i32
      %dma_wait3A_376 = tpu.memref_slice %arg4[%dma_wait3A_370, %dma_wait3A_375] : memref<1000000x32xf32, #tpu.memory_space<hbm>> -> memref<1x32xf32, #tpu.memory_space<hbm>>
      %dma_wait3A_377 = tpu.memref_squeeze %dma_wait3A_376 : memref<1x32xf32, #tpu.memory_space<hbm>> -> memref<32xf32, #tpu.memory_space<hbm>>
      %dma_wait3A_378 = arith.constant 0 : i32
      %dma_wait3A_379 = tpu.memref_slice %arg9[%dma_wait3A_371, %dma_wait3A_378] : memref<512x128xf32, #tpu.memory_space<vmem>> -> memref<1x32xf32, #tpu.memory_space<vmem>>
      %dma_wait3A_380 = tpu.memref_squeeze %dma_wait3A_379 : memref<1x32xf32, #tpu.memory_space<vmem>> -> memref<32xf32, #tpu.memory_space<vmem>>
      %dma_wait3A_381 = arith.constant 0 : i32
      %dma_wait3A_382 = tpu.memref_slice %arg4[%dma_wait3A_370, %dma_wait3A_381] : memref<1000000x32xf32, #tpu.memory_space<hbm>> -> memref<1x32xf32, #tpu.memory_space<hbm>>
      %dma_wait3A_383 = tpu.memref_squeeze %dma_wait3A_382 : memref<1x32xf32, #tpu.memory_space<hbm>> -> memref<32xf32, #tpu.memory_space<hbm>>
      tpu.wait_dma2 semaphore(%arg11 : memref<!tpu.dma_semaphore, #tpu.memory_space<semaphore_mem>>) src(%dma_wait3A_383 : memref<32xf32, #tpu.memory_space<hbm>>) dst(%dma_wait3A_380 : memref<32xf32, #tpu.memory_space<vmem>>)
      %dma_wait3A_384 = arith.constant 0 : i32
      %dma_wait3A_385 = arith.constant 0 : i32
      %dma_wait3A_386 = arith.constant 0 : i32
      %dma_wait3A_387 = tpu.memref_slice %arg9[%dma_wait3A_385, %dma_wait3A_386] : memref<512x128xf32, #tpu.memory_space<vmem>> -> memref<1x32xf32, #tpu.memory_space<vmem>>
      %dma_wait3A_388 = tpu.memref_squeeze %dma_wait3A_387 : memref<1x32xf32, #tpu.memory_space<vmem>> -> memref<32xf32, #tpu.memory_space<vmem>>
      %dma_wait3A_389 = arith.constant 0 : i32
      %dma_wait3A_390 = tpu.memref_slice %arg4[%dma_wait3A_384, %dma_wait3A_389] : memref<1000000x32xf32, #tpu.memory_space<hbm>> -> memref<1x32xf32, #tpu.memory_space<hbm>>
      %dma_wait3A_391 = tpu.memref_squeeze %dma_wait3A_390 : memref<1x32xf32, #tpu.memory_space<hbm>> -> memref<32xf32, #tpu.memory_space<hbm>>
      %dma_wait3A_392 = arith.constant 0 : i32
      %dma_wait3A_393 = tpu.memref_slice %arg9[%dma_wait3A_385, %dma_wait3A_392] : memref<512x128xf32, #tpu.memory_space<vmem>> -> memref<1x32xf32, #tpu.memory_space<vmem>>
      %dma_wait3A_394 = tpu.memref_squeeze %dma_wait3A_393 : memref<1x32xf32, #tpu.memory_space<vmem>> -> memref<32xf32, #tpu.memory_space<vmem>>
      %dma_wait3A_395 = arith.constant 0 : i32
      %dma_wait3A_396 = tpu.memref_slice %arg4[%dma_wait3A_384, %dma_wait3A_395] : memref<1000000x32xf32, #tpu.memory_space<hbm>> -> memref<1x32xf32, #tpu.memory_space<hbm>>
      %dma_wait3A_397 = tpu.memref_squeeze %dma_wait3A_396 : memref<1x32xf32, #tpu.memory_space<hbm>> -> memref<32xf32, #tpu.memory_space<hbm>>
      tpu.wait_dma2 semaphore(%arg11 : memref<!tpu.dma_semaphore, #tpu.memory_space<semaphore_mem>>) src(%dma_wait3A_397 : memref<32xf32, #tpu.memory_space<hbm>>) dst(%dma_wait3A_394 : memref<32xf32, #tpu.memory_space<vmem>>)
      %dma_wait3A_398 = arith.constant 0 : i32
      %dma_wait3A_399 = arith.constant 0 : i32
      %dma_wait3A_400 = arith.constant 0 : i32
      %dma_wait3A_401 = tpu.memref_slice %arg9[%dma_wait3A_399, %dma_wait3A_400] : memref<512x128xf32, #tpu.memory_space<vmem>> -> memref<1x32xf32, #tpu.memory_space<vmem>>
      %dma_wait3A_402 = tpu.memref_squeeze %dma_wait3A_401 : memref<1x32xf32, #tpu.memory_space<vmem>> -> memref<32xf32, #tpu.memory_space<vmem>>
      %dma_wait3A_403 = arith.constant 0 : i32
      %dma_wait3A_404 = tpu.memref_slice %arg4[%dma_wait3A_398, %dma_wait3A_403] : memref<1000000x32xf32, #tpu.memory_space<hbm>> -> memref<1x32xf32, #tpu.memory_space<hbm>>
      %dma_wait3A_405 = tpu.memref_squeeze %dma_wait3A_404 : memref<1x32xf32, #tpu.memory_space<hbm>> -> memref<32xf32, #tpu.memory_space<hbm>>
      %dma_wait3A_406 = arith.constant 0 : i32
      %dma_wait3A_407 = tpu.memref_slice %arg9[%dma_wait3A_399, %dma_wait3A_406] : memref<512x128xf32, #tpu.memory_space<vmem>> -> memref<1x32xf32, #tpu.memory_space<vmem>>
      %dma_wait3A_408 = tpu.memref_squeeze %dma_wait3A_407 : memref<1x32xf32, #tpu.memory_space<vmem>> -> memref<32xf32, #tpu.memory_space<vmem>>
      %dma_wait3A_409 = arith.constant 0 : i32
      %dma_wait3A_410 = tpu.memref_slice %arg4[%dma_wait3A_398, %dma_wait3A_409] : memref<1000000x32xf32, #tpu.memory_space<hbm>> -> memref<1x32xf32, #tpu.memory_space<hbm>>
      %dma_wait3A_411 = tpu.memref_squeeze %dma_wait3A_410 : memref<1x32xf32, #tpu.memory_space<hbm>> -> memref<32xf32, #tpu.memory_space<hbm>>
      tpu.wait_dma2 semaphore(%arg11 : memref<!tpu.dma_semaphore, #tpu.memory_space<semaphore_mem>>) src(%dma_wait3A_411 : memref<32xf32, #tpu.memory_space<hbm>>) dst(%dma_wait3A_408 : memref<32xf32, #tpu.memory_space<vmem>>)
      %dma_wait3A_412 = arith.constant 0 : i32
      %dma_wait3A_413 = arith.constant 0 : i32
      %dma_wait3A_414 = arith.constant 0 : i32
      %dma_wait3A_415 = tpu.memref_slice %arg9[%dma_wait3A_413, %dma_wait3A_414] : memref<512x128xf32, #tpu.memory_space<vmem>> -> memref<1x32xf32, #tpu.memory_space<vmem>>
      %dma_wait3A_416 = tpu.memref_squeeze %dma_wait3A_415 : memref<1x32xf32, #tpu.memory_space<vmem>> -> memref<32xf32, #tpu.memory_space<vmem>>
      %dma_wait3A_417 = arith.constant 0 : i32
      %dma_wait3A_418 = tpu.memref_slice %arg4[%dma_wait3A_412, %dma_wait3A_417] : memref<1000000x32xf32, #tpu.memory_space<hbm>> -> memref<1x32xf32, #tpu.memory_space<hbm>>
      %dma_wait3A_419 = tpu.memref_squeeze %dma_wait3A_418 : memref<1x32xf32, #tpu.memory_space<hbm>> -> memref<32xf32, #tpu.memory_space<hbm>>
      %dma_wait3A_420 = arith.constant 0 : i32
      %dma_wait3A_421 = tpu.memref_slice %arg9[%dma_wait3A_413, %dma_wait3A_420] : memref<512x128xf32, #tpu.memory_space<vmem>> -> memref<1x32xf32, #tpu.memory_space<vmem>>
      %dma_wait3A_422 = tpu.memref_squeeze %dma_wait3A_421 : memref<1x32xf32, #tpu.memory_space<vmem>> -> memref<32xf32, #tpu.memory_space<vmem>>
      %dma_wait3A_423 = arith.constant 0 : i32
      %dma_wait3A_424 = tpu.memref_slice %arg4[%dma_wait3A_412, %dma_wait3A_423] : memref<1000000x32xf32, #tpu.memory_space<hbm>> -> memref<1x32xf32, #tpu.memory_space<hbm>>
      %dma_wait3A_425 = tpu.memref_squeeze %dma_wait3A_424 : memref<1x32xf32, #tpu.memory_space<hbm>> -> memref<32xf32, #tpu.memory_space<hbm>>
      tpu.wait_dma2 semaphore(%arg11 : memref<!tpu.dma_semaphore, #tpu.memory_space<semaphore_mem>>) src(%dma_wait3A_425 : memref<32xf32, #tpu.memory_space<hbm>>) dst(%dma_wait3A_422 : memref<32xf32, #tpu.memory_space<vmem>>)
      %dma_wait3A_426 = arith.constant 0 : i32
      %dma_wait3A_427 = arith.constant 0 : i32
      %dma_wait3A_428 = arith.constant 0 : i32
      %dma_wait3A_429 = tpu.memref_slice %arg9[%dma_wait3A_427, %dma_wait3A_428] : memref<512x128xf32, #tpu.memory_space<vmem>> -> memref<1x32xf32, #tpu.memory_space<vmem>>
      %dma_wait3A_430 = tpu.memref_squeeze %dma_wait3A_429 : memref<1x32xf32, #tpu.memory_space<vmem>> -> memref<32xf32, #tpu.memory_space<vmem>>
      %dma_wait3A_431 = arith.constant 0 : i32
      %dma_wait3A_432 = tpu.memref_slice %arg4[%dma_wait3A_426, %dma_wait3A_431] : memref<1000000x32xf32, #tpu.memory_space<hbm>> -> memref<1x32xf32, #tpu.memory_space<hbm>>
      %dma_wait3A_433 = tpu.memref_squeeze %dma_wait3A_432 : memref<1x32xf32, #tpu.memory_space<hbm>> -> memref<32xf32, #tpu.memory_space<hbm>>
      %dma_wait3A_434 = arith.constant 0 : i32
      %dma_wait3A_435 = tpu.memref_slice %arg9[%dma_wait3A_427, %dma_wait3A_434] : memref<512x128xf32, #tpu.memory_space<vmem>> -> memref<1x32xf32, #tpu.memory_space<vmem>>
      %dma_wait3A_436 = tpu.memref_squeeze %dma_wait3A_435 : memref<1x32xf32, #tpu.memory_space<vmem>> -> memref<32xf32, #tpu.memory_space<vmem>>
      %dma_wait3A_437 = arith.constant 0 : i32
      %dma_wait3A_438 = tpu.memref_slice %arg4[%dma_wait3A_426, %dma_wait3A_437] : memref<1000000x32xf32, #tpu.memory_space<hbm>> -> memref<1x32xf32, #tpu.memory_space<hbm>>
      %dma_wait3A_439 = tpu.memref_squeeze %dma_wait3A_438 : memref<1x32xf32, #tpu.memory_space<hbm>> -> memref<32xf32, #tpu.memory_space<hbm>>
      tpu.wait_dma2 semaphore(%arg11 : memref<!tpu.dma_semaphore, #tpu.memory_space<semaphore_mem>>) src(%dma_wait3A_439 : memref<32xf32, #tpu.memory_space<hbm>>) dst(%dma_wait3A_436 : memref<32xf32, #tpu.memory_space<vmem>>)
      %dma_wait3A_440 = arith.constant 0 : i32
      %dma_wait3A_441 = arith.constant 0 : i32
      %dma_wait3A_442 = arith.constant 0 : i32
      %dma_wait3A_443 = tpu.memref_slice %arg9[%dma_wait3A_441, %dma_wait3A_442] : memref<512x128xf32, #tpu.memory_space<vmem>> -> memref<1x32xf32, #tpu.memory_space<vmem>>
      %dma_wait3A_444 = tpu.memref_squeeze %dma_wait3A_443 : memref<1x32xf32, #tpu.memory_space<vmem>> -> memref<32xf32, #tpu.memory_space<vmem>>
      %dma_wait3A_445 = arith.constant 0 : i32
      %dma_wait3A_446 = tpu.memref_slice %arg4[%dma_wait3A_440, %dma_wait3A_445] : memref<1000000x32xf32, #tpu.memory_space<hbm>> -> memref<1x32xf32, #tpu.memory_space<hbm>>
      %dma_wait3A_447 = tpu.memref_squeeze %dma_wait3A_446 : memref<1x32xf32, #tpu.memory_space<hbm>> -> memref<32xf32, #tpu.memory_space<hbm>>
      %dma_wait3A_448 = arith.constant 0 : i32
      %dma_wait3A_449 = tpu.memref_slice %arg9[%dma_wait3A_441, %dma_wait3A_448] : memref<512x128xf32, #tpu.memory_space<vmem>> -> memref<1x32xf32, #tpu.memory_space<vmem>>
      %dma_wait3A_450 = tpu.memref_squeeze %dma_wait3A_449 : memref<1x32xf32, #tpu.memory_space<vmem>> -> memref<32xf32, #tpu.memory_space<vmem>>
      %dma_wait3A_451 = arith.constant 0 : i32
      %dma_wait3A_452 = tpu.memref_slice %arg4[%dma_wait3A_440, %dma_wait3A_451] : memref<1000000x32xf32, #tpu.memory_space<hbm>> -> memref<1x32xf32, #tpu.memory_space<hbm>>
      %dma_wait3A_453 = tpu.memref_squeeze %dma_wait3A_452 : memref<1x32xf32, #tpu.memory_space<hbm>> -> memref<32xf32, #tpu.memory_space<hbm>>
      tpu.wait_dma2 semaphore(%arg11 : memref<!tpu.dma_semaphore, #tpu.memory_space<semaphore_mem>>) src(%dma_wait3A_453 : memref<32xf32, #tpu.memory_space<hbm>>) dst(%dma_wait3A_450 : memref<32xf32, #tpu.memory_space<vmem>>)
      %dma_wait3A_454 = arith.constant 0 : i32
      %dma_wait3A_455 = arith.constant 0 : i32
      %dma_wait3A_456 = arith.constant 0 : i32
      %dma_wait3A_457 = tpu.memref_slice %arg9[%dma_wait3A_455, %dma_wait3A_456] : memref<512x128xf32, #tpu.memory_space<vmem>> -> memref<1x32xf32, #tpu.memory_space<vmem>>
      %dma_wait3A_458 = tpu.memref_squeeze %dma_wait3A_457 : memref<1x32xf32, #tpu.memory_space<vmem>> -> memref<32xf32, #tpu.memory_space<vmem>>
      %dma_wait3A_459 = arith.constant 0 : i32
      %dma_wait3A_460 = tpu.memref_slice %arg4[%dma_wait3A_454, %dma_wait3A_459] : memref<1000000x32xf32, #tpu.memory_space<hbm>> -> memref<1x32xf32, #tpu.memory_space<hbm>>
      %dma_wait3A_461 = tpu.memref_squeeze %dma_wait3A_460 : memref<1x32xf32, #tpu.memory_space<hbm>> -> memref<32xf32, #tpu.memory_space<hbm>>
      %dma_wait3A_462 = arith.constant 0 : i32
      %dma_wait3A_463 = tpu.memref_slice %arg9[%dma_wait3A_455, %dma_wait3A_462] : memref<512x128xf32, #tpu.memory_space<vmem>> -> memref<1x32xf32, #tpu.memory_space<vmem>>
      %dma_wait3A_464 = tpu.memref_squeeze %dma_wait3A_463 : memref<1x32xf32, #tpu.memory_space<vmem>> -> memref<32xf32, #tpu.memory_space<vmem>>
      %dma_wait3A_465 = arith.constant 0 : i32
      %dma_wait3A_466 = tpu.memref_slice %arg4[%dma_wait3A_454, %dma_wait3A_465] : memref<1000000x32xf32, #tpu.memory_space<hbm>> -> memref<1x32xf32, #tpu.memory_space<hbm>>
      %dma_wait3A_467 = tpu.memref_squeeze %dma_wait3A_466 : memref<1x32xf32, #tpu.memory_space<hbm>> -> memref<32xf32, #tpu.memory_space<hbm>>
      tpu.wait_dma2 semaphore(%arg11 : memref<!tpu.dma_semaphore, #tpu.memory_space<semaphore_mem>>) src(%dma_wait3A_467 : memref<32xf32, #tpu.memory_space<hbm>>) dst(%dma_wait3A_464 : memref<32xf32, #tpu.memory_space<vmem>>)
    }
    %scan3A_13 = arith.constant 32 : i32
    %iota3A = tpu.iota {dimensions = array<i32: 0>} : vector<16xi32>
    %scan3A_14 = arith.constant 0 : i32
    %scan3A_15 = arith.constant 0 : i32
    %scan3A_16 = arith.constant 32 : i32
    %scan3A_17 = arith.addi %scan3A_15, %scan3A_16 : i32
    %scan3A_18 = arith.constant 1 : i32
    scf.for %scan3A_20 = %scan3A_15 to %scan3A_17 step %scan3A_18  : i32 {
      %broadcast_in_dim3A = arith.constant 0.000000e+00 : f32
      %broadcast_in_dim3A_21 = vector.broadcast %broadcast_in_dim3A : f32 to vector<16xf32>
      %mul3A_22 = arith.constant 16 : i32
      %mul3A_23 = arith.muli %scan3A_20, %mul3A_22 : i32
      %add3A_24 = arith.constant 0 : i32
      %add3A_25 = arith.addi %mul3A_23, %add3A_24 : i32
      %get3A = arith.index_cast %add3A_25 : i32 to index
      %get3A_26 = arith.constant 0 : index
      %get3A_27 = tpu.vector_load %arg9[%get3A, %get3A_26] {strides = array<i32>} : memref<512x128xf32, #tpu.memory_space<vmem>>, vector<16xf32>,
      %get3A_28 = arith.index_cast %add3A_25 : i32 to index
      %get3A_29 = arith.constant 16 : index
      %get3A_30 = tpu.vector_load %arg9[%get3A_28, %get3A_29] {strides = array<i32>} : memref<512x128xf32, #tpu.memory_space<vmem>>, vector<16xf32>,
      %get3A_31 = arith.index_cast %add3A_25 : i32 to index
      %get3A_32 = arith.constant 32 : index
      %get3A_33 = tpu.vector_load %arg9[%get3A_31, %get3A_32] {strides = array<i32>} : memref<512x128xf32, #tpu.memory_space<vmem>>, vector<16xf32>,
      %get3A_34 = arith.index_cast %add3A_25 : i32 to index
      %get3A_35 = arith.constant 48 : index
      %get3A_36 = tpu.vector_load %arg9[%get3A_34, %get3A_35] {strides = array<i32>} : memref<512x128xf32, #tpu.memory_space<vmem>>, vector<16xf32>,
      %mul3A_37 = arith.mulf %get3A_27, %get3A_33 : vector<16xf32>
      %mul3A_38 = arith.mulf %get3A_30, %get3A_36 : vector<16xf32>
      %add3A_39 = arith.addf %mul3A_37, %mul3A_38 : vector<16xf32>
      %reduce_sum3A = arith.constant true
      %reduce_sum3A_40 = vector.broadcast %reduce_sum3A : i1 to vector<16xi1>
      %reduce_sum3A_41 = tpu.scan <sum>, %add3A_39 masked %reduce_sum3A_40 : vector<16xf32>, vector<16xi1> -> vector<16xf32>
      %reduce_sum3A_42 = vector.extract %reduce_sum3A_41[15] : f32 from vector<16xf32>
      %eq3A = arith.constant 0 : i32
      %eq3A_43 = vector.broadcast %eq3A : i32 to vector<16xi32>
      %eq3A_44 = arith.cmpi eq, %iota3A, %eq3A_43 : vector<16xi32>
      %broadcast_in_dim3A_45 = vector.broadcast %reduce_sum3A_42 : f32 to vector<16xf32>
      %select_n3A = arith.select %eq3A_44, %broadcast_in_dim3A_45, %broadcast_in_dim3A_21 : vector<16xi1>, vector<16xf32>
      %mul3A_46 = arith.constant 16 : i32
      %mul3A_47 = arith.muli %scan3A_20, %mul3A_46 : i32
      %add3A_48 = arith.constant 1 : i32
      %add3A_49 = arith.addi %mul3A_47, %add3A_48 : i32
      %get3A_50 = arith.index_cast %add3A_49 : i32 to index
      %get3A_51 = arith.constant 0 : index
      %get3A_52 = tpu.vector_load %arg9[%get3A_50, %get3A_51] {strides = array<i32>} : memref<512x128xf32, #tpu.memory_space<vmem>>, vector<16xf32>,
      %get3A_53 = arith.index_cast %add3A_49 : i32 to index
      %get3A_54 = arith.constant 16 : index
      %get3A_55 = tpu.vector_load %arg9[%get3A_53, %get3A_54] {strides = array<i32>} : memref<512x128xf32, #tpu.memory_space<vmem>>, vector<16xf32>,
      %get3A_56 = arith.index_cast %add3A_49 : i32 to index
      %get3A_57 = arith.constant 32 : index
      %get3A_58 = tpu.vector_load %arg9[%get3A_56, %get3A_57] {strides = array<i32>} : memref<512x128xf32, #tpu.memory_space<vmem>>, vector<16xf32>,
      %get3A_59 = arith.index_cast %add3A_49 : i32 to index
      %get3A_60 = arith.constant 48 : index
      %get3A_61 = tpu.vector_load %arg9[%get3A_59, %get3A_60] {strides = array<i32>} : memref<512x128xf32, #tpu.memory_space<vmem>>, vector<16xf32>,
      %mul3A_62 = arith.mulf %get3A_52, %get3A_58 : vector<16xf32>
      %mul3A_63 = arith.mulf %get3A_55, %get3A_61 : vector<16xf32>
      %add3A_64 = arith.addf %mul3A_62, %mul3A_63 : vector<16xf32>
      %reduce_sum3A_65 = arith.constant true
      %reduce_sum3A_66 = vector.broadcast %reduce_sum3A_65 : i1 to vector<16xi1>
      %reduce_sum3A_67 = tpu.scan <sum>, %add3A_64 masked %reduce_sum3A_66 : vector<16xf32>, vector<16xi1> -> vector<16xf32>
      %reduce_sum3A_68 = vector.extract %reduce_sum3A_67[15] : f32 from vector<16xf32>
      %eq3A_69 = arith.constant 1 : i32
      %eq3A_70 = vector.broadcast %eq3A_69 : i32 to vector<16xi32>
      %eq3A_71 = arith.cmpi eq, %iota3A, %eq3A_70 : vector<16xi32>
      %broadcast_in_dim3A_72 = vector.broadcast %reduce_sum3A_68 : f32 to vector<16xf32>
      %select_n3A_73 = arith.select %eq3A_71, %broadcast_in_dim3A_72, %select_n3A : vector<16xi1>, vector<16xf32>
      %mul3A_74 = arith.constant 16 : i32
      %mul3A_75 = arith.muli %scan3A_20, %mul3A_74 : i32
      %add3A_76 = arith.constant 2 : i32
      %add3A_77 = arith.addi %mul3A_75, %add3A_76 : i32
      %get3A_78 = arith.index_cast %add3A_77 : i32 to index
      %get3A_79 = arith.constant 0 : index
      %get3A_80 = tpu.vector_load %arg9[%get3A_78, %get3A_79] {strides = array<i32>} : memref<512x128xf32, #tpu.memory_space<vmem>>, vector<16xf32>,
      %get3A_81 = arith.index_cast %add3A_77 : i32 to index
      %get3A_82 = arith.constant 16 : index
      %get3A_83 = tpu.vector_load %arg9[%get3A_81, %get3A_82] {strides = array<i32>} : memref<512x128xf32, #tpu.memory_space<vmem>>, vector<16xf32>,
      %get3A_84 = arith.index_cast %add3A_77 : i32 to index
      %get3A_85 = arith.constant 32 : index
      %get3A_86 = tpu.vector_load %arg9[%get3A_84, %get3A_85] {strides = array<i32>} : memref<512x128xf32, #tpu.memory_space<vmem>>, vector<16xf32>,
      %get3A_87 = arith.index_cast %add3A_77 : i32 to index
      %get3A_88 = arith.constant 48 : index
      %get3A_89 = tpu.vector_load %arg9[%get3A_87, %get3A_88] {strides = array<i32>} : memref<512x128xf32, #tpu.memory_space<vmem>>, vector<16xf32>,
      %mul3A_90 = arith.mulf %get3A_80, %get3A_86 : vector<16xf32>
      %mul3A_91 = arith.mulf %get3A_83, %get3A_89 : vector<16xf32>
      %add3A_92 = arith.addf %mul3A_90, %mul3A_91 : vector<16xf32>
      %reduce_sum3A_93 = arith.constant true
      %reduce_sum3A_94 = vector.broadcast %reduce_sum3A_93 : i1 to vector<16xi1>
      %reduce_sum3A_95 = tpu.scan <sum>, %add3A_92 masked %reduce_sum3A_94 : vector<16xf32>, vector<16xi1> -> vector<16xf32>
      %reduce_sum3A_96 = vector.extract %reduce_sum3A_95[15] : f32 from vector<16xf32>
      %eq3A_97 = arith.constant 2 : i32
      %eq3A_98 = vector.broadcast %eq3A_97 : i32 to vector<16xi32>
      %eq3A_99 = arith.cmpi eq, %iota3A, %eq3A_98 : vector<16xi32>
      %broadcast_in_dim3A_100 = vector.broadcast %reduce_sum3A_96 : f32 to vector<16xf32>
      %select_n3A_101 = arith.select %eq3A_99, %broadcast_in_dim3A_100, %select_n3A_73 : vector<16xi1>, vector<16xf32>
      %mul3A_102 = arith.constant 16 : i32
      %mul3A_103 = arith.muli %scan3A_20, %mul3A_102 : i32
      %add3A_104 = arith.constant 3 : i32
      %add3A_105 = arith.addi %mul3A_103, %add3A_104 : i32
      %get3A_106 = arith.index_cast %add3A_105 : i32 to index
      %get3A_107 = arith.constant 0 : index
      %get3A_108 = tpu.vector_load %arg9[%get3A_106, %get3A_107] {strides = array<i32>} : memref<512x128xf32, #tpu.memory_space<vmem>>, vector<16xf32>,
      %get3A_109 = arith.index_cast %add3A_105 : i32 to index
      %get3A_110 = arith.constant 16 : index
      %get3A_111 = tpu.vector_load %arg9[%get3A_109, %get3A_110] {strides = array<i32>} : memref<512x128xf32, #tpu.memory_space<vmem>>, vector<16xf32>,
      %get3A_112 = arith.index_cast %add3A_105 : i32 to index
      %get3A_113 = arith.constant 32 : index
      %get3A_114 = tpu.vector_load %arg9[%get3A_112, %get3A_113] {strides = array<i32>} : memref<512x128xf32, #tpu.memory_space<vmem>>, vector<16xf32>,
      %get3A_115 = arith.index_cast %add3A_105 : i32 to index
      %get3A_116 = arith.constant 48 : index
      %get3A_117 = tpu.vector_load %arg9[%get3A_115, %get3A_116] {strides = array<i32>} : memref<512x128xf32, #tpu.memory_space<vmem>>, vector<16xf32>,
      %mul3A_118 = arith.mulf %get3A_108, %get3A_114 : vector<16xf32>
      %mul3A_119 = arith.mulf %get3A_111, %get3A_117 : vector<16xf32>
      %add3A_120 = arith.addf %mul3A_118, %mul3A_119 : vector<16xf32>
      %reduce_sum3A_121 = arith.constant true
      %reduce_sum3A_122 = vector.broadcast %reduce_sum3A_121 : i1 to vector<16xi1>
      %reduce_sum3A_123 = tpu.scan <sum>, %add3A_120 masked %reduce_sum3A_122 : vector<16xf32>, vector<16xi1> -> vector<16xf32>
      %reduce_sum3A_124 = vector.extract %reduce_sum3A_123[15] : f32 from vector<16xf32>
      %eq3A_125 = arith.constant 3 : i32
      %eq3A_126 = vector.broadcast %eq3A_125 : i32 to vector<16xi32>
      %eq3A_127 = arith.cmpi eq, %iota3A, %eq3A_126 : vector<16xi32>
      %broadcast_in_dim3A_128 = vector.broadcast %reduce_sum3A_124 : f32 to vector<16xf32>
      %select_n3A_129 = arith.select %eq3A_127, %broadcast_in_dim3A_128, %select_n3A_101 : vector<16xi1>, vector<16xf32>
      %mul3A_130 = arith.constant 16 : i32
      %mul3A_131 = arith.muli %scan3A_20, %mul3A_130 : i32
      %add3A_132 = arith.constant 4 : i32
      %add3A_133 = arith.addi %mul3A_131, %add3A_132 : i32
      %get3A_134 = arith.index_cast %add3A_133 : i32 to index
      %get3A_135 = arith.constant 0 : index
      %get3A_136 = tpu.vector_load %arg9[%get3A_134, %get3A_135] {strides = array<i32>} : memref<512x128xf32, #tpu.memory_space<vmem>>, vector<16xf32>,
      %get3A_137 = arith.index_cast %add3A_133 : i32 to index
      %get3A_138 = arith.constant 16 : index
      %get3A_139 = tpu.vector_load %arg9[%get3A_137, %get3A_138] {strides = array<i32>} : memref<512x128xf32, #tpu.memory_space<vmem>>, vector<16xf32>,
      %get3A_140 = arith.index_cast %add3A_133 : i32 to index
      %get3A_141 = arith.constant 32 : index
      %get3A_142 = tpu.vector_load %arg9[%get3A_140, %get3A_141] {strides = array<i32>} : memref<512x128xf32, #tpu.memory_space<vmem>>, vector<16xf32>,
      %get3A_143 = arith.index_cast %add3A_133 : i32 to index
      %get3A_144 = arith.constant 48 : index
      %get3A_145 = tpu.vector_load %arg9[%get3A_143, %get3A_144] {strides = array<i32>} : memref<512x128xf32, #tpu.memory_space<vmem>>, vector<16xf32>,
      %mul3A_146 = arith.mulf %get3A_136, %get3A_142 : vector<16xf32>
      %mul3A_147 = arith.mulf %get3A_139, %get3A_145 : vector<16xf32>
      %add3A_148 = arith.addf %mul3A_146, %mul3A_147 : vector<16xf32>
      %reduce_sum3A_149 = arith.constant true
      %reduce_sum3A_150 = vector.broadcast %reduce_sum3A_149 : i1 to vector<16xi1>
      %reduce_sum3A_151 = tpu.scan <sum>, %add3A_148 masked %reduce_sum3A_150 : vector<16xf32>, vector<16xi1> -> vector<16xf32>
      %reduce_sum3A_152 = vector.extract %reduce_sum3A_151[15] : f32 from vector<16xf32>
      %eq3A_153 = arith.constant 4 : i32
      %eq3A_154 = vector.broadcast %eq3A_153 : i32 to vector<16xi32>
      %eq3A_155 = arith.cmpi eq, %iota3A, %eq3A_154 : vector<16xi32>
      %broadcast_in_dim3A_156 = vector.broadcast %reduce_sum3A_152 : f32 to vector<16xf32>
      %select_n3A_157 = arith.select %eq3A_155, %broadcast_in_dim3A_156, %select_n3A_129 : vector<16xi1>, vector<16xf32>
      %mul3A_158 = arith.constant 16 : i32
      %mul3A_159 = arith.muli %scan3A_20, %mul3A_158 : i32
      %add3A_160 = arith.constant 5 : i32
      %add3A_161 = arith.addi %mul3A_159, %add3A_160 : i32
      %get3A_162 = arith.index_cast %add3A_161 : i32 to index
      %get3A_163 = arith.constant 0 : index
      %get3A_164 = tpu.vector_load %arg9[%get3A_162, %get3A_163] {strides = array<i32>} : memref<512x128xf32, #tpu.memory_space<vmem>>, vector<16xf32>,
      %get3A_165 = arith.index_cast %add3A_161 : i32 to index
      %get3A_166 = arith.constant 16 : index
      %get3A_167 = tpu.vector_load %arg9[%get3A_165, %get3A_166] {strides = array<i32>} : memref<512x128xf32, #tpu.memory_space<vmem>>, vector<16xf32>,
      %get3A_168 = arith.index_cast %add3A_161 : i32 to index
      %get3A_169 = arith.constant 32 : index
      %get3A_170 = tpu.vector_load %arg9[%get3A_168, %get3A_169] {strides = array<i32>} : memref<512x128xf32, #tpu.memory_space<vmem>>, vector<16xf32>,
      %get3A_171 = arith.index_cast %add3A_161 : i32 to index
      %get3A_172 = arith.constant 48 : index
      %get3A_173 = tpu.vector_load %arg9[%get3A_171, %get3A_172] {strides = array<i32>} : memref<512x128xf32, #tpu.memory_space<vmem>>, vector<16xf32>,
      %mul3A_174 = arith.mulf %get3A_164, %get3A_170 : vector<16xf32>
      %mul3A_175 = arith.mulf %get3A_167, %get3A_173 : vector<16xf32>
      %add3A_176 = arith.addf %mul3A_174, %mul3A_175 : vector<16xf32>
      %reduce_sum3A_177 = arith.constant true
      %reduce_sum3A_178 = vector.broadcast %reduce_sum3A_177 : i1 to vector<16xi1>
      %reduce_sum3A_179 = tpu.scan <sum>, %add3A_176 masked %reduce_sum3A_178 : vector<16xf32>, vector<16xi1> -> vector<16xf32>
      %reduce_sum3A_180 = vector.extract %reduce_sum3A_179[15] : f32 from vector<16xf32>
      %eq3A_181 = arith.constant 5 : i32
      %eq3A_182 = vector.broadcast %eq3A_181 : i32 to vector<16xi32>
      %eq3A_183 = arith.cmpi eq, %iota3A, %eq3A_182 : vector<16xi32>
      %broadcast_in_dim3A_184 = vector.broadcast %reduce_sum3A_180 : f32 to vector<16xf32>
      %select_n3A_185 = arith.select %eq3A_183, %broadcast_in_dim3A_184, %select_n3A_157 : vector<16xi1>, vector<16xf32>
      %mul3A_186 = arith.constant 16 : i32
      %mul3A_187 = arith.muli %scan3A_20, %mul3A_186 : i32
      %add3A_188 = arith.constant 6 : i32
      %add3A_189 = arith.addi %mul3A_187, %add3A_188 : i32
      %get3A_190 = arith.index_cast %add3A_189 : i32 to index
      %get3A_191 = arith.constant 0 : index
      %get3A_192 = tpu.vector_load %arg9[%get3A_190, %get3A_191] {strides = array<i32>} : memref<512x128xf32, #tpu.memory_space<vmem>>, vector<16xf32>,
      %get3A_193 = arith.index_cast %add3A_189 : i32 to index
      %get3A_194 = arith.constant 16 : index
      %get3A_195 = tpu.vector_load %arg9[%get3A_193, %get3A_194] {strides = array<i32>} : memref<512x128xf32, #tpu.memory_space<vmem>>, vector<16xf32>,
      %get3A_196 = arith.index_cast %add3A_189 : i32 to index
      %get3A_197 = arith.constant 32 : index
      %get3A_198 = tpu.vector_load %arg9[%get3A_196, %get3A_197] {strides = array<i32>} : memref<512x128xf32, #tpu.memory_space<vmem>>, vector<16xf32>,
      %get3A_199 = arith.index_cast %add3A_189 : i32 to index
      %get3A_200 = arith.constant 48 : index
      %get3A_201 = tpu.vector_load %arg9[%get3A_199, %get3A_200] {strides = array<i32>} : memref<512x128xf32, #tpu.memory_space<vmem>>, vector<16xf32>,
      %mul3A_202 = arith.mulf %get3A_192, %get3A_198 : vector<16xf32>
      %mul3A_203 = arith.mulf %get3A_195, %get3A_201 : vector<16xf32>
      %add3A_204 = arith.addf %mul3A_202, %mul3A_203 : vector<16xf32>
      %reduce_sum3A_205 = arith.constant true
      %reduce_sum3A_206 = vector.broadcast %reduce_sum3A_205 : i1 to vector<16xi1>
      %reduce_sum3A_207 = tpu.scan <sum>, %add3A_204 masked %reduce_sum3A_206 : vector<16xf32>, vector<16xi1> -> vector<16xf32>
      %reduce_sum3A_208 = vector.extract %reduce_sum3A_207[15] : f32 from vector<16xf32>
      %eq3A_209 = arith.constant 6 : i32
      %eq3A_210 = vector.broadcast %eq3A_209 : i32 to vector<16xi32>
      %eq3A_211 = arith.cmpi eq, %iota3A, %eq3A_210 : vector<16xi32>
      %broadcast_in_dim3A_212 = vector.broadcast %reduce_sum3A_208 : f32 to vector<16xf32>
      %select_n3A_213 = arith.select %eq3A_211, %broadcast_in_dim3A_212, %select_n3A_185 : vector<16xi1>, vector<16xf32>
      %mul3A_214 = arith.constant 16 : i32
      %mul3A_215 = arith.muli %scan3A_20, %mul3A_214 : i32
      %add3A_216 = arith.constant 7 : i32
      %add3A_217 = arith.addi %mul3A_215, %add3A_216 : i32
      %get3A_218 = arith.index_cast %add3A_217 : i32 to index
      %get3A_219 = arith.constant 0 : index
      %get3A_220 = tpu.vector_load %arg9[%get3A_218, %get3A_219] {strides = array<i32>} : memref<512x128xf32, #tpu.memory_space<vmem>>, vector<16xf32>,
      %get3A_221 = arith.index_cast %add3A_217 : i32 to index
      %get3A_222 = arith.constant 16 : index
      %get3A_223 = tpu.vector_load %arg9[%get3A_221, %get3A_222] {strides = array<i32>} : memref<512x128xf32, #tpu.memory_space<vmem>>, vector<16xf32>,
      %get3A_224 = arith.index_cast %add3A_217 : i32 to index
      %get3A_225 = arith.constant 32 : index
      %get3A_226 = tpu.vector_load %arg9[%get3A_224, %get3A_225] {strides = array<i32>} : memref<512x128xf32, #tpu.memory_space<vmem>>, vector<16xf32>,
      %get3A_227 = arith.index_cast %add3A_217 : i32 to index
      %get3A_228 = arith.constant 48 : index
      %get3A_229 = tpu.vector_load %arg9[%get3A_227, %get3A_228] {strides = array<i32>} : memref<512x128xf32, #tpu.memory_space<vmem>>, vector<16xf32>,
      %mul3A_230 = arith.mulf %get3A_220, %get3A_226 : vector<16xf32>
      %mul3A_231 = arith.mulf %get3A_223, %get3A_229 : vector<16xf32>
      %add3A_232 = arith.addf %mul3A_230, %mul3A_231 : vector<16xf32>
      %reduce_sum3A_233 = arith.constant true
      %reduce_sum3A_234 = vector.broadcast %reduce_sum3A_233 : i1 to vector<16xi1>
      %reduce_sum3A_235 = tpu.scan <sum>, %add3A_232 masked %reduce_sum3A_234 : vector<16xf32>, vector<16xi1> -> vector<16xf32>
      %reduce_sum3A_236 = vector.extract %reduce_sum3A_235[15] : f32 from vector<16xf32>
      %eq3A_237 = arith.constant 7 : i32
      %eq3A_238 = vector.broadcast %eq3A_237 : i32 to vector<16xi32>
      %eq3A_239 = arith.cmpi eq, %iota3A, %eq3A_238 : vector<16xi32>
      %broadcast_in_dim3A_240 = vector.broadcast %reduce_sum3A_236 : f32 to vector<16xf32>
      %select_n3A_241 = arith.select %eq3A_239, %broadcast_in_dim3A_240, %select_n3A_213 : vector<16xi1>, vector<16xf32>
      %mul3A_242 = arith.constant 16 : i32
      %mul3A_243 = arith.muli %scan3A_20, %mul3A_242 : i32
      %add3A_244 = arith.constant 8 : i32
      %add3A_245 = arith.addi %mul3A_243, %add3A_244 : i32
      %get3A_246 = arith.index_cast %add3A_245 : i32 to index
      %get3A_247 = arith.constant 0 : index
      %get3A_248 = tpu.vector_load %arg9[%get3A_246, %get3A_247] {strides = array<i32>} : memref<512x128xf32, #tpu.memory_space<vmem>>, vector<16xf32>,
      %get3A_249 = arith.index_cast %add3A_245 : i32 to index
      %get3A_250 = arith.constant 16 : index
      %get3A_251 = tpu.vector_load %arg9[%get3A_249, %get3A_250] {strides = array<i32>} : memref<512x128xf32, #tpu.memory_space<vmem>>, vector<16xf32>,
      %get3A_252 = arith.index_cast %add3A_245 : i32 to index
      %get3A_253 = arith.constant 32 : index
      %get3A_254 = tpu.vector_load %arg9[%get3A_252, %get3A_253] {strides = array<i32>} : memref<512x128xf32, #tpu.memory_space<vmem>>, vector<16xf32>,
      %get3A_255 = arith.index_cast %add3A_245 : i32 to index
      %get3A_256 = arith.constant 48 : index
      %get3A_257 = tpu.vector_load %arg9[%get3A_255, %get3A_256] {strides = array<i32>} : memref<512x128xf32, #tpu.memory_space<vmem>>, vector<16xf32>,
      %mul3A_258 = arith.mulf %get3A_248, %get3A_254 : vector<16xf32>
      %mul3A_259 = arith.mulf %get3A_251, %get3A_257 : vector<16xf32>
      %add3A_260 = arith.addf %mul3A_258, %mul3A_259 : vector<16xf32>
      %reduce_sum3A_261 = arith.constant true
      %reduce_sum3A_262 = vector.broadcast %reduce_sum3A_261 : i1 to vector<16xi1>
      %reduce_sum3A_263 = tpu.scan <sum>, %add3A_260 masked %reduce_sum3A_262 : vector<16xf32>, vector<16xi1> -> vector<16xf32>
      %reduce_sum3A_264 = vector.extract %reduce_sum3A_263[15] : f32 from vector<16xf32>
      %eq3A_265 = arith.constant 8 : i32
      %eq3A_266 = vector.broadcast %eq3A_265 : i32 to vector<16xi32>
      %eq3A_267 = arith.cmpi eq, %iota3A, %eq3A_266 : vector<16xi32>
      %broadcast_in_dim3A_268 = vector.broadcast %reduce_sum3A_264 : f32 to vector<16xf32>
      %select_n3A_269 = arith.select %eq3A_267, %broadcast_in_dim3A_268, %select_n3A_241 : vector<16xi1>, vector<16xf32>
      %mul3A_270 = arith.constant 16 : i32
      %mul3A_271 = arith.muli %scan3A_20, %mul3A_270 : i32
      %add3A_272 = arith.constant 9 : i32
      %add3A_273 = arith.addi %mul3A_271, %add3A_272 : i32
      %get3A_274 = arith.index_cast %add3A_273 : i32 to index
      %get3A_275 = arith.constant 0 : index
      %get3A_276 = tpu.vector_load %arg9[%get3A_274, %get3A_275] {strides = array<i32>} : memref<512x128xf32, #tpu.memory_space<vmem>>, vector<16xf32>,
      %get3A_277 = arith.index_cast %add3A_273 : i32 to index
      %get3A_278 = arith.constant 16 : index
      %get3A_279 = tpu.vector_load %arg9[%get3A_277, %get3A_278] {strides = array<i32>} : memref<512x128xf32, #tpu.memory_space<vmem>>, vector<16xf32>,
      %get3A_280 = arith.index_cast %add3A_273 : i32 to index
      %get3A_281 = arith.constant 32 : index
      %get3A_282 = tpu.vector_load %arg9[%get3A_280, %get3A_281] {strides = array<i32>} : memref<512x128xf32, #tpu.memory_space<vmem>>, vector<16xf32>,
      %get3A_283 = arith.index_cast %add3A_273 : i32 to index
      %get3A_284 = arith.constant 48 : index
      %get3A_285 = tpu.vector_load %arg9[%get3A_283, %get3A_284] {strides = array<i32>} : memref<512x128xf32, #tpu.memory_space<vmem>>, vector<16xf32>,
      %mul3A_286 = arith.mulf %get3A_276, %get3A_282 : vector<16xf32>
      %mul3A_287 = arith.mulf %get3A_279, %get3A_285 : vector<16xf32>
      %add3A_288 = arith.addf %mul3A_286, %mul3A_287 : vector<16xf32>
      %reduce_sum3A_289 = arith.constant true
      %reduce_sum3A_290 = vector.broadcast %reduce_sum3A_289 : i1 to vector<16xi1>
      %reduce_sum3A_291 = tpu.scan <sum>, %add3A_288 masked %reduce_sum3A_290 : vector<16xf32>, vector<16xi1> -> vector<16xf32>
      %reduce_sum3A_292 = vector.extract %reduce_sum3A_291[15] : f32 from vector<16xf32>
      %eq3A_293 = arith.constant 9 : i32
      %eq3A_294 = vector.broadcast %eq3A_293 : i32 to vector<16xi32>
      %eq3A_295 = arith.cmpi eq, %iota3A, %eq3A_294 : vector<16xi32>
      %broadcast_in_dim3A_296 = vector.broadcast %reduce_sum3A_292 : f32 to vector<16xf32>
      %select_n3A_297 = arith.select %eq3A_295, %broadcast_in_dim3A_296, %select_n3A_269 : vector<16xi1>, vector<16xf32>
      %mul3A_298 = arith.constant 16 : i32
      %mul3A_299 = arith.muli %scan3A_20, %mul3A_298 : i32
      %add3A_300 = arith.constant 10 : i32
      %add3A_301 = arith.addi %mul3A_299, %add3A_300 : i32
      %get3A_302 = arith.index_cast %add3A_301 : i32 to index
      %get3A_303 = arith.constant 0 : index
      %get3A_304 = tpu.vector_load %arg9[%get3A_302, %get3A_303] {strides = array<i32>} : memref<512x128xf32, #tpu.memory_space<vmem>>, vector<16xf32>,
      %get3A_305 = arith.index_cast %add3A_301 : i32 to index
      %get3A_306 = arith.constant 16 : index
      %get3A_307 = tpu.vector_load %arg9[%get3A_305, %get3A_306] {strides = array<i32>} : memref<512x128xf32, #tpu.memory_space<vmem>>, vector<16xf32>,
      %get3A_308 = arith.index_cast %add3A_301 : i32 to index
      %get3A_309 = arith.constant 32 : index
      %get3A_310 = tpu.vector_load %arg9[%get3A_308, %get3A_309] {strides = array<i32>} : memref<512x128xf32, #tpu.memory_space<vmem>>, vector<16xf32>,
      %get3A_311 = arith.index_cast %add3A_301 : i32 to index
      %get3A_312 = arith.constant 48 : index
      %get3A_313 = tpu.vector_load %arg9[%get3A_311, %get3A_312] {strides = array<i32>} : memref<512x128xf32, #tpu.memory_space<vmem>>, vector<16xf32>,
      %mul3A_314 = arith.mulf %get3A_304, %get3A_310 : vector<16xf32>
      %mul3A_315 = arith.mulf %get3A_307, %get3A_313 : vector<16xf32>
      %add3A_316 = arith.addf %mul3A_314, %mul3A_315 : vector<16xf32>
      %reduce_sum3A_317 = arith.constant true
      %reduce_sum3A_318 = vector.broadcast %reduce_sum3A_317 : i1 to vector<16xi1>
      %reduce_sum3A_319 = tpu.scan <sum>, %add3A_316 masked %reduce_sum3A_318 : vector<16xf32>, vector<16xi1> -> vector<16xf32>
      %reduce_sum3A_320 = vector.extract %reduce_sum3A_319[15] : f32 from vector<16xf32>
      %eq3A_321 = arith.constant 10 : i32
      %eq3A_322 = vector.broadcast %eq3A_321 : i32 to vector<16xi32>
      %eq3A_323 = arith.cmpi eq, %iota3A, %eq3A_322 : vector<16xi32>
      %broadcast_in_dim3A_324 = vector.broadcast %reduce_sum3A_320 : f32 to vector<16xf32>
      %select_n3A_325 = arith.select %eq3A_323, %broadcast_in_dim3A_324, %select_n3A_297 : vector<16xi1>, vector<16xf32>
      %mul3A_326 = arith.constant 16 : i32
      %mul3A_327 = arith.muli %scan3A_20, %mul3A_326 : i32
      %add3A_328 = arith.constant 11 : i32
      %add3A_329 = arith.addi %mul3A_327, %add3A_328 : i32
      %get3A_330 = arith.index_cast %add3A_329 : i32 to index
      %get3A_331 = arith.constant 0 : index
      %get3A_332 = tpu.vector_load %arg9[%get3A_330, %get3A_331] {strides = array<i32>} : memref<512x128xf32, #tpu.memory_space<vmem>>, vector<16xf32>,
      %get3A_333 = arith.index_cast %add3A_329 : i32 to index
      %get3A_334 = arith.constant 16 : index
      %get3A_335 = tpu.vector_load %arg9[%get3A_333, %get3A_334] {strides = array<i32>} : memref<512x128xf32, #tpu.memory_space<vmem>>, vector<16xf32>,
      %get3A_336 = arith.index_cast %add3A_329 : i32 to index
      %get3A_337 = arith.constant 32 : index
      %get3A_338 = tpu.vector_load %arg9[%get3A_336, %get3A_337] {strides = array<i32>} : memref<512x128xf32, #tpu.memory_space<vmem>>, vector<16xf32>,
      %get3A_339 = arith.index_cast %add3A_329 : i32 to index
      %get3A_340 = arith.constant 48 : index
      %get3A_341 = tpu.vector_load %arg9[%get3A_339, %get3A_340] {strides = array<i32>} : memref<512x128xf32, #tpu.memory_space<vmem>>, vector<16xf32>,
      %mul3A_342 = arith.mulf %get3A_332, %get3A_338 : vector<16xf32>
      %mul3A_343 = arith.mulf %get3A_335, %get3A_341 : vector<16xf32>
      %add3A_344 = arith.addf %mul3A_342, %mul3A_343 : vector<16xf32>
      %reduce_sum3A_345 = arith.constant true
      %reduce_sum3A_346 = vector.broadcast %reduce_sum3A_345 : i1 to vector<16xi1>
      %reduce_sum3A_347 = tpu.scan <sum>, %add3A_344 masked %reduce_sum3A_346 : vector<16xf32>, vector<16xi1> -> vector<16xf32>
      %reduce_sum3A_348 = vector.extract %reduce_sum3A_347[15] : f32 from vector<16xf32>
      %eq3A_349 = arith.constant 11 : i32
      %eq3A_350 = vector.broadcast %eq3A_349 : i32 to vector<16xi32>
      %eq3A_351 = arith.cmpi eq, %iota3A, %eq3A_350 : vector<16xi32>
      %broadcast_in_dim3A_352 = vector.broadcast %reduce_sum3A_348 : f32 to vector<16xf32>
      %select_n3A_353 = arith.select %eq3A_351, %broadcast_in_dim3A_352, %select_n3A_325 : vector<16xi1>, vector<16xf32>
      %mul3A_354 = arith.constant 16 : i32
      %mul3A_355 = arith.muli %scan3A_20, %mul3A_354 : i32
      %add3A_356 = arith.constant 12 : i32
      %add3A_357 = arith.addi %mul3A_355, %add3A_356 : i32
      %get3A_358 = arith.index_cast %add3A_357 : i32 to index
      %get3A_359 = arith.constant 0 : index
      %get3A_360 = tpu.vector_load %arg9[%get3A_358, %get3A_359] {strides = array<i32>} : memref<512x128xf32, #tpu.memory_space<vmem>>, vector<16xf32>,
      %get3A_361 = arith.index_cast %add3A_357 : i32 to index
      %get3A_362 = arith.constant 16 : index
      %get3A_363 = tpu.vector_load %arg9[%get3A_361, %get3A_362] {strides = array<i32>} : memref<512x128xf32, #tpu.memory_space<vmem>>, vector<16xf32>,
      %get3A_364 = arith.index_cast %add3A_357 : i32 to index
      %get3A_365 = arith.constant 32 : index
      %get3A_366 = tpu.vector_load %arg9[%get3A_364, %get3A_365] {strides = array<i32>} : memref<512x128xf32, #tpu.memory_space<vmem>>, vector<16xf32>,
      %get3A_367 = arith.index_cast %add3A_357 : i32 to index
      %get3A_368 = arith.constant 48 : index
      %get3A_369 = tpu.vector_load %arg9[%get3A_367, %get3A_368] {strides = array<i32>} : memref<512x128xf32, #tpu.memory_space<vmem>>, vector<16xf32>,
      %mul3A_370 = arith.mulf %get3A_360, %get3A_366 : vector<16xf32>
      %mul3A_371 = arith.mulf %get3A_363, %get3A_369 : vector<16xf32>
      %add3A_372 = arith.addf %mul3A_370, %mul3A_371 : vector<16xf32>
      %reduce_sum3A_373 = arith.constant true
      %reduce_sum3A_374 = vector.broadcast %reduce_sum3A_373 : i1 to vector<16xi1>
      %reduce_sum3A_375 = tpu.scan <sum>, %add3A_372 masked %reduce_sum3A_374 : vector<16xf32>, vector<16xi1> -> vector<16xf32>
      %reduce_sum3A_376 = vector.extract %reduce_sum3A_375[15] : f32 from vector<16xf32>
      %eq3A_377 = arith.constant 12 : i32
      %eq3A_378 = vector.broadcast %eq3A_377 : i32 to vector<16xi32>
      %eq3A_379 = arith.cmpi eq, %iota3A, %eq3A_378 : vector<16xi32>
      %broadcast_in_dim3A_380 = vector.broadcast %reduce_sum3A_376 : f32 to vector<16xf32>
      %select_n3A_381 = arith.select %eq3A_379, %broadcast_in_dim3A_380, %select_n3A_353 : vector<16xi1>, vector<16xf32>
      %mul3A_382 = arith.constant 16 : i32
      %mul3A_383 = arith.muli %scan3A_20, %mul3A_382 : i32
      %add3A_384 = arith.constant 13 : i32
      %add3A_385 = arith.addi %mul3A_383, %add3A_384 : i32
      %get3A_386 = arith.index_cast %add3A_385 : i32 to index
      %get3A_387 = arith.constant 0 : index
      %get3A_388 = tpu.vector_load %arg9[%get3A_386, %get3A_387] {strides = array<i32>} : memref<512x128xf32, #tpu.memory_space<vmem>>, vector<16xf32>,
      %get3A_389 = arith.index_cast %add3A_385 : i32 to index
      %get3A_390 = arith.constant 16 : index
      %get3A_391 = tpu.vector_load %arg9[%get3A_389, %get3A_390] {strides = array<i32>} : memref<512x128xf32, #tpu.memory_space<vmem>>, vector<16xf32>,
      %get3A_392 = arith.index_cast %add3A_385 : i32 to index
      %get3A_393 = arith.constant 32 : index
      %get3A_394 = tpu.vector_load %arg9[%get3A_392, %get3A_393] {strides = array<i32>} : memref<512x128xf32, #tpu.memory_space<vmem>>, vector<16xf32>,
      %get3A_395 = arith.index_cast %add3A_385 : i32 to index
      %get3A_396 = arith.constant 48 : index
      %get3A_397 = tpu.vector_load %arg9[%get3A_395, %get3A_396] {strides = array<i32>} : memref<512x128xf32, #tpu.memory_space<vmem>>, vector<16xf32>,
      %mul3A_398 = arith.mulf %get3A_388, %get3A_394 : vector<16xf32>
      %mul3A_399 = arith.mulf %get3A_391, %get3A_397 : vector<16xf32>
      %add3A_400 = arith.addf %mul3A_398, %mul3A_399 : vector<16xf32>
      %reduce_sum3A_401 = arith.constant true
      %reduce_sum3A_402 = vector.broadcast %reduce_sum3A_401 : i1 to vector<16xi1>
      %reduce_sum3A_403 = tpu.scan <sum>, %add3A_400 masked %reduce_sum3A_402 : vector<16xf32>, vector<16xi1> -> vector<16xf32>
      %reduce_sum3A_404 = vector.extract %reduce_sum3A_403[15] : f32 from vector<16xf32>
      %eq3A_405 = arith.constant 13 : i32
      %eq3A_406 = vector.broadcast %eq3A_405 : i32 to vector<16xi32>
      %eq3A_407 = arith.cmpi eq, %iota3A, %eq3A_406 : vector<16xi32>
      %broadcast_in_dim3A_408 = vector.broadcast %reduce_sum3A_404 : f32 to vector<16xf32>
      %select_n3A_409 = arith.select %eq3A_407, %broadcast_in_dim3A_408, %select_n3A_381 : vector<16xi1>, vector<16xf32>
      %mul3A_410 = arith.constant 16 : i32
      %mul3A_411 = arith.muli %scan3A_20, %mul3A_410 : i32
      %add3A_412 = arith.constant 14 : i32
      %add3A_413 = arith.addi %mul3A_411, %add3A_412 : i32
      %get3A_414 = arith.index_cast %add3A_413 : i32 to index
      %get3A_415 = arith.constant 0 : index
      %get3A_416 = tpu.vector_load %arg9[%get3A_414, %get3A_415] {strides = array<i32>} : memref<512x128xf32, #tpu.memory_space<vmem>>, vector<16xf32>,
      %get3A_417 = arith.index_cast %add3A_413 : i32 to index
      %get3A_418 = arith.constant 16 : index
      %get3A_419 = tpu.vector_load %arg9[%get3A_417, %get3A_418] {strides = array<i32>} : memref<512x128xf32, #tpu.memory_space<vmem>>, vector<16xf32>,
      %get3A_420 = arith.index_cast %add3A_413 : i32 to index
      %get3A_421 = arith.constant 32 : index
      %get3A_422 = tpu.vector_load %arg9[%get3A_420, %get3A_421] {strides = array<i32>} : memref<512x128xf32, #tpu.memory_space<vmem>>, vector<16xf32>,
      %get3A_423 = arith.index_cast %add3A_413 : i32 to index
      %get3A_424 = arith.constant 48 : index
      %get3A_425 = tpu.vector_load %arg9[%get3A_423, %get3A_424] {strides = array<i32>} : memref<512x128xf32, #tpu.memory_space<vmem>>, vector<16xf32>,
      %mul3A_426 = arith.mulf %get3A_416, %get3A_422 : vector<16xf32>
      %mul3A_427 = arith.mulf %get3A_419, %get3A_425 : vector<16xf32>
      %add3A_428 = arith.addf %mul3A_426, %mul3A_427 : vector<16xf32>
      %reduce_sum3A_429 = arith.constant true
      %reduce_sum3A_430 = vector.broadcast %reduce_sum3A_429 : i1 to vector<16xi1>
      %reduce_sum3A_431 = tpu.scan <sum>, %add3A_428 masked %reduce_sum3A_430 : vector<16xf32>, vector<16xi1> -> vector<16xf32>
      %reduce_sum3A_432 = vector.extract %reduce_sum3A_431[15] : f32 from vector<16xf32>
      %eq3A_433 = arith.constant 14 : i32
      %eq3A_434 = vector.broadcast %eq3A_433 : i32 to vector<16xi32>
      %eq3A_435 = arith.cmpi eq, %iota3A, %eq3A_434 : vector<16xi32>
      %broadcast_in_dim3A_436 = vector.broadcast %reduce_sum3A_432 : f32 to vector<16xf32>
      %select_n3A_437 = arith.select %eq3A_435, %broadcast_in_dim3A_436, %select_n3A_409 : vector<16xi1>, vector<16xf32>
      %mul3A_438 = arith.constant 16 : i32
      %mul3A_439 = arith.muli %scan3A_20, %mul3A_438 : i32
      %add3A_440 = arith.constant 15 : i32
      %add3A_441 = arith.addi %mul3A_439, %add3A_440 : i32
      %get3A_442 = arith.index_cast %add3A_441 : i32 to index
      %get3A_443 = arith.constant 0 : index
      %get3A_444 = tpu.vector_load %arg9[%get3A_442, %get3A_443] {strides = array<i32>} : memref<512x128xf32, #tpu.memory_space<vmem>>, vector<16xf32>,
      %get3A_445 = arith.index_cast %add3A_441 : i32 to index
      %get3A_446 = arith.constant 16 : index
      %get3A_447 = tpu.vector_load %arg9[%get3A_445, %get3A_446] {strides = array<i32>} : memref<512x128xf32, #tpu.memory_space<vmem>>, vector<16xf32>,
      %get3A_448 = arith.index_cast %add3A_441 : i32 to index
      %get3A_449 = arith.constant 32 : index
      %get3A_450 = tpu.vector_load %arg9[%get3A_448, %get3A_449] {strides = array<i32>} : memref<512x128xf32, #tpu.memory_space<vmem>>, vector<16xf32>,
      %get3A_451 = arith.index_cast %add3A_441 : i32 to index
      %get3A_452 = arith.constant 48 : index
      %get3A_453 = tpu.vector_load %arg9[%get3A_451, %get3A_452] {strides = array<i32>} : memref<512x128xf32, #tpu.memory_space<vmem>>, vector<16xf32>,
      %mul3A_454 = arith.mulf %get3A_444, %get3A_450 : vector<16xf32>
      %mul3A_455 = arith.mulf %get3A_447, %get3A_453 : vector<16xf32>
      %add3A_456 = arith.addf %mul3A_454, %mul3A_455 : vector<16xf32>
      %reduce_sum3A_457 = arith.constant true
      %reduce_sum3A_458 = vector.broadcast %reduce_sum3A_457 : i1 to vector<16xi1>
      %reduce_sum3A_459 = tpu.scan <sum>, %add3A_456 masked %reduce_sum3A_458 : vector<16xf32>, vector<16xi1> -> vector<16xf32>
      %reduce_sum3A_460 = vector.extract %reduce_sum3A_459[15] : f32 from vector<16xf32>
      %eq3A_461 = arith.constant 15 : i32
      %eq3A_462 = vector.broadcast %eq3A_461 : i32 to vector<16xi32>
      %eq3A_463 = arith.cmpi eq, %iota3A, %eq3A_462 : vector<16xi32>
      %broadcast_in_dim3A_464 = vector.broadcast %reduce_sum3A_460 : f32 to vector<16xf32>
      %select_n3A_465 = arith.select %eq3A_463, %broadcast_in_dim3A_464, %select_n3A_437 : vector<16xi1>, vector<16xf32>
      %mul3A_466 = arith.constant 16 : i32
      %mul3A_467 = arith.muli %scan3A_20, %mul3A_466 : i32
      %swap3A = arith.index_cast %mul3A_467 : i32 to index
      %swap3A_468 = tpu.vector_load %arg10[%swap3A] {strides = array<i32>} : memref<512xf32, #tpu.memory_space<vmem>>, vector<16xf32>,
      tpu.vector_store %arg10[%swap3A], %select_n3A_465 {strides = array<i32>} : memref<512xf32, #tpu.memory_space<vmem>>, vector<16xf32>,
    }
    %scan3A_19 = arith.constant 32 : i32
    "tpu.region"() ({
      %run_scoped3A = tpu.sem_alloc : memref<!tpu.dma_semaphore, #tpu.memory_space<semaphore_mem>>
      %dma_start3A = tpu.memref_slice %arg6[%mul3A_2] : memref<16384xf32, #tpu.memory_space<hbm>> -> memref<512xf32, #tpu.memory_space<hbm>>
      %dma_start3A_20 = tpu.memref_slice %arg6[%mul3A_2] : memref<16384xf32, #tpu.memory_space<hbm>> -> memref<512xf32, #tpu.memory_space<hbm>>
      tpu.enqueue_dma source(%arg10 : memref<512xf32, #tpu.memory_space<vmem>>) target(%dma_start3A_20 : memref<512xf32, #tpu.memory_space<hbm>>) target_semaphore(%run_scoped3A : memref<!tpu.dma_semaphore, #tpu.memory_space<semaphore_mem>>)
      %dma_wait3A = tpu.memref_slice %arg6[%mul3A_2] : memref<16384xf32, #tpu.memory_space<hbm>> -> memref<512xf32, #tpu.memory_space<hbm>>
      %dma_wait3A_21 = tpu.memref_slice %arg6[%mul3A_2] : memref<16384xf32, #tpu.memory_space<hbm>> -> memref<512xf32, #tpu.memory_space<hbm>>
      tpu.wait_dma2 semaphore(%run_scoped3A : memref<!tpu.dma_semaphore, #tpu.memory_space<semaphore_mem>>) src(%arg10 : memref<512xf32, #tpu.memory_space<vmem>>) dst(%dma_wait3A_21 : memref<512xf32, #tpu.memory_space<hbm>>)
      tpu.yield
    }) : () -> ()
    return
  }
}

</mosaic_0001>

<sc_bundles>
// kernel: kernel.3.cloned.1.call-start
scs
__scs_entry_jumppad:
0x0: {  	(pc) =	sbr.rel $0x88, $3  }
0x1: {  	(tag) =	ssettag $0x0;
	lr =	simm.s32 $0x1  }
0x2: {  	[smem:$0x3F9E] =	sst lr;
	_ =	strace $0xD0000000  }
0x3: {  	_ = 	snop  }
0x4: {  	_ = 	snop  }
0x5: {  	_ = 	snop  }
0x6: {  	_ = 	snop  }
0x7: {  	_ = 	snop  }
__scs_overlays_trampoline_lowered:
0x8: {  	[smem:$0x3FAD] =	sst s0  }
0x9: {  	[smem:$0x3FAE] =	sst s1  }
0xa: {  	[smem:$0x3FAF] =	sst s2  }
0xb: {  	[smem:$0x3FB0] =	sst s3  }
0xc: {  	[smem:$0x3FB1] =	sst s4  }
0xd: {  	[smem:$0x3FB2] =	sst s5  }
0xe: {  	[smem:$0x3FB3] =	sst s6  }
0xf: {  	[smem:$0x3FB4] =	sst s7  }
0x10: {  	[smem:$0x3FB5] =	sst s8  }
0x11: {  	[smem:$0x3FB6] =	sst s9;
	s0 =	simm.s32 @!p0 $0x0  }
0x12: {  	s1 =	sld [smem:$0x3F9C];
	s0 =	simm.s32 @p0 $0x1  }
0x13: {  	[smem:$0x3FB7] =	sst s0;
	s0 =	simm.s32 @!p1 $0x0  }
0x14: {  	s2 =	sld [smem:$0x3F9B];
	s0 =	simm.s32 @p1 $0x1  }
0x15: {  	[smem:$0x3FB8] =	sst s0;
	s0 =	simm.s32 @!p2 $0x0  }
0x16: {  	s3 =	sld [smem:$0x3FDB];
	s0 =	simm.s32 @p2 $0x1  }
0x17: {  	s4 =	simm.s32 $0x1BF5;
	[smem:$0x3FBA] =	sst s0  }
0x18: {  	s0 =	sld [smem:$0x3F9D];
	_ =	swait.ge [sflag:s4], $0x0  }
0x19: {  	s7 =	sld [smem:$0x3F9E]  }
0x1a: {  	s8 =	sadd.s32 $0xFFFFE003, lr  }
0x1b: {  	s9 =	sadd.s32 $0xFFFFFEF7, lr;
	s5 =	simm.s32 $0xFFFFFFFF;
	p2 =	slt.u32 s8, $0xFFFFF086  }
0x1c: {  	p1 =	slt.u32 s9, $0xF7A;
	s5 =	simm.s32 @!p2 $0x0  }
0x1d: {  	s5 =	simm.s32 @p1 $0x1;
	p0 =	seq.s32 s7, s2  }
0x1e: {  	s7 =	smul.u32 @!p0 $0xF7A, s2;
	p2 =	seq.s32 @!p0 s5, $0x0  }
0x1f: {  	s9 =	smul.u32 $0xF7A, s1;
	s8 =	simm.s32 @!p0 $0x1BF5;
	p2 =	por !p2, p0  }
0x20: {  	[sflag:s8] =	ssyncset.s32 @!p0 $0xFFFFF086;
	s6 =	sadd.s32 @!p0 s3, s7;
	s7 =	simm.s32 @!p0 $0x108  }
0x21: {  	s3 =	sadd.s32 s3, s9;
	s6 =	sadd.s32 @!p0 $0x88, s6;
	s7 =	simm.s32 @p2 $0x1082  }
0x22: {  	[simem:s7], [sflag:s8] =	dma.local @!p0 [hbm:s6], $0xF7A  }
0x23: {  	s9 =	sor.u32 $0xD0000000, s2;
	s6 =	simm.s32 $0x108;
	_ =	swait.ge @!p0 [sflag:s8], $0x0  }
0x24: {  	s3 =	sadd.s32 $0x88, s3;
	s6 =	simm.s32 @!p1 $0x1082;
	[sflag:s4] =	ssyncset.s32 $0xFFFFF086  }
0x25: {  	[simem:s6], [sflag:s4] =	dma.local [hbm:s3], $0xF7A  }
0x26: {  	[smem:$0x3F9E] =	sst s1;
	(tag) =	ssettag s2;
	_ =	strace s9  }
0x27: {  	s1 =	sld [smem:$0x3FAE]  }
0x28: {  	s2 =	sld [smem:$0x3FAF]  }
0x29: {  	s4 =	sld [smem:$0x3FB1]  }
0x2a: {  	p0 =	seq.s32 s5, $0x0;
	s5 =	sld [smem:$0x3FB2]  }
0x2b: {  	s6 =	sld [smem:$0x3FB3]  }
0x2c: {  	s7 =	sld [smem:$0x3FB4]  }
0x2d: {  	s3 =	simm.s32 $0x108;
	s8 =	sld [smem:$0x3FB5]  }
0x2e: {  	s3 =	simm.s32 @!p0 $0x1082;
	s9 =	sld [smem:$0x3FB6]  }
0x2f: {  	lr =	sadd.s32 s0, s3;
	s0 =	sld [smem:$0x3FAD]  }
0x30: {  	s3 =	sld [smem:$0x3FB0]  }
0x31: {  	[smem:$0x3FB9] =	sst s10  }
0x32: {  	s10 =	sld [smem:$0x3FB7];
	_ =	sdelay $0x3  }
0x33: {  	p0 =	seq.s32 s10, $0x1;
	s10 =	sld [smem:$0x3FB9];
	_ =	sdelay $0x3  }
0x34: {  	[smem:$0x3FB9] =	sst s10  }
0x35: {  	s10 =	sld [smem:$0x3FB8];
	_ =	sdelay $0x3  }
0x36: {  	p1 =	seq.s32 s10, $0x1;
	s10 =	sld [smem:$0x3FB9];
	_ =	sdelay $0x3  }
0x37: {  	[smem:$0x3FB9] =	sst s10  }
0x38: {  	s10 =	sld [smem:$0x3FBA]  }
0x39: {  	_ = 	snop;
	(pc) =	sbr.ind lr, $3  }
0x3a: {  	_ = 	snop  }
0x3b: {  	_ = 	snop  }
0x3c: {  	p2 =	seq.s32 s10, $0x1;
	s10 =	sld [smem:$0x3FB9]  }
0x3d: {  	_ =	shalt  }
0x3e: {  	_ =	shalt  }
0x3f: {  	_ =	shalt  }
0x40: {  	_ =	shalt  }
0x41: {  	_ =	shalt  }
0x42: {  	_ =	shalt  }
0x43: {  	_ =	shalt  }
0x44: {  	_ =	shalt  }
0x45: {  	_ =	shalt  }
0x46: {  	_ =	shalt  }
0x47: {  	_ =	shalt  }
0x48: {  	_ =	shalt  }
0x49: {  	_ =	shalt  }
0x4a: {  	_ =	shalt  }
0x4b: {  	_ =	shalt  }
0x4c: {  	_ =	shalt  }
0x4d: {  	_ =	shalt  }
0x4e: {  	_ =	shalt  }
0x4f: {  	_ =	shalt  }
0x50: {  	_ =	shalt  }
0x51: {  	_ =	shalt  }
0x52: {  	_ =	shalt  }
0x53: {  	_ =	shalt  }
0x54: {  	_ =	shalt  }
0x55: {  	_ =	shalt  }
0x56: {  	_ =	shalt  }
0x57: {  	_ =	shalt  }
0x58: {  	_ =	shalt  }
0x59: {  	_ =	shalt  }
0x5a: {  	_ =	shalt  }
0x5b: {  	_ =	shalt  }
0x5c: {  	_ =	shalt  }
0x5d: {  	_ =	shalt  }
0x5e: {  	_ =	shalt  }
0x5f: {  	_ =	shalt  }
0x60: {  	_ =	shalt  }
0x61: {  	_ =	shalt  }
0x62: {  	_ =	shalt  }
0x63: {  	_ =	shalt  }
0x64: {  	_ =	shalt  }
0x65: {  	_ =	shalt  }
0x66: {  	_ =	shalt  }
0x67: {  	_ =	shalt  }
0x68: {  	_ =	shalt  }
0x69: {  	_ =	shalt  }
0x6a: {  	_ =	shalt  }
0x6b: {  	_ =	shalt  }
0x6c: {  	_ =	shalt  }
0x6d: {  	_ =	shalt  }
0x6e: {  	_ =	shalt  }
0x6f: {  	_ =	shalt  }
0x70: {  	_ =	shalt  }
0x71: {  	_ =	shalt  }
0x72: {  	_ =	shalt  }
0x73: {  	_ =	shalt  }
0x74: {  	_ =	shalt  }
0x75: {  	_ =	shalt  }
0x76: {  	_ =	shalt  }
0x77: {  	_ =	shalt  }
0x78: {  	_ =	shalt  }
0x79: {  	_ =	shalt  }
0x7a: {  	_ =	shalt  }
0x7b: {  	_ =	shalt  }
0x7c: {  	_ =	shalt  }
0x7d: {  	_ =	shalt  }
0x7e: {  	_ =	shalt  }
0x7f: {  	_ =	shalt  }
0x80: {  	_ =	shalt  }
0x81: {  	_ =	shalt  }
0x82: {  	_ =	shalt  }
0x83: {  	_ =	shalt  }
0x84: {  	_ =	shalt  }
0x85: {  	_ =	shalt  }
0x86: {  	_ =	shalt  }
0x87: {  	_ =	shalt  }
.Lfunc_end0:
.L_simem_size_0:
called_computation_lowered:
.L_overlay_start_0:
0x88: {  	s2 =	sld [smem:$0x3FD9]  }
0x89: {  	s3 =	sld [smem:$0x3FFE];
	_ =	sdelay $0x1  }
0x8a: {  	s1 =	srdreg.scid  }
0x8b: {  	s0 =	sand.u32 $0x1, s1  }
0x8c: {  	s17 =	sshll.u32 s0, $0xA;
	s2 =	sadd.s32 s3, s2  }
0x8d: {  	s2 =	sadd.s32 s2, s17  }
0x8e: {  	[smem:$0x3FC5] =	sst s2  }
0x8f: {  	_ = 	snop  }
0x90: {  	s2 =	sld [smem:$0x3FD0];
	(tm) =	ssettm $0x1  }
0x91: {  	s18 =	sld [smem:$0x3FFB];
	_ =	sdelay $0x3  }
0x92: {  	_ =	strace s18  }
0x93: {  	s3 =	sld [smem:$0x3FFC];
	_ =	sdelay $0x3  }
0x94: {  	_ =	strace s3  }
0x95: {  	s3 =	sld [smem:$0x3FFD];
	_ =	sdelay $0x3  }
0x96: {  	_ =	strace s3  }
0x97: {  	_ =	strace $0x8FFFFFFF  }
0x98: {  	s19 =	sld [smem:$0x3FDB];
	_ =	sdelay $0x1  }
0x99: {  	s4 =	simm.s32 $_scs_section_size  }
0x9a: {  	s5 =	simm.s32 $_size__tile_overlayer_lowered;
	s6 =	simm.s32 $_tile_overlayer_lowered  }
0x9b: {  	s22 =	simm.s32 $0x1BFF;
	s21 =	sshll.u32 s6, $0x1;
	s3 =	sadd.s32 s4, s19  }
0x9c: {  	s7 =	simm.s32 $0x0;
	s20 =	sshll.u32 s5, $0x1;
	s5 =	sadd.s32 s21, s3  }
0x9d: {  	[timem:s7], [sflag:s22] =	dma.local [hbm:s5], s20  }
0x9e: {  	_ =	swait.ge [sflag:s22], s20  }
0x9f: {  	s4 =	ssub.s32 $0x0, s20;
	[sflag:s22] =	ssyncset.done $0x0  }
0xa0: {  	[sflag:s22] =	ssyncadd.s32 s4;
	_ =	sdelay $0x1  }
0xa1: {  	s23 =	simm.s32 $0x1B8B  }
0xa2: {  	_ =	swait.ge [sflag:s23], $0x1  }
0xa3: {  	[sflag:s23] =	ssyncset.done $0x0  }
0xa4: {  	s25 =	simm.s32 $0x1B8E;
	s24 =	sld [smem:$0x3FFE];
	[sflag:s23] =	ssyncadd.s32 $0xFFFFFFFF  }
0xa5: {  	s26 =	simm.s32 $execute0_lowered;
	[smem:$0x3FD2] =	sst s25  }
0xa6: {  	s5 =	sshll.u32 s26, $0x1;
	_ =	strace $0x80000046;
	[dreg:$0x1] =	wrdreg $0xFFFFFFFF  }
0xa7: {  	s28 =	simm.s32 $_size_execute0_lowered;
	s3 =	sadd.s32 s3, s5;
	[dreg:$0x0] =	wrdreg $0x0  }
0xa8: {  	s5 =	sshll.u32 s28, $0x1;
	[dreg:$0x2] =	wrdreg s3  }
0xa9: {  	[dreg:$0x3] =	wrdreg s5  }
0xaa: {  	[dreg:$0x4] =	wrdreg $0xC0  }
0xab: {  	_ =	task [dreg:s7], $0x5FFFF  }
0xac: {  	[dreg:$0x1] =	wrdreg $0xFFFFFFFF  }
0xad: {  	[dreg:$0x0] =	wrdreg $0x60  }
0xae: {  	[dreg:$0x2] =	wrdreg s24  }
0xaf: {  	[dreg:$0x3] =	wrdreg s2  }
0xb0: {  	[dreg:$0x4] =	wrdreg $0x9  }
0xb1: {  	_ =	task.clear_ibuf [dreg:s7], $0x5FFFF;
	_ =	strace $0x90000046  }
0xb2: {  	s29 =	simm.s32 $0x9;
	_ =	strace $0x80000048  }
0xb3: {  	_ =	swait.ge [sflag:s29], $0x1  }
0xb4: {  	[sflag:s29] =	ssyncadd.s32 $0xFFFFFFFF  }
0xb5: {  	_ =	strace $0x90000048  }
0xb6: {  	_ =	sfence  }
0xb7: {  	s30 =	sld [smem:$0x0];
	_ =	sdelay $0x2  }
0xb8: {  	s31 =	sshll.u32 s1, $0xD;
	s1 =	sshrl.u32 s1, $0x2  }
0xb9: {  	s3 =	sand.u32 $0x4000, s31;
	s1 =	sadd.s32 s1, s30  }
0xba: {  	s0 =	sor.u32 s3, s0;
	s1 =	sshll.u32 s1, $0x11  }
0xbb: {  	s0 =	sor.u32 s1, s0  }
0xbc: {  	s0 =	sadd.s32 $0x8F2B, s0  }
0xbd: {  	[sflag:s0] =	ssyncadd.remote.s32 $0x1  }
0xbe: {  	_ =	sfence.sel $0xFFFF  }
0xbf: {  	[dreg:$0x0] =	wrdreg $0xFFFFFFFF;
	(pc) =	sbr.abs _section_cstart, $3  }
0xc0: {  	[dreg:$0x1] =	wrdreg $0xFFFFFFFF  }
0xc1: {  	_ =	task.clear_ibuf [dreg:s7], $0x2FFFF;
	_ =	strace $0x9FFFFFFF  }
0xc2: {  	(tm) =	ssettm $0x7FFFFFFF  }
0xc3: {  	_ =	shalt  }
tec
execute0_lowered:
.L_overlay_start_1:
0x0: {  	(tag) =	ssettag $0x1  }
0x1: {  	s0 =	rddreg [dreg:$0x0]  }
0x2: {  	s1 =	rddreg [dreg:$0x1]  }
0x3: {  	s3 =	srdreg.scid;
	s2 =	simm.s32 $0x0;
	s4 =	stileid.u32  }
0x4: {  	s9 =	simm.s32 $0x2;
	s10 =	simm.s32 $0x80;
	s11 =	simm.s32 $0x400  }
0x5: {  	s12 =	simm.s32 $0x1;
	s14 =	simm.s32 $0x0;
	s3 =	sand.u32 $0x1, s3  }
0x6: {  	[smem:$0x7FF] =	sst s2;
	s4 =	sshll.u32 s4, $0x7;
	s5 =	sshll.u32 s3, $0x6  }
0x7: {  	vm0 =	vmmov $0x1;
	vm1 =	vmmov $0x3;
	vm2 =	vmmov $0x7;
	_ =	strace $0x80000047;
	s28 =	ssub.s32 $0x2, s3;
	s7 =	sor.u32 s5, s4  }
0x8: {  	vm3 =	vmmov $0xf;
	vm4 =	vmmov $0x1f;
	vm5 =	vmmov $0x3f;
	s3 =	sadd.s32 $0x1600, s0;
	s6 =	sadd.s32 s7, s0;
	s1 =	sadd.s32 s1, s7  }
0x9: {  	vm6 =	vmmov $0x7f;
	vm7 =	vmmov $0xff;
	vm8 =	vmmov $0x1ff;
	s8 =	sshrl.u32 s28, $0x1;
	s30 =	sadd.s32 $0xE00, s6;
	[dreg:$0x5] =	wrdreg s1  }
0xa: {  	vm9 =	vmmov $0x3ff;
	vm10 =	vmmov $0x7ff;
	vm11 =	vmmov $0xfff;
	s29 =	ssub.s32 s28, s8;
	s31 =	sadd.s32 $0x600, s6;
	[dreg:$0x3] =	wrdreg s30  }
0xb: {  	vm12 =	vmmov $0x1fff;
	vm13 =	vmmov $0x3fff;
	vm14 =	vmmov $0x7fff;
	s4 =	sadd.s32 $0xF43A00, s0;
	s8 =	smax.u32 s29, $0x1;
	[dreg:$0x4] =	wrdreg s31  }
.LBB2_1:
0xc: {  	s0 =	rddreg [dreg:$0x3]  }
0xd: {  	[tilespmem:s2], [sflag:$0x2] =	stream.linear.gather [hbm4b:s0+s2], $0x200, $0x38;
	[tilespmem:$0x10600] =	vst v63  }
0xe: {  	_ =	swait.ge [sflag:s9], $0x200  }
0xf: {  	[sflag:s9] =	ssyncset.done $0x0  }
0x10: {  	s15 =	simm.s32 $0x200;
	s23 =	rddreg [dreg:$0x4];
	[sflag:s9] =	ssyncadd.s32 $0xFFFFFE00  }
0x11: {  	[tilespmem:s15], [sflag:$0x2] =	stream.linear.gather [hbm4b:s23+s2], $0x200, $0x38;
	[tilespmem:$0x10600] =	vst v63  }
0x12: {  	_ =	swait.ge [sflag:s9], $0x200  }
0x13: {  	[sflag:s9] =	ssyncset.done $0x0  }
0x14: {  	[sflag:s9] =	ssyncadd.s32 $0xFFFFFE00  }
0x15: {  	v0 =	vld [tilespmem:s2+$0x0];
	_ =	sdelay $0x3  }
0x16: {  	v63 =	vld [tilespmem:s15+$0x0]  }
0x17: {  	v1 =	vshll.u32 v0, $0x4  }
0x18: {  	(v2sf) =	vpush v1, $0x0  }
0x19: {  	(v2sf) =	vpush v1, $0x1  }
0x1a: {  	(v2sf) =	vpush v1, $0x2  }
0x1b: {  	v0 =	vshll.u32 v63, $0x4  }
0x1c: {  	(v2sf) =	vpush v0, $0x0;
	_ =	sdelay $0x6  }
0x1d: {  	(v2sf) =	vpush v0, $0x1;
	_ =	sdelay $0x3  }
0x1e: {  	s24 =	spop (v2sf)  }
0x1f: {  	s0 =	sand.u32 $0x1FFFFFF0, s24;
	s1 =	spop (v2sf)  }
0x20: {  	s13 =	simm.s32 $0x400;
	s0 =	sadd.s32 s3, s0;
	s16 =	spop (v2sf)  }
0x21: {  	[tilespmem:s13], [sflag:$0x1] =	stream.strided.gather [hbm4b:s0+s10], $0x0, s11, s10, $0x38;
	[tilespmem:$0x10600] =	vst v63  }
0x22: {  	(v2sf) =	vpush v0, $0x2;
	s25 =	spop (v2sf)  }
0x23: {  	[tilespmem:s13], [sflag:$0x1] =	stream.linear.gather [hbm4b:s0+s2], $0x20, $0x38;
	[tilespmem:$0x10600] =	vst v63  }
0x24: {  	s0 =	sand.u32 $0x1FFFFFF0, s25  }
0x25: {  	s26 =	simm.s32 $0x420;
	s0 =	sadd.s32 s4, s0  }
0x26: {  	(v2sf) =	vpush v1, $0x3;
	[tilespmem:s26], [sflag:$0x1] =	stream.strided.gather [hbm4b:s0+s10], $0x0, s11, s10, $0x38;
	[tilespmem:$0x10600] =	vst v63  }
0x27: {  	s1 =	sand.u32 $0x1FFFFFF0, s1  }
0x28: {  	[tilespmem:s26], [sflag:$0x1] =	stream.linear.gather [hbm4b:s0+s2], $0x20, $0x38;
	[tilespmem:$0x10600] =	vst v63  }
0x29: {  	s29 =	simm.s32 $0x480;
	s1 =	sadd.s32 s3, s1;
	s28 =	spop (v2sf)  }
0x2a: {  	(v2sf) =	vpush v0, $0x3;
	[tilespmem:s29], [sflag:$0x1] =	stream.strided.gather [hbm4b:s1+s10], $0x0, s11, s10, $0x38;
	[tilespmem:$0x10600] =	vst v63  }
0x2b: {  	s0 =	sand.u32 $0x1FFFFFF0, s28  }
0x2c: {  	[tilespmem:s29], [sflag:$0x1] =	stream.linear.gather [hbm4b:s1+s2], $0x20, $0x38;
	[tilespmem:$0x10600] =	vst v63  }
0x2d: {  	s30 =	simm.s32 $0x4A0;
	s0 =	sadd.s32 s4, s0  }
0x2e: {  	(v2sf) =	vpush v1, $0x4;
	[tilespmem:s30], [sflag:$0x1] =	stream.strided.gather [hbm4b:s0+s10], $0x0, s11, s10, $0x38;
	[tilespmem:$0x10600] =	vst v63  }
0x2f: {  	s31 =	sand.u32 $0x1FFFFFF0, s16  }
0x30: {  	[tilespmem:s30], [sflag:$0x1] =	stream.linear.gather [hbm4b:s0+s2], $0x20, $0x38;
	[tilespmem:$0x10600] =	vst v63  }
0x31: {  	s5 =	simm.s32 $0x500;
	s13 =	sadd.s32 s3, s31;
	s1 =	spop (v2sf)  }
0x32: {  	(v2sf) =	vpush v0, $0x4;
	[tilespmem:s5], [sflag:$0x1] =	stream.strided.gather [hbm4b:s13+s10], $0x0, s11, s10, $0x38;
	[tilespmem:$0x10600] =	vst v63  }
0x33: {  	s0 =	sand.u32 $0x1FFFFFF0, s1  }
0x34: {  	[tilespmem:s5], [sflag:$0x1] =	stream.linear.gather [hbm4b:s13+s2], $0x20, $0x38;
	[tilespmem:$0x10600] =	vst v63  }
0x35: {  	s7 =	simm.s32 $0x520;
	s6 =	spop (v2sf);
	s0 =	sadd.s32 s4, s0  }
0x36: {  	(v2sf) =	vpush v1, $0x5;
	[tilespmem:s7], [sflag:$0x1] =	stream.strided.gather [hbm4b:s0+s10], $0x0, s11, s10, $0x38;
	[tilespmem:$0x10600] =	vst v63  }
0x37: {  	s1 =	sand.u32 $0x1FFFFFF0, s6  }
0x38: {  	[tilespmem:s7], [sflag:$0x1] =	stream.linear.gather [hbm4b:s0+s2], $0x20, $0x38;
	[tilespmem:$0x10600] =	vst v63  }
0x39: {  	s17 =	simm.s32 $0x580;
	s16 =	spop (v2sf);
	s1 =	sadd.s32 s3, s1  }
0x3a: {  	(v2sf) =	vpush v0, $0x5;
	[tilespmem:s17], [sflag:$0x1] =	stream.strided.gather [hbm4b:s1+s10], $0x0, s11, s10, $0x38;
	[tilespmem:$0x10600] =	vst v63  }
0x3b: {  	s0 =	sand.u32 $0x1FFFFFF0, s16  }
0x3c: {  	[tilespmem:s17], [sflag:$0x1] =	stream.linear.gather [hbm4b:s1+s2], $0x20, $0x38;
	[tilespmem:$0x10600] =	vst v63  }
0x3d: {  	s19 =	simm.s32 $0x5A0;
	s18 =	spop (v2sf);
	s0 =	sadd.s32 s4, s0  }
0x3e: {  	(v2sf) =	vpush v1, $0x6;
	[tilespmem:s19], [sflag:$0x1] =	stream.strided.gather [hbm4b:s0+s10], $0x0, s11, s10, $0x38;
	[tilespmem:$0x10600] =	vst v63  }
0x3f: {  	s1 =	sand.u32 $0x1FFFFFF0, s18  }
0x40: {  	[tilespmem:s19], [sflag:$0x1] =	stream.linear.gather [hbm4b:s0+s2], $0x20, $0x38;
	[tilespmem:$0x10600] =	vst v63  }
0x41: {  	s21 =	simm.s32 $0x600;
	s20 =	spop (v2sf);
	s1 =	sadd.s32 s3, s1  }
0x42: {  	(v2sf) =	vpush v0, $0x6;
	[tilespmem:s21], [sflag:$0x1] =	stream.strided.gather [hbm4b:s1+s10], $0x0, s11, s10, $0x38;
	[tilespmem:$0x10600] =	vst v63  }
0x43: {  	s0 =	sand.u32 $0x1FFFFFF0, s20  }
0x44: {  	[tilespmem:s21], [sflag:$0x1] =	stream.linear.gather [hbm4b:s1+s2], $0x20, $0x38;
	[tilespmem:$0x10600] =	vst v63  }
0x45: {  	s23 =	simm.s32 $0x620;
	s22 =	spop (v2sf);
	s0 =	sadd.s32 s4, s0  }
0x46: {  	(v2sf) =	vpush v1, $0x7;
	[tilespmem:s23], [sflag:$0x1] =	stream.strided.gather [hbm4b:s0+s10], $0x0, s11, s10, $0x38;
	[tilespmem:$0x10600] =	vst v63  }
0x47: {  	s1 =	sand.u32 $0x1FFFFFF0, s22  }
0x48: {  	[tilespmem:s23], [sflag:$0x1] =	stream.linear.gather [hbm4b:s0+s2], $0x20, $0x38;
	[tilespmem:$0x10600] =	vst v63  }
0x49: {  	s25 =	simm.s32 $0x680;
	s24 =	spop (v2sf);
	s1 =	sadd.s32 s3, s1  }
0x4a: {  	(v2sf) =	vpush v0, $0x7;
	[tilespmem:s25], [sflag:$0x1] =	stream.strided.gather [hbm4b:s1+s10], $0x0, s11, s10, $0x38;
	[tilespmem:$0x10600] =	vst v63  }
0x4b: {  	s0 =	sand.u32 $0x1FFFFFF0, s24  }
0x4c: {  	[tilespmem:s25], [sflag:$0x1] =	stream.linear.gather [hbm4b:s1+s2], $0x20, $0x38;
	[tilespmem:$0x10600] =	vst v63  }
0x4d: {  	s28 =	simm.s32 $0x6A0;
	s26 =	spop (v2sf);
	s0 =	sadd.s32 s4, s0  }
0x4e: {  	(v2sf) =	vpush v1, $0x8;
	[tilespmem:s28], [sflag:$0x1] =	stream.strided.gather [hbm4b:s0+s10], $0x0, s11, s10, $0x38;
	[tilespmem:$0x10600] =	vst v63  }
0x4f: {  	s1 =	sand.u32 $0x1FFFFFF0, s26  }
0x50: {  	[tilespmem:s28], [sflag:$0x1] =	stream.linear.gather [hbm4b:s0+s2], $0x20, $0x38;
	[tilespmem:$0x10600] =	vst v63  }
0x51: {  	s30 =	simm.s32 $0x700;
	s29 =	spop (v2sf);
	s1 =	sadd.s32 s3, s1  }
0x52: {  	(v2sf) =	vpush v0, $0x8;
	[tilespmem:s30], [sflag:$0x1] =	stream.strided.gather [hbm4b:s1+s10], $0x0, s11, s10, $0x38;
	[tilespmem:$0x10600] =	vst v63  }
0x53: {  	s0 =	sand.u32 $0x1FFFFFF0, s29  }
0x54: {  	[tilespmem:s30], [sflag:$0x1] =	stream.linear.gather [hbm4b:s1+s2], $0x20, $0x38;
	[tilespmem:$0x10600] =	vst v63  }
0x55: {  	s5 =	simm.s32 $0x720;
	s31 =	spop (v2sf);
	s0 =	sadd.s32 s4, s0  }
0x56: {  	(v2sf) =	vpush v1, $0x9;
	[tilespmem:s5], [sflag:$0x1] =	stream.strided.gather [hbm4b:s0+s10], $0x0, s11, s10, $0x38;
	[tilespmem:$0x10600] =	vst v63  }
0x57: {  	s1 =	sand.u32 $0x1FFFFFF0, s31  }
0x58: {  	[tilespmem:s5], [sflag:$0x1] =	stream.linear.gather [hbm4b:s0+s2], $0x20, $0x38;
	[tilespmem:$0x10600] =	vst v63  }
0x59: {  	s7 =	simm.s32 $0x780;
	s6 =	spop (v2sf);
	s1 =	sadd.s32 s3, s1  }
0x5a: {  	(v2sf) =	vpush v0, $0x9;
	[tilespmem:s7], [sflag:$0x1] =	stream.strided.gather [hbm4b:s1+s10], $0x0, s11, s10, $0x38;
	[tilespmem:$0x10600] =	vst v63  }
0x5b: {  	s0 =	sand.u32 $0x1FFFFFF0, s6  }
0x5c: {  	[tilespmem:s7], [sflag:$0x1] =	stream.linear.gather [hbm4b:s1+s2], $0x20, $0x38;
	[tilespmem:$0x10600] =	vst v63  }
0x5d: {  	s17 =	simm.s32 $0x7A0;
	s16 =	spop (v2sf);
	s0 =	sadd.s32 s4, s0  }
0x5e: {  	(v2sf) =	vpush v1, $0xA;
	[tilespmem:s17], [sflag:$0x1] =	stream.strided.gather [hbm4b:s0+s10], $0x0, s11, s10, $0x38;
	[tilespmem:$0x10600] =	vst v63  }
0x5f: {  	s1 =	sand.u32 $0x1FFFFFF0, s16  }
0x60: {  	[tilespmem:s17], [sflag:$0x1] =	stream.linear.gather [hbm4b:s0+s2], $0x20, $0x38;
	[tilespmem:$0x10600] =	vst v63  }
0x61: {  	s19 =	simm.s32 $0x800;
	s18 =	spop (v2sf);
	s1 =	sadd.s32 s3, s1  }
0x62: {  	(v2sf) =	vpush v0, $0xA;
	[tilespmem:s19], [sflag:$0x1] =	stream.strided.gather [hbm4b:s1+s10], $0x0, s11, s10, $0x38;
	[tilespmem:$0x10600] =	vst v63  }
0x63: {  	s0 =	sand.u32 $0x1FFFFFF0, s18  }
0x64: {  	[tilespmem:s19], [sflag:$0x1] =	stream.linear.gather [hbm4b:s1+s2], $0x20, $0x38;
	[tilespmem:$0x10600] =	vst v63  }
0x65: {  	s21 =	simm.s32 $0x820;
	s20 =	spop (v2sf);
	s0 =	sadd.s32 s4, s0  }
0x66: {  	(v2sf) =	vpush v1, $0xB;
	[tilespmem:s21], [sflag:$0x1] =	stream.strided.gather [hbm4b:s0+s10], $0x0, s11, s10, $0x38;
	[tilespmem:$0x10600] =	vst v63  }
0x67: {  	s1 =	sand.u32 $0x1FFFFFF0, s20  }
0x68: {  	[tilespmem:s21], [sflag:$0x1] =	stream.linear.gather [hbm4b:s0+s2], $0x20, $0x38;
	[tilespmem:$0x10600] =	vst v63  }
0x69: {  	s23 =	simm.s32 $0x880;
	s22 =	spop (v2sf);
	s1 =	sadd.s32 s3, s1  }
0x6a: {  	(v2sf) =	vpush v0, $0xB;
	[tilespmem:s23], [sflag:$0x1] =	stream.strided.gather [hbm4b:s1+s10], $0x0, s11, s10, $0x38;
	[tilespmem:$0x10600] =	vst v63  }
0x6b: {  	s0 =	sand.u32 $0x1FFFFFF0, s22  }
0x6c: {  	[tilespmem:s23], [sflag:$0x1] =	stream.linear.gather [hbm4b:s1+s2], $0x20, $0x38;
	[tilespmem:$0x10600] =	vst v63  }
0x6d: {  	s25 =	simm.s32 $0x8A0;
	s24 =	spop (v2sf);
	s0 =	sadd.s32 s4, s0  }
0x6e: {  	(v2sf) =	vpush v1, $0xC;
	[tilespmem:s25], [sflag:$0x1] =	stream.strided.gather [hbm4b:s0+s10], $0x0, s11, s10, $0x38;
	[tilespmem:$0x10600] =	vst v63  }
0x6f: {  	s1 =	sand.u32 $0x1FFFFFF0, s24  }
0x70: {  	[tilespmem:s25], [sflag:$0x1] =	stream.linear.gather [hbm4b:s0+s2], $0x20, $0x38;
	[tilespmem:$0x10600] =	vst v63  }
0x71: {  	s28 =	simm.s32 $0x900;
	s26 =	spop (v2sf);
	s1 =	sadd.s32 s3, s1  }
0x72: {  	(v2sf) =	vpush v0, $0xC;
	[tilespmem:s28], [sflag:$0x1] =	stream.strided.gather [hbm4b:s1+s10], $0x0, s11, s10, $0x38;
	[tilespmem:$0x10600] =	vst v63  }
0x73: {  	s0 =	sand.u32 $0x1FFFFFF0, s26  }
0x74: {  	[tilespmem:s28], [sflag:$0x1] =	stream.linear.gather [hbm4b:s1+s2], $0x20, $0x38;
	[tilespmem:$0x10600] =	vst v63  }
0x75: {  	s30 =	simm.s32 $0x920;
	s29 =	spop (v2sf);
	s0 =	sadd.s32 s4, s0  }
0x76: {  	(v2sf) =	vpush v1, $0xD;
	[tilespmem:s30], [sflag:$0x1] =	stream.strided.gather [hbm4b:s0+s10], $0x0, s11, s10, $0x38;
	[tilespmem:$0x10600] =	vst v63  }
0x77: {  	s1 =	sand.u32 $0x1FFFFFF0, s29  }
0x78: {  	[tilespmem:s30], [sflag:$0x1] =	stream.linear.gather [hbm4b:s0+s2], $0x20, $0x38;
	[tilespmem:$0x10600] =	vst v63  }
0x79: {  	s5 =	simm.s32 $0x980;
	s31 =	spop (v2sf);
	s1 =	sadd.s32 s3, s1  }
0x7a: {  	(v2sf) =	vpush v0, $0xD;
	[tilespmem:s5], [sflag:$0x1] =	stream.strided.gather [hbm4b:s1+s10], $0x0, s11, s10, $0x38;
	[tilespmem:$0x10600] =	vst v63  }
0x7b: {  	s0 =	sand.u32 $0x1FFFFFF0, s31  }
0x7c: {  	[tilespmem:s5], [sflag:$0x1] =	stream.linear.gather [hbm4b:s1+s2], $0x20, $0x38;
	[tilespmem:$0x10600] =	vst v63  }
0x7d: {  	s7 =	simm.s32 $0x9A0;
	s6 =	spop (v2sf);
	s0 =	sadd.s32 s4, s0  }
0x7e: {  	(v2sf) =	vpush v1, $0xE;
	[tilespmem:s7], [sflag:$0x1] =	stream.strided.gather [hbm4b:s0+s10], $0x0, s11, s10, $0x38;
	[tilespmem:$0x10600] =	vst v63  }
0x7f: {  	s1 =	sand.u32 $0x1FFFFFF0, s6  }
0x80: {  	[tilespmem:s7], [sflag:$0x1] =	stream.linear.gather [hbm4b:s0+s2], $0x20, $0x38;
	[tilespmem:$0x10600] =	vst v63  }
0x81: {  	s17 =	simm.s32 $0xA00;
	s16 =	spop (v2sf);
	s1 =	sadd.s32 s3, s1  }
0x82: {  	(v2sf) =	vpush v0, $0xE;
	[tilespmem:s17], [sflag:$0x1] =	stream.strided.gather [hbm4b:s1+s10], $0x0, s11, s10, $0x38;
	[tilespmem:$0x10600] =	vst v63  }
0x83: {  	s0 =	sand.u32 $0x1FFFFFF0, s16  }
0x84: {  	[tilespmem:s17], [sflag:$0x1] =	stream.linear.gather [hbm4b:s1+s2], $0x20, $0x38;
	[tilespmem:$0x10600] =	vst v63  }
0x85: {  	s19 =	simm.s32 $0xA20;
	s18 =	spop (v2sf);
	s0 =	sadd.s32 s4, s0  }
0x86: {  	(v2sf) =	vpush v1, $0xF;
	[tilespmem:s19], [sflag:$0x1] =	stream.strided.gather [hbm4b:s0+s10], $0x0, s11, s10, $0x38;
	[tilespmem:$0x10600] =	vst v63  }
0x87: {  	s1 =	sand.u32 $0x1FFFFFF0, s18  }
0x88: {  	[tilespmem:s19], [sflag:$0x1] =	stream.linear.gather [hbm4b:s0+s2], $0x20, $0x38;
	[tilespmem:$0x10600] =	vst v63  }
0x89: {  	s21 =	simm.s32 $0xA80;
	s20 =	spop (v2sf);
	s1 =	sadd.s32 s3, s1  }
0x8a: {  	(v2sf) =	vpush v0, $0xF;
	[tilespmem:s21], [sflag:$0x1] =	stream.strided.gather [hbm4b:s1+s10], $0x0, s11, s10, $0x38;
	[tilespmem:$0x10600] =	vst v63  }
0x8b: {  	s0 =	sand.u32 $0x1FFFFFF0, s20  }
0x8c: {  	[tilespmem:s21], [sflag:$0x1] =	stream.linear.gather [hbm4b:s1+s2], $0x20, $0x38;
	[tilespmem:$0x10600] =	vst v63  }
0x8d: {  	s23 =	simm.s32 $0xAA0;
	s22 =	spop (v2sf);
	s0 =	sadd.s32 s4, s0  }
0x8e: {  	[tilespmem:s23], [sflag:$0x1] =	stream.strided.gather [hbm4b:s0+s10], $0x0, s11, s10, $0x38;
	[tilespmem:$0x10600] =	vst v63  }
0x8f: {  	s1 =	sand.u32 $0x1FFFFFF0, s22  }
0x90: {  	[tilespmem:s23], [sflag:$0x1] =	stream.linear.gather [hbm4b:s0+s2], $0x20, $0x38;
	[tilespmem:$0x10600] =	vst v63  }
0x91: {  	s25 =	simm.s32 $0xB00;
	s24 =	spop (v2sf);
	s1 =	sadd.s32 s3, s1  }
0x92: {  	[tilespmem:s25], [sflag:$0x1] =	stream.strided.gather [hbm4b:s1+s10], $0x0, s11, s10, $0x38;
	[tilespmem:$0x10600] =	vst v63  }
0x93: {  	s0 =	sand.u32 $0x1FFFFFF0, s24  }
0x94: {  	[tilespmem:s25], [sflag:$0x1] =	stream.linear.gather [hbm4b:s1+s2], $0x20, $0x38;
	[tilespmem:$0x10600] =	vst v63  }
0x95: {  	s28 =	simm.s32 $0xB20;
	s26 =	spop (v2sf);
	s0 =	sadd.s32 s4, s0  }
0x96: {  	[tilespmem:s28], [sflag:$0x1] =	stream.strided.gather [hbm4b:s0+s10], $0x0, s11, s10, $0x38;
	[tilespmem:$0x10600] =	vst v63  }
0x97: {  	s1 =	sand.u32 $0x1FFFFFF0, s26  }
0x98: {  	[tilespmem:s28], [sflag:$0x1] =	stream.linear.gather [hbm4b:s0+s2], $0x20, $0x38;
	[tilespmem:$0x10600] =	vst v63  }
0x99: {  	s30 =	simm.s32 $0xB80;
	s29 =	spop (v2sf);
	s1 =	sadd.s32 s3, s1  }
0x9a: {  	[tilespmem:s30], [sflag:$0x1] =	stream.strided.gather [hbm4b:s1+s10], $0x0, s11, s10, $0x38;
	[tilespmem:$0x10600] =	vst v63  }
0x9b: {  	s16 =	simm.s32 $0x2000;
	s31 =	sand.u32 $0x1FFFFFF0, s29  }
0x9c: {  	[tilespmem:s30], [sflag:$0x1] =	stream.linear.gather [hbm4b:s1+s2], $0x20, $0x38;
	[tilespmem:$0x10600] =	vst v63  }
0x9d: {  	s17 =	simm.s32 $0x0;
	s0 =	simm.s32 $0xBA0;
	s1 =	sadd.s32 s4, s31  }
0x9e: {  	[tilespmem:s0], [sflag:$0x1] =	stream.strided.gather [hbm4b:s1+s10], $0x0, s11, s10, $0x38;
	[tilespmem:$0x10600] =	vst v63  }
.LBB2_2:
0x9f: {  	p0 =	sne.s32 s16, $0x3E000;
	s17 =	sadd.s32 $0x10, s17;
	s15 =	sadd.s32 $0x10, s15  }
0xa0: {  	[tilespmem:s0], [sflag:$0x1] =	stream.linear.gather [hbm4b:s1+s2], $0x20, $0x38;
	[tilespmem:$0x10600] =	vst v63  }
0xa1: {  	s0 =	smov.u32 s16;
	s16 =	sadd.s32 $0x2000, s16;
	v0 =	vld [tilespmem:s17+$0x0];
	_ =	sdelay $0x3  }
0xa2: {  	v1 =	vld [tilespmem:s15+$0x0]  }
0xa3: {  	v0 =	vshll.u32 v0, $0x4  }
0xa4: {  	(v2sf) =	vpush v0, $0x0  }
0xa5: {  	(v2sf) =	vpush v0, $0x1  }
0xa6: {  	(v2sf) =	vpush v0, $0x2  }
0xa7: {  	v1 =	vshll.u32 v1, $0x4  }
0xa8: {  	(v2sf) =	vpush v1, $0x0;
	_ =	sdelay $0x1  }
0xa9: {  	(v2sf) =	vpush v1, $0x1  }
0xaa: {  	(v2sf) =	vpush v1, $0x2;
	_ =	sdelay $0x3  }
0xab: {  	(v2sf) =	vpush v0, $0x3;
	_ =	sdelay $0x3  }
0xac: {  	s1 =	spop (v2sf);
	(v2sf) =	vpush v1, $0x3  }
0xad: {  	s18 =	sshra.s32 s0, $0x2;
	s0 =	sand.u32 $0x1FFFFFF0, s1;
	s1 =	spop (v2sf)  }
0xae: {  	s13 =	sadd.s32 $0x400, s18;
	s0 =	sadd.s32 s3, s0;
	s19 =	spop (v2sf)  }
0xaf: {  	[tilespmem:s13], [sflag:$0x1] =	stream.strided.gather [hbm4b:s0+s10], $0x0, s11, s10, $0x38;
	[tilespmem:$0x10600] =	vst v63  }
0xb0: {  	s1 =	sand.u32 $0x1FFFFFF0, s1;
	s19 =	sand.u32 $0x1FFFFFF0, s19;
	s20 =	spop (v2sf);
	(v2sf) =	vpush v0, $0x4  }
0xb1: {  	[tilespmem:s13], [sflag:$0x1] =	stream.linear.gather [hbm4b:s0+s2], $0x20, $0x38;
	[tilespmem:$0x10600] =	vst v63  }
0xb2: {  	s0 =	sadd.s32 $0x420, s18;
	s13 =	sand.u32 $0x1FFFFFF0, s20;
	s20 =	spop (v2sf);
	(v2sf) =	vpush v1, $0x4  }
0xb3: {  	s13 =	sadd.s32 s4, s13;
	s20 =	sand.u32 $0x1FFFFFF0, s20;
	s21 =	spop (v2sf)  }
0xb4: {  	[tilespmem:s0], [sflag:$0x1] =	stream.strided.gather [hbm4b:s13+s10], $0x0, s11, s10, $0x38;
	(v2sf) =	vpush v0, $0x5;
	[tilespmem:$0x10600] =	vst v63  }
0xb5: {  	s22 =	sadd.s32 $0x480, s18;
	s1 =	sadd.s32 s3, s1;
	s21 =	sand.u32 $0x1FFFFFF0, s21  }
0xb6: {  	[tilespmem:s0], [sflag:$0x1] =	stream.linear.gather [hbm4b:s13+s2], $0x20, $0x38;
	(v2sf) =	vpush v1, $0x5;
	[tilespmem:$0x10600] =	vst v63  }
0xb7: {  	s0 =	spop (v2sf)  }
0xb8: {  	[tilespmem:s22], [sflag:$0x1] =	stream.strided.gather [hbm4b:s1+s10], $0x0, s11, s10, $0x38;
	(v2sf) =	vpush v0, $0x6;
	[tilespmem:$0x10600] =	vst v63  }
0xb9: {  	s20 =	sadd.s32 s4, s20;
	s13 =	sadd.s32 $0x4A0, s18;
	s0 =	sand.u32 $0x1FFFFFF0, s0  }
0xba: {  	[tilespmem:s22], [sflag:$0x1] =	stream.linear.gather [hbm4b:s1+s2], $0x20, $0x38;
	(v2sf) =	vpush v1, $0x6;
	[tilespmem:$0x10600] =	vst v63  }
0xbb: {  	s1 =	spop (v2sf)  }
0xbc: {  	[tilespmem:s13], [sflag:$0x1] =	stream.strided.gather [hbm4b:s20+s10], $0x0, s11, s10, $0x38;
	(v2sf) =	vpush v0, $0x7;
	[tilespmem:$0x10600] =	vst v63  }
0xbd: {  	s19 =	sadd.s32 s3, s19;
	s22 =	sadd.s32 $0x500, s18;
	s1 =	sand.u32 $0x1FFFFFF0, s1  }
0xbe: {  	[tilespmem:s13], [sflag:$0x1] =	stream.linear.gather [hbm4b:s20+s2], $0x20, $0x38;
	(v2sf) =	vpush v1, $0x7;
	[tilespmem:$0x10600] =	vst v63  }
0xbf: {  	s13 =	spop (v2sf)  }
0xc0: {  	[tilespmem:s22], [sflag:$0x1] =	stream.strided.gather [hbm4b:s19+s10], $0x0, s11, s10, $0x38;
	(v2sf) =	vpush v0, $0x8;
	[tilespmem:$0x10600] =	vst v63  }
0xc1: {  	s21 =	sadd.s32 s4, s21;
	s20 =	sadd.s32 $0x520, s18;
	s23 =	spop (v2sf)  }
0xc2: {  	[tilespmem:s22], [sflag:$0x1] =	stream.linear.gather [hbm4b:s19+s2], $0x20, $0x38;
	(v2sf) =	vpush v1, $0x8;
	[tilespmem:$0x10600] =	vst v63  }
0xc3: {  	s13 =	sand.u32 $0x1FFFFFF0, s13;
	s24 =	sand.u32 $0x1FFFFFF0, s23;
	s19 =	spop (v2sf)  }
0xc4: {  	[tilespmem:s20], [sflag:$0x1] =	stream.strided.gather [hbm4b:s21+s10], $0x0, s11, s10, $0x38;
	(v2sf) =	vpush v0, $0x9;
	[tilespmem:$0x10600] =	vst v63  }
0xc5: {  	s22 =	sadd.s32 $0x580, s18;
	s23 =	sadd.s32 s3, s0;
	s0 =	spop (v2sf)  }
0xc6: {  	[tilespmem:s20], [sflag:$0x1] =	stream.linear.gather [hbm4b:s21+s2], $0x20, $0x38;
	(v2sf) =	vpush v1, $0x9;
	[tilespmem:$0x10600] =	vst v63  }
0xc7: {  	s25 =	sand.u32 $0x1FFFFFF0, s19;
	s0 =	sand.u32 $0x1FFFFFF0, s0;
	s19 =	spop (v2sf)  }
0xc8: {  	[tilespmem:s22], [sflag:$0x1] =	stream.strided.gather [hbm4b:s23+s10], $0x0, s11, s10, $0x38;
	(v2sf) =	vpush v0, $0xA;
	[tilespmem:$0x10600] =	vst v63  }
0xc9: {  	s1 =	sadd.s32 s4, s1;
	s20 =	sadd.s32 $0x5A0, s18;
	s21 =	spop (v2sf)  }
0xca: {  	[tilespmem:s22], [sflag:$0x1] =	stream.linear.gather [hbm4b:s23+s2], $0x20, $0x38;
	(v2sf) =	vpush v1, $0xA;
	[tilespmem:$0x10600] =	vst v63  }
0xcb: {  	s23 =	sand.u32 $0x1FFFFFF0, s19;
	s21 =	sand.u32 $0x1FFFFFF0, s21;
	s19 =	spop (v2sf)  }
0xcc: {  	[tilespmem:s20], [sflag:$0x1] =	stream.strided.gather [hbm4b:s1+s10], $0x0, s11, s10, $0x38;
	(v2sf) =	vpush v0, $0xB;
	[tilespmem:$0x10600] =	vst v63  }
0xcd: {  	s26 =	sadd.s32 $0x600, s18;
	s13 =	sadd.s32 s3, s13;
	s28 =	spop (v2sf)  }
0xce: {  	[tilespmem:s20], [sflag:$0x1] =	stream.linear.gather [hbm4b:s1+s2], $0x20, $0x38;
	(v2sf) =	vpush v1, $0xB;
	[tilespmem:$0x10600] =	vst v63  }
0xcf: {  	s22 =	sand.u32 $0x1FFFFFF0, s19;
	s19 =	sand.u32 $0x1FFFFFF0, s28;
	s1 =	spop (v2sf)  }
0xd0: {  	[tilespmem:s26], [sflag:$0x1] =	stream.strided.gather [hbm4b:s13+s10], $0x0, s11, s10, $0x38;
	(v2sf) =	vpush v0, $0xC;
	[tilespmem:$0x10600] =	vst v63  }
0xd1: {  	s24 =	sadd.s32 s4, s24;
	s28 =	sadd.s32 $0x620, s18;
	s29 =	spop (v2sf)  }
0xd2: {  	[tilespmem:s26], [sflag:$0x1] =	stream.linear.gather [hbm4b:s13+s2], $0x20, $0x38;
	(v2sf) =	vpush v1, $0xC;
	[tilespmem:$0x10600] =	vst v63  }
0xd3: {  	s20 =	sand.u32 $0x1FFFFFF0, s1;
	s31 =	sand.u32 $0x1FFFFFF0, s29;
	s1 =	spop (v2sf)  }
0xd4: {  	[tilespmem:s28], [sflag:$0x1] =	stream.strided.gather [hbm4b:s24+s10], $0x0, s11, s10, $0x38;
	(v2sf) =	vpush v0, $0xD;
	[tilespmem:$0x10600] =	vst v63  }
0xd5: {  	s25 =	sadd.s32 s3, s25;
	s26 =	sadd.s32 $0x680, s18;
	s29 =	spop (v2sf)  }
0xd6: {  	[tilespmem:s28], [sflag:$0x1] =	stream.linear.gather [hbm4b:s24+s2], $0x20, $0x38;
	(v2sf) =	vpush v1, $0xD;
	[tilespmem:$0x10600] =	vst v63  }
0xd7: {  	s13 =	sand.u32 $0x1FFFFFF0, s1;
	s30 =	sand.u32 $0x1FFFFFF0, s29;
	s1 =	spop (v2sf)  }
0xd8: {  	[tilespmem:s26], [sflag:$0x1] =	stream.strided.gather [hbm4b:s25+s10], $0x0, s11, s10, $0x38;
	(v2sf) =	vpush v0, $0xE;
	[tilespmem:$0x10600] =	vst v63  }
0xd9: {  	s0 =	sadd.s32 s4, s0;
	s24 =	sadd.s32 $0x6A0, s18;
	s28 =	spop (v2sf)  }
0xda: {  	[tilespmem:s26], [sflag:$0x1] =	stream.linear.gather [hbm4b:s25+s2], $0x20, $0x38;
	[tilespmem:$0x10600] =	vst v63  }
0xdb: {  	s1 =	sand.u32 $0x1FFFFFF0, s1;
	s28 =	sand.u32 $0x1FFFFFF0, s28;
	s25 =	spop (v2sf)  }
0xdc: {  	[tilespmem:s24], [sflag:$0x1] =	stream.strided.gather [hbm4b:s0+s10], $0x0, s11, s10, $0x38;
	(v2sf) =	vpush v1, $0xE;
	[tilespmem:$0x10600] =	vst v63  }
0xdd: {  	s23 =	sadd.s32 s3, s23;
	s26 =	sadd.s32 $0x700, s18;
	s29 =	spop (v2sf)  }
0xde: {  	[tilespmem:s24], [sflag:$0x1] =	stream.linear.gather [hbm4b:s0+s2], $0x20, $0x38;
	(v2sf) =	vpush v0, $0xF;
	[tilespmem:$0x10600] =	vst v63  }
0xdf: {  	s0 =	sand.u32 $0x1FFFFFF0, s25;
	s25 =	sand.u32 $0x1FFFFFF0, s29;
	s24 =	spop (v2sf)  }
0xe0: {  	[tilespmem:s26], [sflag:$0x1] =	stream.strided.gather [hbm4b:s23+s10], $0x0, s11, s10, $0x38;
	(v2sf) =	vpush v1, $0xF;
	[tilespmem:$0x10600] =	vst v63  }
0xe1: {  	s5 =	sadd.s32 $0x720, s18;
	s21 =	sadd.s32 s4, s21;
	s6 =	spop (v2sf)  }
0xe2: {  	[tilespmem:s26], [sflag:$0x1] =	stream.linear.gather [hbm4b:s23+s2], $0x20, $0x38;
	[tilespmem:$0x10600] =	vst v63  }
0xe3: {  	s29 =	sand.u32 $0x1FFFFFF0, s24;
	s24 =	sand.u32 $0x1FFFFFF0, s6;
	s6 =	spop (v2sf)  }
0xe4: {  	[tilespmem:s5], [sflag:$0x1] =	stream.strided.gather [hbm4b:s21+s10], $0x0, s11, s10, $0x38;
	[tilespmem:$0x10600] =	vst v63  }
0xe5: {  	s7 =	sadd.s32 $0x780, s18;
	s22 =	sadd.s32 s3, s22;
	s23 =	spop (v2sf)  }
0xe6: {  	[tilespmem:s5], [sflag:$0x1] =	stream.linear.gather [hbm4b:s21+s2], $0x20, $0x38;
	[tilespmem:$0x10600] =	vst v63  }
0xe7: {  	s26 =	sand.u32 $0x1FFFFFF0, s6;
	s23 =	sand.u32 $0x1FFFFFF0, s23;
	s5 =	spop (v2sf)  }
0xe8: {  	[tilespmem:s7], [sflag:$0x1] =	stream.strided.gather [hbm4b:s22+s10], $0x0, s11, s10, $0x38;
	[tilespmem:$0x10600] =	vst v63  }
0xe9: {  	s19 =	sadd.s32 s4, s19;
	s6 =	sadd.s32 $0x7A0, s18;
	s21 =	sand.u32 $0x1FFFFFF0, s5  }
0xea: {  	[tilespmem:s7], [sflag:$0x1] =	stream.linear.gather [hbm4b:s22+s2], $0x20, $0x38;
	[tilespmem:$0x10600] =	vst v63  }
0xeb: {  	s22 =	spop (v2sf)  }
0xec: {  	[tilespmem:s6], [sflag:$0x1] =	stream.strided.gather [hbm4b:s19+s10], $0x0, s11, s10, $0x38;
	[tilespmem:$0x10600] =	vst v63  }
0xed: {  	s5 =	sadd.s32 $0x800, s18;
	s7 =	sadd.s32 s3, s20;
	s20 =	spop (v2sf)  }
0xee: {  	[tilespmem:s6], [sflag:$0x1] =	stream.linear.gather [hbm4b:s19+s2], $0x20, $0x38;
	[tilespmem:$0x10600] =	vst v63  }
0xef: {  	s20 =	sand.u32 $0x1FFFFFF0, s20;
	s19 =	spop (v2sf)  }
0xf0: {  	[tilespmem:s5], [sflag:$0x1] =	stream.strided.gather [hbm4b:s7+s10], $0x0, s11, s10, $0x38;
	[tilespmem:$0x10600] =	vst v63  }
0xf1: {  	s31 =	sadd.s32 s4, s31;
	s6 =	sadd.s32 $0x820, s18  }
0xf2: {  	[tilespmem:s5], [sflag:$0x1] =	stream.linear.gather [hbm4b:s7+s2], $0x20, $0x38;
	[tilespmem:$0x10600] =	vst v63  }
0xf3: {  	_ = 	snop  }
0xf4: {  	[tilespmem:s6], [sflag:$0x1] =	stream.strided.gather [hbm4b:s31+s10], $0x0, s11, s10, $0x38;
	[tilespmem:$0x10600] =	vst v63  }
0xf5: {  	s5 =	sadd.s32 $0x880, s18;
	s7 =	sadd.s32 s3, s13  }
0xf6: {  	[tilespmem:s6], [sflag:$0x1] =	stream.linear.gather [hbm4b:s31+s2], $0x20, $0x38;
	[tilespmem:$0x10600] =	vst v63  }
0xf7: {  	_ = 	snop  }
0xf8: {  	[tilespmem:s5], [sflag:$0x1] =	stream.strided.gather [hbm4b:s7+s10], $0x0, s11, s10, $0x38;
	[tilespmem:$0x10600] =	vst v63  }
0xf9: {  	s13 =	sadd.s32 s4, s30;
	s6 =	sadd.s32 $0x8A0, s18  }
0xfa: {  	[tilespmem:s5], [sflag:$0x1] =	stream.linear.gather [hbm4b:s7+s2], $0x20, $0x38;
	[tilespmem:$0x10600] =	vst v63  }
0xfb: {  	_ = 	snop  }
0xfc: {  	[tilespmem:s6], [sflag:$0x1] =	stream.strided.gather [hbm4b:s13+s10], $0x0, s11, s10, $0x38;
	[tilespmem:$0x10600] =	vst v63  }
0xfd: {  	s1 =	sadd.s32 s3, s1;
	s5 =	sadd.s32 $0x900, s18  }
0xfe: {  	[tilespmem:s6], [sflag:$0x1] =	stream.linear.gather [hbm4b:s13+s2], $0x20, $0x38;
	[tilespmem:$0x10600] =	vst v63  }
0xff: {  	_ = 	snop  }
0x100: {  	[tilespmem:s5], [sflag:$0x1] =	stream.strided.gather [hbm4b:s1+s10], $0x0, s11, s10, $0x38;
	[tilespmem:$0x10600] =	vst v63  }
0x101: {  	s7 =	sadd.s32 s4, s28;
	s6 =	sadd.s32 $0x920, s18  }
0x102: {  	[tilespmem:s5], [sflag:$0x1] =	stream.linear.gather [hbm4b:s1+s2], $0x20, $0x38;
	[tilespmem:$0x10600] =	vst v63  }
0x103: {  	_ = 	snop  }
0x104: {  	[tilespmem:s6], [sflag:$0x1] =	stream.strided.gather [hbm4b:s7+s10], $0x0, s11, s10, $0x38;
	[tilespmem:$0x10600] =	vst v63  }
0x105: {  	s0 =	sadd.s32 s3, s0;
	s1 =	sadd.s32 $0x980, s18  }
0x106: {  	[tilespmem:s6], [sflag:$0x1] =	stream.linear.gather [hbm4b:s7+s2], $0x20, $0x38;
	[tilespmem:$0x10600] =	vst v63  }
0x107: {  	_ = 	snop  }
0x108: {  	[tilespmem:s1], [sflag:$0x1] =	stream.strided.gather [hbm4b:s0+s10], $0x0, s11, s10, $0x38;
	[tilespmem:$0x10600] =	vst v63  }
0x109: {  	s5 =	sadd.s32 $0x9A0, s18;
	s6 =	sadd.s32 s4, s25  }
0x10a: {  	[tilespmem:s1], [sflag:$0x1] =	stream.linear.gather [hbm4b:s0+s2], $0x20, $0x38;
	[tilespmem:$0x10600] =	vst v63  }
0x10b: {  	_ = 	snop  }
0x10c: {  	[tilespmem:s5], [sflag:$0x1] =	stream.strided.gather [hbm4b:s6+s10], $0x0, s11, s10, $0x38;
	[tilespmem:$0x10600] =	vst v63  }
0x10d: {  	s0 =	sadd.s32 $0xA00, s18;
	s1 =	sadd.s32 s3, s29  }
0x10e: {  	[tilespmem:s5], [sflag:$0x1] =	stream.linear.gather [hbm4b:s6+s2], $0x20, $0x38;
	[tilespmem:$0x10600] =	vst v63  }
0x10f: {  	_ = 	snop  }
0x110: {  	[tilespmem:s0], [sflag:$0x1] =	stream.strided.gather [hbm4b:s1+s10], $0x0, s11, s10, $0x38;
	[tilespmem:$0x10600] =	vst v63  }
0x111: {  	s5 =	sadd.s32 $0xA20, s18;
	s6 =	sadd.s32 s4, s24  }
0x112: {  	[tilespmem:s0], [sflag:$0x1] =	stream.linear.gather [hbm4b:s1+s2], $0x20, $0x38;
	[tilespmem:$0x10600] =	vst v63  }
0x113: {  	_ = 	snop  }
0x114: {  	[tilespmem:s5], [sflag:$0x1] =	stream.strided.gather [hbm4b:s6+s10], $0x0, s11, s10, $0x38;
	[tilespmem:$0x10600] =	vst v63  }
0x115: {  	s0 =	sadd.s32 $0xA80, s18;
	s1 =	sadd.s32 s3, s26  }
0x116: {  	[tilespmem:s5], [sflag:$0x1] =	stream.linear.gather [hbm4b:s6+s2], $0x20, $0x38;
	[tilespmem:$0x10600] =	vst v63  }
0x117: {  	_ = 	snop  }
0x118: {  	[tilespmem:s0], [sflag:$0x1] =	stream.strided.gather [hbm4b:s1+s10], $0x0, s11, s10, $0x38;
	[tilespmem:$0x10600] =	vst v63  }
0x119: {  	s5 =	sadd.s32 $0xAA0, s18;
	s6 =	sadd.s32 s4, s23  }
0x11a: {  	[tilespmem:s0], [sflag:$0x1] =	stream.linear.gather [hbm4b:s1+s2], $0x20, $0x38;
	[tilespmem:$0x10600] =	vst v63  }
0x11b: {  	_ = 	snop  }
0x11c: {  	[tilespmem:s5], [sflag:$0x1] =	stream.strided.gather [hbm4b:s6+s10], $0x0, s11, s10, $0x38;
	[tilespmem:$0x10600] =	vst v63  }
0x11d: {  	s0 =	sadd.s32 $0xB00, s18;
	s1 =	sadd.s32 s3, s21  }
0x11e: {  	[tilespmem:s5], [sflag:$0x1] =	stream.linear.gather [hbm4b:s6+s2], $0x20, $0x38;
	[tilespmem:$0x10600] =	vst v63  }
0x11f: {  	s5 =	sand.u32 $0x1FFFFFF0, s22  }
0x120: {  	[tilespmem:s0], [sflag:$0x1] =	stream.strided.gather [hbm4b:s1+s10], $0x0, s11, s10, $0x38;
	[tilespmem:$0x10600] =	vst v63  }
0x121: {  	s6 =	sadd.s32 $0xB20, s18;
	s5 =	sadd.s32 s4, s5  }
0x122: {  	[tilespmem:s0], [sflag:$0x1] =	stream.linear.gather [hbm4b:s1+s2], $0x20, $0x38;
	[tilespmem:$0x10600] =	vst v63  }
0x123: {  	_ = 	snop  }
0x124: {  	[tilespmem:s6], [sflag:$0x1] =	stream.strided.gather [hbm4b:s5+s10], $0x0, s11, s10, $0x38;
	[tilespmem:$0x10600] =	vst v63  }
0x125: {  	s13 =	sadd.s32 s3, s20;
	s7 =	sadd.s32 $0xB80, s18  }
0x126: {  	[tilespmem:s6], [sflag:$0x1] =	stream.linear.gather [hbm4b:s5+s2], $0x20, $0x38;
	[tilespmem:$0x10600] =	vst v63  }
0x127: {  	s1 =	sand.u32 $0x1FFFFFF0, s19  }
0x128: {  	[tilespmem:s7], [sflag:$0x1] =	stream.strided.gather [hbm4b:s13+s10], $0x0, s11, s10, $0x38;
	[tilespmem:$0x10600] =	vst v63  }
.Ltmp0:
0x129: {  	_ = 	snop;
	(pc) =	sbr.rel @p0 .LBB2_2-.Ltmp0, $4  }
0x12a: {  	s0 =	sadd.s32 $0xBA0, s18;
	s1 =	sadd.s32 s4, s1  }
0x12b: {  	[tilespmem:s7], [sflag:$0x1] =	stream.linear.gather [hbm4b:s13+s2], $0x20, $0x38;
	[tilespmem:$0x10600] =	vst v63  }
0x12c: {  	_ = 	snop  }
0x12d: {  	[tilespmem:s0], [sflag:$0x1] =	stream.strided.gather [hbm4b:s1+s10], $0x0, s11, s10, $0x38;
	[tilespmem:$0x10600] =	vst v63  }
0x12e: {  	[tilespmem:s0], [sflag:$0x1] =	stream.linear.gather [hbm4b:s1+s2], $0x20, $0x38;
	[tilespmem:$0x10600] =	vst v63  }
0x12f: {  	_ =	swait.ge [sflag:s12], $0x20  }
0x130: {  	[sflag:s12] =	ssyncset.done $0x0  }
0x131: {  	[sflag:s12] =	ssyncadd.s32 $0xFFFFFFE0  }
0x132: {  	_ =	swait.ge [sflag:s12], $0x20  }
0x133: {  	[sflag:s12] =	ssyncset.done $0x0  }
0x134: {  	[sflag:s12] =	ssyncadd.s32 $0xFFFFFFE0  }
0x135: {  	_ =	swait.ge [sflag:s12], $0x20  }
0x136: {  	[sflag:s12] =	ssyncset.done $0x0  }
0x137: {  	[sflag:s12] =	ssyncadd.s32 $0xFFFFFFE0  }
0x138: {  	_ =	swait.ge [sflag:s12], $0x20  }
0x139: {  	[sflag:s12] =	ssyncset.done $0x0  }
0x13a: {  	[sflag:s12] =	ssyncadd.s32 $0xFFFFFFE0  }
0x13b: {  	_ =	swait.ge [sflag:s12], $0x20  }
0x13c: {  	[sflag:s12] =	ssyncset.done $0x0  }
0x13d: {  	[sflag:s12] =	ssyncadd.s32 $0xFFFFFFE0  }
0x13e: {  	_ =	swait.ge [sflag:s12], $0x20  }
0x13f: {  	[sflag:s12] =	ssyncset.done $0x0  }
0x140: {  	[sflag:s12] =	ssyncadd.s32 $0xFFFFFFE0  }
0x141: {  	_ =	swait.ge [sflag:s12], $0x20  }
0x142: {  	[sflag:s12] =	ssyncset.done $0x0  }
0x143: {  	[sflag:s12] =	ssyncadd.s32 $0xFFFFFFE0  }
0x144: {  	_ =	swait.ge [sflag:s12], $0x20  }
0x145: {  	[sflag:s12] =	ssyncset.done $0x0  }
0x146: {  	[sflag:s12] =	ssyncadd.s32 $0xFFFFFFE0  }
0x147: {  	_ =	swait.ge [sflag:s12], $0x20  }
0x148: {  	[sflag:s12] =	ssyncset.done $0x0  }
0x149: {  	[sflag:s12] =	ssyncadd.s32 $0xFFFFFFE0  }
0x14a: {  	_ =	swait.ge [sflag:s12], $0x20  }
0x14b: {  	[sflag:s12] =	ssyncset.done $0x0  }
0x14c: {  	[sflag:s12] =	ssyncadd.s32 $0xFFFFFFE0  }
0x14d: {  	_ =	swait.ge [sflag:s12], $0x20  }
0x14e: {  	[sflag:s12] =	ssyncset.done $0x0  }
0x14f: {  	[sflag:s12] =	ssyncadd.s32 $0xFFFFFFE0  }
0x150: {  	_ =	swait.ge [sflag:s12], $0x20  }
0x151: {  	[sflag:s12] =	ssyncset.done $0x0  }
0x152: {  	[sflag:s12] =	ssyncadd.s32 $0xFFFFFFE0  }
0x153: {  	_ =	swait.ge [sflag:s12], $0x20  }
0x154: {  	[sflag:s12] =	ssyncset.done $0x0  }
0x155: {  	[sflag:s12] =	ssyncadd.s32 $0xFFFFFFE0  }
0x156: {  	_ =	swait.ge [sflag:s12], $0x20  }
0x157: {  	[sflag:s12] =	ssyncset.done $0x0  }
0x158: {  	[sflag:s12] =	ssyncadd.s32 $0xFFFFFFE0  }
0x159: {  	_ =	swait.ge [sflag:s12], $0x20  }
0x15a: {  	[sflag:s12] =	ssyncset.done $0x0  }
0x15b: {  	[sflag:s12] =	ssyncadd.s32 $0xFFFFFFE0  }
0x15c: {  	_ =	swait.ge [sflag:s12], $0x20  }
0x15d: {  	[sflag:s12] =	ssyncset.done $0x0  }
0x15e: {  	[sflag:s12] =	ssyncadd.s32 $0xFFFFFFE0  }
0x15f: {  	_ =	swait.ge [sflag:s12], $0x20  }
0x160: {  	[sflag:s12] =	ssyncset.done $0x0  }
0x161: {  	[sflag:s12] =	ssyncadd.s32 $0xFFFFFFE0  }
0x162: {  	_ =	swait.ge [sflag:s12], $0x20  }
0x163: {  	[sflag:s12] =	ssyncset.done $0x0  }
0x164: {  	[sflag:s12] =	ssyncadd.s32 $0xFFFFFFE0  }
0x165: {  	_ =	swait.ge [sflag:s12], $0x20  }
0x166: {  	[sflag:s12] =	ssyncset.done $0x0  }
0x167: {  	[sflag:s12] =	ssyncadd.s32 $0xFFFFFFE0  }
0x168: {  	_ =	swait.ge [sflag:s12], $0x20  }
0x169: {  	[sflag:s12] =	ssyncset.done $0x0  }
0x16a: {  	[sflag:s12] =	ssyncadd.s32 $0xFFFFFFE0  }
0x16b: {  	_ =	swait.ge [sflag:s12], $0x20  }
0x16c: {  	[sflag:s12] =	ssyncset.done $0x0  }
0x16d: {  	[sflag:s12] =	ssyncadd.s32 $0xFFFFFFE0  }
0x16e: {  	_ =	swait.ge [sflag:s12], $0x20  }
0x16f: {  	[sflag:s12] =	ssyncset.done $0x0  }
0x170: {  	[sflag:s12] =	ssyncadd.s32 $0xFFFFFFE0  }
0x171: {  	_ =	swait.ge [sflag:s12], $0x20  }
0x172: {  	[sflag:s12] =	ssyncset.done $0x0  }
0x173: {  	[sflag:s12] =	ssyncadd.s32 $0xFFFFFFE0  }
0x174: {  	_ =	swait.ge [sflag:s12], $0x20  }
0x175: {  	[sflag:s12] =	ssyncset.done $0x0  }
0x176: {  	[sflag:s12] =	ssyncadd.s32 $0xFFFFFFE0  }
0x177: {  	_ =	swait.ge [sflag:s12], $0x20  }
0x178: {  	[sflag:s12] =	ssyncset.done $0x0  }
0x179: {  	[sflag:s12] =	ssyncadd.s32 $0xFFFFFFE0  }
0x17a: {  	_ =	swait.ge [sflag:s12], $0x20  }
0x17b: {  	[sflag:s12] =	ssyncset.done $0x0  }
0x17c: {  	[sflag:s12] =	ssyncadd.s32 $0xFFFFFFE0  }
0x17d: {  	_ =	swait.ge [sflag:s12], $0x20  }
0x17e: {  	[sflag:s12] =	ssyncset.done $0x0  }
0x17f: {  	[sflag:s12] =	ssyncadd.s32 $0xFFFFFFE0  }
0x180: {  	_ =	swait.ge [sflag:s12], $0x20  }
0x181: {  	[sflag:s12] =	ssyncset.done $0x0  }
0x182: {  	[sflag:s12] =	ssyncadd.s32 $0xFFFFFFE0  }
0x183: {  	_ =	swait.ge [sflag:s12], $0x20  }
0x184: {  	[sflag:s12] =	ssyncset.done $0x0  }
0x185: {  	[sflag:s12] =	ssyncadd.s32 $0xFFFFFFE0  }
0x186: {  	_ =	swait.ge [sflag:s12], $0x20  }
0x187: {  	[sflag:s12] =	ssyncset.done $0x0  }
0x188: {  	[sflag:s12] =	ssyncadd.s32 $0xFFFFFFE0  }
0x189: {  	_ =	swait.ge [sflag:s12], $0x20  }
0x18a: {  	[sflag:s12] =	ssyncset.done $0x0  }
0x18b: {  	[sflag:s12] =	ssyncadd.s32 $0xFFFFFFE0  }
0x18c: {  	_ =	swait.ge [sflag:s12], $0x20  }
0x18d: {  	s15 =	simm.s32 $0x1F;
	[sflag:s12] =	ssyncset.done $0x0  }
.LBB2_4:
0x18e: {  	p0 =	sne.s32 s15, $0x1;
	s15 =	sadd.s32 $0xFFFFFFFF, s15;
	[sflag:s12] =	ssyncadd.s32 $0xFFFFFFE0  }
0x18f: {  	_ =	swait.ge [sflag:s12], $0x20  }
0x190: {  	[sflag:s12] =	ssyncset.done $0x0  }
0x191: {  	[sflag:s12] =	ssyncadd.s32 $0xFFFFFFE0  }
0x192: {  	_ =	swait.ge [sflag:s12], $0x20  }
0x193: {  	[sflag:s12] =	ssyncset.done $0x0  }
0x194: {  	[sflag:s12] =	ssyncadd.s32 $0xFFFFFFE0  }
0x195: {  	_ =	swait.ge [sflag:s12], $0x20  }
0x196: {  	[sflag:s12] =	ssyncset.done $0x0  }
0x197: {  	[sflag:s12] =	ssyncadd.s32 $0xFFFFFFE0  }
0x198: {  	_ =	swait.ge [sflag:s12], $0x20  }
0x199: {  	[sflag:s12] =	ssyncset.done $0x0  }
0x19a: {  	[sflag:s12] =	ssyncadd.s32 $0xFFFFFFE0  }
0x19b: {  	_ =	swait.ge [sflag:s12], $0x20  }
0x19c: {  	[sflag:s12] =	ssyncset.done $0x0  }
0x19d: {  	[sflag:s12] =	ssyncadd.s32 $0xFFFFFFE0  }
0x19e: {  	_ =	swait.ge [sflag:s12], $0x20  }
0x19f: {  	[sflag:s12] =	ssyncset.done $0x0  }
0x1a0: {  	[sflag:s12] =	ssyncadd.s32 $0xFFFFFFE0  }
0x1a1: {  	_ =	swait.ge [sflag:s12], $0x20  }
0x1a2: {  	[sflag:s12] =	ssyncset.done $0x0  }
0x1a3: {  	[sflag:s12] =	ssyncadd.s32 $0xFFFFFFE0  }
0x1a4: {  	_ =	swait.ge [sflag:s12], $0x20  }
0x1a5: {  	[sflag:s12] =	ssyncset.done $0x0  }
0x1a6: {  	[sflag:s12] =	ssyncadd.s32 $0xFFFFFFE0  }
0x1a7: {  	_ =	swait.ge [sflag:s12], $0x20  }
0x1a8: {  	[sflag:s12] =	ssyncset.done $0x0  }
0x1a9: {  	[sflag:s12] =	ssyncadd.s32 $0xFFFFFFE0  }
0x1aa: {  	_ =	swait.ge [sflag:s12], $0x20  }
0x1ab: {  	[sflag:s12] =	ssyncset.done $0x0  }
0x1ac: {  	[sflag:s12] =	ssyncadd.s32 $0xFFFFFFE0  }
0x1ad: {  	_ =	swait.ge [sflag:s12], $0x20  }
0x1ae: {  	[sflag:s12] =	ssyncset.done $0x0  }
0x1af: {  	[sflag:s12] =	ssyncadd.s32 $0xFFFFFFE0  }
0x1b0: {  	_ =	swait.ge [sflag:s12], $0x20  }
0x1b1: {  	[sflag:s12] =	ssyncset.done $0x0  }
0x1b2: {  	[sflag:s12] =	ssyncadd.s32 $0xFFFFFFE0  }
0x1b3: {  	_ =	swait.ge [sflag:s12], $0x20  }
0x1b4: {  	[sflag:s12] =	ssyncset.done $0x0  }
0x1b5: {  	[sflag:s12] =	ssyncadd.s32 $0xFFFFFFE0  }
0x1b6: {  	_ =	swait.ge [sflag:s12], $0x20  }
0x1b7: {  	[sflag:s12] =	ssyncset.done $0x0  }
0x1b8: {  	[sflag:s12] =	ssyncadd.s32 $0xFFFFFFE0  }
0x1b9: {  	_ =	swait.ge [sflag:s12], $0x20  }
0x1ba: {  	[sflag:s12] =	ssyncset.done $0x0  }
0x1bb: {  	[sflag:s12] =	ssyncadd.s32 $0xFFFFFFE0  }
0x1bc: {  	_ =	swait.ge [sflag:s12], $0x20  }
0x1bd: {  	[sflag:s12] =	ssyncset.done $0x0  }
0x1be: {  	[sflag:s12] =	ssyncadd.s32 $0xFFFFFFE0  }
0x1bf: {  	_ =	swait.ge [sflag:s12], $0x20  }
0x1c0: {  	[sflag:s12] =	ssyncset.done $0x0  }
0x1c1: {  	[sflag:s12] =	ssyncadd.s32 $0xFFFFFFE0  }
0x1c2: {  	_ =	swait.ge [sflag:s12], $0x20  }
0x1c3: {  	[sflag:s12] =	ssyncset.done $0x0  }
0x1c4: {  	[sflag:s12] =	ssyncadd.s32 $0xFFFFFFE0  }
0x1c5: {  	_ =	swait.ge [sflag:s12], $0x20  }
0x1c6: {  	[sflag:s12] =	ssyncset.done $0x0  }
0x1c7: {  	[sflag:s12] =	ssyncadd.s32 $0xFFFFFFE0  }
0x1c8: {  	_ =	swait.ge [sflag:s12], $0x20  }
0x1c9: {  	[sflag:s12] =	ssyncset.done $0x0  }
0x1ca: {  	[sflag:s12] =	ssyncadd.s32 $0xFFFFFFE0  }
0x1cb: {  	_ =	swait.ge [sflag:s12], $0x20  }
0x1cc: {  	[sflag:s12] =	ssyncset.done $0x0  }
0x1cd: {  	[sflag:s12] =	ssyncadd.s32 $0xFFFFFFE0  }
0x1ce: {  	_ =	swait.ge [sflag:s12], $0x20  }
0x1cf: {  	[sflag:s12] =	ssyncset.done $0x0  }
0x1d0: {  	[sflag:s12] =	ssyncadd.s32 $0xFFFFFFE0  }
0x1d1: {  	_ =	swait.ge [sflag:s12], $0x20  }
0x1d2: {  	[sflag:s12] =	ssyncset.done $0x0  }
0x1d3: {  	[sflag:s12] =	ssyncadd.s32 $0xFFFFFFE0  }
0x1d4: {  	_ =	swait.ge [sflag:s12], $0x20  }
0x1d5: {  	[sflag:s12] =	ssyncset.done $0x0  }
0x1d6: {  	[sflag:s12] =	ssyncadd.s32 $0xFFFFFFE0  }
0x1d7: {  	_ =	swait.ge [sflag:s12], $0x20  }
0x1d8: {  	[sflag:s12] =	ssyncset.done $0x0  }
0x1d9: {  	[sflag:s12] =	ssyncadd.s32 $0xFFFFFFE0  }
0x1da: {  	_ =	swait.ge [sflag:s12], $0x20  }
0x1db: {  	[sflag:s12] =	ssyncset.done $0x0  }
0x1dc: {  	[sflag:s12] =	ssyncadd.s32 $0xFFFFFFE0  }
0x1dd: {  	_ =	swait.ge [sflag:s12], $0x20  }
0x1de: {  	[sflag:s12] =	ssyncset.done $0x0  }
0x1df: {  	[sflag:s12] =	ssyncadd.s32 $0xFFFFFFE0  }
0x1e0: {  	_ =	swait.ge [sflag:s12], $0x20  }
0x1e1: {  	[sflag:s12] =	ssyncset.done $0x0  }
0x1e2: {  	[sflag:s12] =	ssyncadd.s32 $0xFFFFFFE0  }
0x1e3: {  	_ =	swait.ge [sflag:s12], $0x20  }
0x1e4: {  	[sflag:s12] =	ssyncset.done $0x0  }
0x1e5: {  	[sflag:s12] =	ssyncadd.s32 $0xFFFFFFE0  }
0x1e6: {  	_ =	swait.ge [sflag:s12], $0x20  }
0x1e7: {  	[sflag:s12] =	ssyncset.done $0x0  }
0x1e8: {  	[sflag:s12] =	ssyncadd.s32 $0xFFFFFFE0  }
.Ltmp1:
0x1e9: {  	_ =	swait.ge [sflag:s12], $0x20;
	(pc) =	sbr.rel @p0 .LBB2_4-.Ltmp1, $4  }
0x1ea: {  	[sflag:s12] =	ssyncset.done $0x0  }
0x1eb: {  	[sflag:s12] =	ssyncadd.s32 $0xFFFFFFE0  }
0x1ec: {  	_ =	swait.ge [sflag:s12], $0x20  }
0x1ed: {  	[sflag:s12] =	ssyncset.done $0x0  }
0x1ee: {  	[sflag:s12] =	ssyncadd.s32 $0xFFFFFFE0;
	s15 =	simm.s32 $0x800  }
0x1ef: {  	v2 =	vld [tilespmem:s15+$0x300]  }
0x1f0: {  	v3 =	vld [tilespmem:s15+$0x320]  }
0x1f1: {  	v5 =	vld [tilespmem:s15+$0x310]  }
0x1f2: {  	v6 =	vld [tilespmem:s15+$0x330]  }
0x1f3: {  	v0 =	vld [tilespmem:s15+$0x280]  }
0x1f4: {  	v7 =	vld [tilespmem:s15+$0x200]  }
0x1f5: {  	v8 =	vld [tilespmem:s15+$0x220]  }
0x1f6: {  	v9 =	vld [tilespmem:s15+$0x210]  }
0x1f7: {  	v10 =	vld [tilespmem:s15+$0x230]  }
0x1f8: {  	v11 =	vld [tilespmem:s15+$0x180]  }
0x1f9: {  	v12 =	vld [tilespmem:s15+$0x1A0]  }
0x1fa: {  	v13 =	vld [tilespmem:s15+$0x190]  }
0x1fb: {  	v14 =	vld [tilespmem:s15+$0x1B0]  }
0x1fc: {  	v1 =	vld [tilespmem:s15+$0x100]  }
0x1fd: {  	v15 =	vld [tilespmem:s15+$0x80]  }
0x1fe: {  	v16 =	vld [tilespmem:s15+$0xA0]  }
0x1ff: {  	v17 =	vld [tilespmem:s15+$0x90]  }
0x200: {  	v18 =	vld [tilespmem:s15+$0xB0]  }
0x201: {  	v19 =	vld [tilespmem:s15+$0x0]  }
0x202: {  	v20 =	vld [tilespmem:s15+$0x20]  }
0x203: {  	v21 =	vld [tilespmem:s15+$0x10]  }
0x204: {  	v22 =	vld [tilespmem:s15+$0x30]  }
0x205: {  	v4 =	vld [tilespmem:s15+$0xFFFFFF80]  }
0x206: {  	v23 =	vld [tilespmem:s15+$0xFFFFFF00]  }
0x207: {  	v24 =	vld [tilespmem:s15+$0xFFFFFF20];
	v2 =	vmul.f32 v3, v2;
	v3 =	vmul.f32 v6, v5  }
0x208: {  	v25 =	vld [tilespmem:s15+$0xFFFFFF10]  }
0x209: {  	v26 =	vld [tilespmem:s15+$0xFFFFFF30];
	v2 =	vadd.f32 v3, v2  }
0x20a: {  	v27 =	vld [tilespmem:s15+$0xFFFFFE80];
	v6 =	vmul.f32 v8, v7;
	v8 =	vmul.f32 v10, v9  }
0x20b: {  	v28 =	vld [tilespmem:s15+$0xFFFFFEA0];
	(xrf2) =	vadd.scan.msk.f32 $0xffff, v2  }
0x20c: {  	v29 =	vld [tilespmem:s15+$0xFFFFFE90];
	v9 =	vmul.f32 v14, v13;
	v3 =	vmul.f32 v12, v11;
	v6 =	vadd.f32 v8, v6  }
0x20d: {  	v5 =	vld [tilespmem:s15+$0xFFFFFEB0];
	v10 =	vmul.f32 v18, v17;
	v8 =	vmul.f32 v16, v15  }
0x20e: {  	v7 =	vld [tilespmem:s15+$0xFFFFFE00];
	v2 =	vadd.f32 v9, v3;
	(xrf2) =	vadd.scan.msk.f32 $0xffff, v6  }
0x20f: {  	v13 =	vld [tilespmem:s15+$0xFFFFFDA0];
	v6 =	vadd.f32 v10, v8  }
0x210: {  	v14 =	vld [tilespmem:s15+$0xFFFFFDB0];
	(xrf2) =	vadd.scan.msk.f32 $0xffff, v2  }
0x211: {  	v17 =	vld [tilespmem:s15+$0xFFFFFD10];
	v2 =	vmul.f32 v20, v19;
	(xrf2) =	vadd.scan.msk.f32 $0xffff, v6;
	v6 =	vmul.f32 v22, v21  }
0x212: {  	v18 =	vld [tilespmem:s15+$0xFFFFFD30]  }
0x213: {  	v3 =	vld [tilespmem:s15+$0xFFFFFD90];
	v6 =	vadd.f32 v6, v2  }
0x214: {  	v11 =	vld [tilespmem:s15+$0xFFFFFD80];
	v12 =	vmul.f32 v24, v23;
	v19 =	vmul.f32 v26, v25  }
0x215: {  	v15 =	vld [tilespmem:s15+$0xFFFFFD00];
	v2, _, _ =	vpop (xrf2);
	(xrf2) =	vadd.scan.msk.f32 $0xffff, v6  }
0x216: {  	v16 =	vld [tilespmem:s15+$0xFFFFFD20];
	v19 =	vadd.f32 v19, v12  }
0x217: {  	v62 =	vmul.f32 v28, v27;
	v9 =	vld [tilespmem:s15+$0xFFFFFC00];
	v5 =	vmul.f32 v5, v29  }
0x218: {  	v8 =	vld [tilespmem:s15+$0xFFFFFC20];
	v14 =	vmul.f32 v14, v3;
	v3, _, _ =	vpop (xrf2);
	(xrf2) =	vadd.scan.msk.f32 $0xffff, v19  }
0x219: {  	v10 =	vld [tilespmem:s15+$0xFFFFFC10];
	v6 =	vadd.f32 v5, v62  }
0x21a: {  	v63 =	vmul.f32 v13, v11;
	v11 =	vld [tilespmem:s15+$0xFFFFFC80]  }
0x21b: {  	v12 =	vld [tilespmem:s15+$0xFFFFFC30];
	v5, _, _ =	vpop (xrf2);
	(xrf2) =	vadd.scan.msk.f32 $0xffff, v6  }
0x21c: {  	v13 =	vld [tilespmem:s15+$0xFFFFFCA0];
	v19 =	vadd.f32 v14, v63  }
0x21d: {  	v17 =	vmul.f32 v18, v17;
	v16 =	vmul.f32 v16, v15;
	v15 =	vld [tilespmem:s15+$0xFFFFFCB0]  }
0x21e: {  	s16 =	simm.s32 $0x0;
	s17 =	simm.s32 $0x40;
	v14 =	vld [tilespmem:s15+$0xFFFFFC90];
	v6, _, _ =	vpop (xrf2);
	(xrf2) =	vadd.scan.msk.f32 $0xffff, v19  }
.LBB2_6:
0x21f: {  	p0 =	sne.s32 s17, $0x7C0;
	v19 =	vadd.f32 v17, v16;
	v17 =	vld [tilespmem:s15+$0xFFFFFE20];
	v18, _, _ =	vpop (xrf2)  }
0x220: {  	v8 =	vmul.f32 v8, v9;
	v9 =	vmul.f32 v12, v10;
	v10 =	vld [tilespmem:s15+$0xFFFFFE10]  }
0x221: {  	v12 =	vld [tilespmem:s15+$0xFFFFFE30];
	(xrf2) =	vadd.scan.msk.f32 $0xffff, v19  }
0x222: {  	v8 =	vadd.f32 v9, v8;
	v9 =	vld [tilespmem:s15+$0xFFFFFFA0];
	v16, _, _ =	vpop (xrf2)  }
0x223: {  	v11 =	vmul.f32 v13, v11;
	v19 =	vmul.f32 v15, v14;
	v14 =	vld [tilespmem:s15+$0xFFFFFF90]  }
0x224: {  	v15 =	vld [tilespmem:s15+$0xFFFFFFB0];
	(xrf2) =	vadd.scan.msk.f32 $0xffff, v8  }
0x225: {  	v8 =	vadd.f32 v19, v11;
	v11 =	vld [tilespmem:s15+$0x120];
	v13, _, _ =	vpop (xrf2)  }
0x226: {  	v7 =	vmul.f32 v17, v7;
	v19 =	vmul.f32 v12, v10;
	v12 =	vld [tilespmem:s15+$0x110]  }
0x227: {  	v17 =	vld [tilespmem:s15+$0x130];
	(xrf2) =	vadd.scan.msk.f32 $0xffff, v8  }
0x228: {  	v7 =	vadd.f32 v19, v7;
	v8 =	vld [tilespmem:s15+$0x2A0];
	v10, _, _ =	vpop (xrf2)  }
0x229: {  	v4 =	vmul.f32 v9, v4;
	v19 =	vmul.f32 v15, v14;
	v14 =	vld [tilespmem:s15+$0x290]  }
0x22a: {  	v15 =	vld [tilespmem:s15+$0x2B0];
	(xrf2) =	vadd.scan.msk.f32 $0xffff, v7  }
0x22b: {  	v4 =	vadd.f32 v19, v4;
	v7 =	vld [tilespmem:s15+$0x380];
	v9, _, _ =	vpop (xrf2)  }
0x22c: {  	v1 =	vmul.f32 v11, v1;
	v19 =	vmul.f32 v17, v12;
	v12 =	vld [tilespmem:s15+$0x3A0]  }
0x22d: {  	v17 =	vld [tilespmem:s15+$0x390];
	(xrf2) =	vadd.scan.msk.f32 $0xffff, v4  }
0x22e: {  	v1 =	vadd.f32 v19, v1;
	v4 =	vld [tilespmem:s15+$0x3B0];
	v11, _, _ =	vpop (xrf2)  }
0x22f: {  	v0 =	vmul.f32 v8, v0;
	v8 =	vmul.f32 v15, v14  }
0x230: {  	(xrf2) =	vadd.scan.msk.f32 $0xffff, v1  }
0x231: {  	v0 =	vadd.f32 v8, v0;
	v1 =	vmul.f32 v12, v7;
	v7, _, _ =	vpop (xrf2)  }
0x232: {  	v11 =	vbroadcast v11, $0xF;
	v7 =	vbroadcast v7, $0xF  }
0x233: {  	v9 =	vbroadcast v9, $0xF;
	v4 =	vmul.f32 v4, v17;
	(xrf2) =	vadd.scan.msk.f32 $0xffff, v0  }
0x234: {  	v0 =	vsel vm0, v11, v7;
	v7 =	vbroadcast v10, $0xF;
	v8, _, _ =	vpop (xrf2)  }
0x235: {  	v0 =	vsel vm1, v0, v9;
	v9 =	vbroadcast v8, $0xF;
	v1 =	vadd.f32 v4, v1  }
0x236: {  	v4 =	vbroadcast v13, $0xF;
	v0 =	vsel vm2, v0, v7  }
0x237: {  	v7 =	vbroadcast v16, $0xF;
	v0 =	vsel vm3, v0, v9;
	v8, _, _ =	vpop (xrf2);
	(xrf2) =	vadd.scan.msk.f32 $0xffff, v1  }
0x238: {  	v0 =	vsel vm4, v0, v4;
	v1 =	vbroadcast v8, $0xF  }
0x239: {  	v4 =	vbroadcast v18, $0xF;
	v0 =	vsel vm5, v0, v7  }
0x23a: {  	v0 =	vsel vm6, v0, v1;
	v1 =	vbroadcast v6, $0xF;
	v6, _, _ =	vpop (xrf2)  }
0x23b: {  	v0 =	vsel vm7, v0, v4;
	v6 =	vbroadcast v6, $0xF  }
0x23c: {  	v0 =	vsel vm8, v0, v1;
	v1 =	vbroadcast v5, $0xF  }
0x23d: {  	v3 =	vbroadcast v3, $0xF;
	v0 =	vsel vm9, v0, v6;
	v4, _, _ =	vpop (xrf2)  }
0x23e: {  	v0 =	vsel vm10, v0, v1;
	v4 =	vbroadcast v4, $0xF  }
0x23f: {  	v2 =	vbroadcast v2, $0xF;
	v0 =	vsel vm11, v0, v3  }
0x240: {  	v0 =	vsel vm12, v0, v4  }
0x241: {  	v0 =	vsel vm13, v0, v2;
	v1, _, _ =	vpop (xrf2)  }
0x242: {  	s0 =	sshra.s32 s16, $0x2;
	s16 =	smov.u32 s17;
	v0 =	vsel vm14, v0, v1  }
0x243: {  	s15 =	sadd.s32 $0x800, s15;
	[tilespmem:s0+$0x10400] =	vst v0  }
0x244: {  	v2 =	vld [tilespmem:s15+$0x300]  }
0x245: {  	v3 =	vld [tilespmem:s15+$0x320]  }
0x246: {  	v5 =	vld [tilespmem:s15+$0x310]  }
0x247: {  	v6 =	vld [tilespmem:s15+$0x330]  }
0x248: {  	v0 =	vld [tilespmem:s15+$0x280]  }
0x249: {  	v7 =	vld [tilespmem:s15+$0x200]  }
0x24a: {  	v8 =	vld [tilespmem:s15+$0x220]  }
0x24b: {  	v9 =	vld [tilespmem:s15+$0x210]  }
0x24c: {  	v10 =	vld [tilespmem:s15+$0x230]  }
0x24d: {  	v11 =	vld [tilespmem:s15+$0x180]  }
0x24e: {  	v12 =	vld [tilespmem:s15+$0x1A0]  }
0x24f: {  	v13 =	vld [tilespmem:s15+$0x190]  }
0x250: {  	v14 =	vld [tilespmem:s15+$0x1B0]  }
0x251: {  	v1 =	vld [tilespmem:s15+$0x100]  }
0x252: {  	v15 =	vld [tilespmem:s15+$0x80]  }
0x253: {  	v16 =	vld [tilespmem:s15+$0xA0]  }
0x254: {  	v17 =	vld [tilespmem:s15+$0x90]  }
0x255: {  	v18 =	vld [tilespmem:s15+$0xB0]  }
0x256: {  	v19 =	vld [tilespmem:s15+$0x0]  }
0x257: {  	v20 =	vld [tilespmem:s15+$0x20]  }
0x258: {  	v21 =	vld [tilespmem:s15+$0x10]  }
0x259: {  	v22 =	vld [tilespmem:s15+$0x30]  }
0x25a: {  	v2 =	vmul.f32 v3, v2;
	v3 =	vmul.f32 v6, v5;
	v4 =	vld [tilespmem:s15+$0xFFFFFF80]  }
0x25b: {  	v5 =	vld [tilespmem:s15+$0xFFFFFF00]  }
0x25c: {  	v2 =	vadd.f32 v3, v2;
	v6 =	vld [tilespmem:s15+$0xFFFFFF20]  }
0x25d: {  	v7 =	vmul.f32 v8, v7;
	v8 =	vmul.f32 v10, v9;
	v3 =	vld [tilespmem:s15+$0xFFFFFF10]  }
0x25e: {  	v9 =	vld [tilespmem:s15+$0xFFFFFF30];
	(xrf2) =	vadd.scan.msk.f32 $0xffff, v2  }
0x25f: {  	v2 =	vadd.f32 v8, v7;
	v10 =	vld [tilespmem:s15+$0xFFFFFE80]  }
0x260: {  	v7 =	vmul.f32 v12, v11;
	v8 =	vmul.f32 v14, v13;
	v23 =	vld [tilespmem:s15+$0xFFFFFEA0]  }
0x261: {  	v11 =	vld [tilespmem:s15+$0xFFFFFE90];
	(xrf2) =	vadd.scan.msk.f32 $0xffff, v2  }
0x262: {  	v2 =	vadd.f32 v8, v7;
	v12 =	vld [tilespmem:s15+$0xFFFFFEB0]  }
0x263: {  	v13 =	vmul.f32 v18, v17;
	v8 =	vmul.f32 v16, v15;
	v7 =	vld [tilespmem:s15+$0xFFFFFE00]  }
0x264: {  	v14 =	vld [tilespmem:s15+$0xFFFFFD80];
	(xrf2) =	vadd.scan.msk.f32 $0xffff, v2  }
0x265: {  	v24 =	vadd.f32 v13, v8;
	v15 =	vld [tilespmem:s15+$0xFFFFFDA0]  }
0x266: {  	v16 =	vmul.f32 v22, v21;
	v8 =	vmul.f32 v20, v19;
	v13 =	vld [tilespmem:s15+$0xFFFFFD90]  }
0x267: {  	v17 =	vld [tilespmem:s15+$0xFFFFFDB0];
	(xrf2) =	vadd.scan.msk.f32 $0xffff, v24  }
0x268: {  	v8 =	vadd.f32 v16, v8;
	v18 =	vld [tilespmem:s15+$0xFFFFFD00];
	v2, _, _ =	vpop (xrf2)  }
0x269: {  	v5 =	vmul.f32 v6, v5;
	v6 =	vmul.f32 v9, v3;
	v16 =	vld [tilespmem:s15+$0xFFFFFD20]  }
0x26a: {  	v19 =	vld [tilespmem:s15+$0xFFFFFD10];
	(xrf2) =	vadd.scan.msk.f32 $0xffff, v8  }
0x26b: {  	v21 =	vadd.f32 v6, v5;
	v20 =	vld [tilespmem:s15+$0xFFFFFD30];
	v3, _, _ =	vpop (xrf2)  }
0x26c: {  	v6 =	vmul.f32 v23, v10;
	v11 =	vmul.f32 v12, v11;
	v8 =	vld [tilespmem:s15+$0xFFFFFC20]  }
0x26d: {  	v9 =	vld [tilespmem:s15+$0xFFFFFC00];
	(xrf2) =	vadd.scan.msk.f32 $0xffff, v21  }
0x26e: {  	v22 =	vadd.f32 v11, v6;
	v10 =	vld [tilespmem:s15+$0xFFFFFC10];
	v5, _, _ =	vpop (xrf2)  }
.Ltmp2:
0x26f: {  	v14 =	vmul.f32 v15, v14;
	v15 =	vmul.f32 v17, v13;
	v12 =	vld [tilespmem:s15+$0xFFFFFC30];
	(pc) =	sbr.rel @p0 .LBB2_6-.Ltmp2, $4  }
0x270: {  	v11 =	vld [tilespmem:s15+$0xFFFFFC80];
	(xrf2) =	vadd.scan.msk.f32 $0xffff, v22  }
0x271: {  	v21 =	vadd.f32 v15, v14;
	v13 =	vld [tilespmem:s15+$0xFFFFFCA0];
	v6, _, _ =	vpop (xrf2)  }
0x272: {  	v16 =	vmul.f32 v16, v18;
	v17 =	vmul.f32 v20, v19;
	v14 =	vld [tilespmem:s15+$0xFFFFFC90]  }
0x273: {  	s17 =	sadd.s32 $0x40, s17;
	v15 =	vld [tilespmem:s15+$0xFFFFFCB0];
	(xrf2) =	vadd.scan.msk.f32 $0xffff, v21  }
0x274: {  	v18 =	vld [tilespmem:s15+$0xFFFFFE20]  }
0x275: {  	v19 =	vld [tilespmem:s15+$0xFFFFFE10]  }
0x276: {  	v20 =	vld [tilespmem:s15+$0xFFFFFE30]  }
0x277: {  	v8 =	vmul.f32 v8, v9;
	v63 =	vmul.f32 v12, v10;
	v21 =	vld [tilespmem:s15+$0xFFFFFFA0]  }
0x278: {  	v22 =	vadd.f32 v17, v16;
	v24 =	vld [tilespmem:s15+$0xFFFFFF90];
	v11 =	vmul.f32 v13, v11;
	v23 =	vmul.f32 v15, v14  }
0x279: {  	v25 =	vld [tilespmem:s15+$0xFFFFFFB0];
	v8 =	vadd.f32 v63, v8  }
0x27a: {  	v26 =	vld [tilespmem:s15+$0x120];
	(xrf2) =	vadd.scan.msk.f32 $0xffff, v22;
	v11 =	vadd.f32 v23, v11  }
0x27b: {  	v28 =	vld [tilespmem:s15+$0x110];
	(xrf2) =	vadd.scan.msk.f32 $0xffff, v8;
	v7 =	vmul.f32 v18, v7;
	v27 =	vmul.f32 v20, v19  }
0x27c: {  	v29 =	vld [tilespmem:s15+$0x130];
	(xrf2) =	vadd.scan.msk.f32 $0xffff, v11  }
0x27d: {  	v30 =	vld [tilespmem:s15+$0x2A0];
	v7 =	vadd.f32 v27, v7  }
0x27e: {  	v31 =	vld [tilespmem:s15+$0x290];
	v4 =	vmul.f32 v21, v4;
	v9 =	vmul.f32 v25, v24  }
0x27f: {  	v32 =	vld [tilespmem:s15+$0x2B0];
	(xrf2) =	vadd.scan.msk.f32 $0xffff, v7  }
0x280: {  	v33, _, _ =	vpop (xrf2);
	v34 =	vld [tilespmem:s15+$0x380];
	v4 =	vadd.f32 v9, v4  }
0x281: {  	v37 =	vld [tilespmem:s15+$0x3A0];
	v35, _, _ =	vpop (xrf2);
	v1 =	vmul.f32 v26, v1;
	v36 =	vmul.f32 v29, v28  }
0x282: {  	v39 =	vld [tilespmem:s15+$0x390];
	v38, _, _ =	vpop (xrf2);
	(xrf2) =	vadd.scan.msk.f32 $0xffff, v4  }
0x283: {  	v41 =	vld [tilespmem:s15+$0x3B0];
	v1 =	vadd.f32 v36, v1;
	v40, _, _ =	vpop (xrf2)  }
0x284: {  	v0 =	vmul.f32 v30, v0;
	v43 =	vmul.f32 v32, v31;
	v42, _, _ =	vpop (xrf2)  }
0x285: {  	(xrf2) =	vadd.scan.msk.f32 $0xffff, v1;
	v44, _, _ =	vpop (xrf2)  }
0x286: {  	v45 =	vmul.f32 v37, v34;
	v0 =	vadd.f32 v43, v0;
	v46, _, _ =	vpop (xrf2)  }
0x287: {  	v47 =	vbroadcast v44, $0xF;
	v8 =	vbroadcast v46, $0xF  }
0x288: {  	v49 =	vmul.f32 v41, v39;
	(xrf2) =	vadd.scan.msk.f32 $0xffff, v0;
	v48 =	vbroadcast v42, $0xF  }
0x289: {  	v4 =	vbroadcast v40, $0xF;
	v51, _, _ =	vpop (xrf2);
	v50 =	vsel vm0, v47, v8  }
0x28a: {  	v1 =	vadd.f32 v49, v45;
	v8 =	vbroadcast v51, $0xF;
	v0 =	vsel vm1, v50, v48  }
0x28b: {  	v52 =	vbroadcast v38, $0xF;
	v0 =	vsel vm2, v0, v4  }
0x28c: {  	v53 =	vbroadcast v35, $0xF;
	v54, _, _ =	vpop (xrf2);
	(xrf2) =	vadd.scan.msk.f32 $0xffff, v1;
	v0 =	vsel vm3, v0, v8  }
0x28d: {  	v55 =	vbroadcast v54, $0xF;
	v0 =	vsel vm4, v0, v52  }
0x28e: {  	v56 =	vbroadcast v33, $0xF;
	v0 =	vsel vm5, v0, v53  }
0x28f: {  	v57 =	vbroadcast v6, $0xF;
	v58, _, _ =	vpop (xrf2);
	v0 =	vsel vm6, v0, v55  }
0x290: {  	v59 =	vbroadcast v58, $0xF;
	v0 =	vsel vm7, v0, v56  }
0x291: {  	v60 =	vbroadcast v5, $0xF;
	v0 =	vsel vm8, v0, v57  }
0x292: {  	v3 =	vbroadcast v3, $0xF;
	v61, _, _ =	vpop (xrf2);
	v0 =	vsel vm9, v0, v59  }
0x293: {  	v62 =	vbroadcast v61, $0xF;
	v0 =	vsel vm10, v0, v60  }
0x294: {  	v2 =	vbroadcast v2, $0xF;
	v0 =	vsel vm11, v0, v3  }
0x295: {  	v0 =	vsel vm12, v0, v62  }
0x296: {  	s14 =	sadd.s32 $0x1, s14;
	v63, _, _ =	vpop (xrf2);
	v0 =	vsel vm13, v0, v2  }
0x297: {  	s0 =	sshra.s32 s16, $0x2;
	p0 =	sne.s32 s14, s8;
	v0 =	vsel vm14, v0, v63  }
.Ltmp3:
0x298: {  	s31 =	rddreg [dreg:$0x5];
	s1 =	simm.s32 $0x10400;
	[tilespmem:s0+$0x10400] =	vst v0;
	(pc) =	sbr.rel @p0 .LBB2_1-.Ltmp3, $4  }
0x299: {  	[hbm4b:s31+s2] =	stream.linear.scatter [tilespmem:s1], [sflag:$0x2], $0x200, $0x38;
	[tilespmem:$0x10600] =	vst v63  }
0x29a: {  	_ =	swait.ge [sflag:s9], $0x200  }
0x29b: {  	[sflag:s9] =	ssyncset.done $0x0  }
0x29c: {  	[sflag:s9] =	ssyncadd.s32 $0xFFFFFE00  }
0x29d: {  	_ =	sfence.sel $0x180000  }
0x29e: {  	[bflag:$0x0] =	sbarrier.arrive $0xFFFF  }
0x29f: {  	_ =	strace $0x90000047  }
0x2a0: {  	s0 =	stileid.u32;
	[bflag:$0x2] =	sbarrier.arrive $0xFFFF  }
0x2a1: {  	p0 =	sne.s32 s0, $0x0;
	s0 =	rddreg [dreg:$0x2]  }
0x2a2: {  	s0 =	sadd.s32 @!p0 $0x100000, s0  }
0x2a3: {  	[sflag:s0] =	ssyncadd.tile.s32 @!p0 $0x1;
	_ =	shalt  }
.Lfunc_end2:
_tile_overlayer_lowered:
.L_overlay_start_2:
0x2a4: {  	(tag) =	ssettag $0x2  }
0x2a5: {  	s0 =	rddreg [dreg:$0x0];
	s2 =	stileid.u32  }
0x2a6: {  	s1 =	rddreg [dreg:$0x1];
	p0 =	sne.s32 s2, $0x0  }
0x2a7: {  	s3 =	rddreg [dreg:$0x2];
	[bflag:$0x3] =	sbarrier.arrive $0xFFFF;
	s2 =	simm.s32 @!p0 $0x1C02  }
0x2a8: {  	[timem:s3], [sflag:s2] =	dma.local @!p0 [hbm:s0], s1  }
0x2a9: {  	s0 =	simm.s32 @!p0 $0x2  }
0x2aa: {  	_ =	swait.ge @!p0 [sflag:s0], s1  }
0x2ab: {  	s1 =	ssub.s32 @!p0 $0x0, s1;
	[sflag:s0] =	ssyncset.done @!p0 $0x0  }
0x2ac: {  	[sflag:s0] =	ssyncadd.s32 @!p0 s1  }
0x2ad: {  	[bflag:$0x3] =	sbarrier.arrive $0xFFFF  }
0x2ae: {  	_ =	shalt  }

</sc_bundles>
